<compile_context>
chip_gen: v7x
topology: tpu7x:2x2x1
jax: 0.10.2.dev20260603
libtpu: 0.0.44.dev20260713+nightly
codegen_flags: <defaults>
</compile_context>

<pallas_src>
import functools

import jax
import jax.numpy as jnp
from jax import lax
from jax.experimental import pallas as pl
from jax.experimental.pallas import tpu as pltpu
from jax.experimental.pallas import tpu_sc as plsc

_NUM_EMBEDDINGS = 100001
_EMBED_DIM = 96
_BATCH = 16384
_CHUNK = 4096
_TAIL0 = 99968


@functools.lru_cache(maxsize=None)
def _build_sc_gather():
    info = plsc.get_sparse_core_info()
    nc, ns = info.num_cores, info.num_subcores
    nw = nc * ns
    rows_per_w = _EMBED_DIM // nw
    assert _EMBED_DIM % nw == 0 and _BATCH % _CHUNK == 0

    mesh = plsc.VectorSubcoreMesh(core_axis_name="c", subcore_axis_name="s")

    @functools.partial(
        pl.kernel,
        mesh=mesh,
        out_type=jax.ShapeDtypeStruct((_EMBED_DIM, _BATCH), jnp.float32),
        scratch_types=[
            pltpu.VMEM((_BATCH,), jnp.int32),
            pltpu.VMEM((1, 100096), jnp.float32),
            pltpu.VMEM((2, _CHUNK), jnp.float32),
            pltpu.SemaphoreType.DMA,
            pltpu.SemaphoreType.DMA,
            pltpu.SemaphoreType.DMA,
        ],
        compiler_params=pltpu.CompilerParams(needs_layout_passes=False),
    )
    def gather_kernel(idx_hbm, tab_t_hbm, tail_t_hbm, out_hbm, idx_v, row_v,
                      stage_v, row_sem, idx_sem, out_sem):
        wid = lax.axis_index("s") * nc + lax.axis_index("c")
        zero_v = jnp.zeros((16,), jnp.int32)
        subs = ((0, 25088), (25088, 25088), (50176, 25088), (75264, 24704))

        def start_row(c):
            for o, n in subs:
                pltpu.make_async_copy(
                    tab_t_hbm.at[pl.ds(c, 1), pl.ds(o, n)],
                    row_v.at[:, pl.ds(o, n)], row_sem).start()
            pltpu.make_async_copy(
                tail_t_hbm.at[pl.ds(c, 1), :],
                row_v.at[:, pl.ds(_TAIL0, 128)], row_sem).start()

        def wait_row():
            pltpu.make_async_copy(
                tab_t_hbm.at[pl.ds(0, 1), pl.ds(0, _TAIL0 + 128)],
                row_v, row_sem).wait()

        c0 = wid * rows_per_w
        start_row(c0)
        pltpu.async_copy(idx_hbm, idx_v, idx_sem).wait()

        for k in range(rows_per_w):
            c = c0 + k
            wait_row()

            for h in range(_BATCH // _CHUNK):
                buf = h % 2
                if h >= 2:
                    pltpu.make_async_copy(
                        stage_v.at[buf], out_hbm.at[c, pl.ds(0, _CHUNK)],
                        out_sem,
                    ).wait()

                def gather_group(i, carry, h=h, buf=buf):
                    vecs = [
                        idx_v[pl.ds(h * _CHUNK + (i * 8 + j) * 16, 16)]
                        for j in range(8)
                    ]
                    gs = [plsc.load_gather(row_v, [zero_v, v]) for v in vecs]
                    for j, g in enumerate(gs):
                        stage_v[buf, pl.ds((i * 8 + j) * 16, 16)] = g
                    return carry

                lax.fori_loop(0, _CHUNK // 128, gather_group, 0, unroll=1)
                pltpu.make_async_copy(
                    stage_v.at[buf],
                    out_hbm.at[c, pl.ds(h * _CHUNK, _CHUNK)],
                    out_sem,
                ).start()

            if k + 1 < rows_per_w:
                start_row(c + 1)

            for _ in range(2):
                pltpu.make_async_copy(
                    stage_v.at[0], out_hbm.at[c, pl.ds(0, _CHUNK)], out_sem
                ).wait()

    return gather_kernel


@jax.jit
def kernel(viewer_indices, embedding_table):
    gather = _build_sc_gather()
    tail = jnp.pad(
        embedding_table[_TAIL0:],
        ((0, 128 - (_NUM_EMBEDDINGS - _TAIL0)), (0, 0)),
    )
    out_t = gather(viewer_indices.astype(jnp.int32), embedding_table.T,
                   tail.T)
    return out_t.T

# --- scband reference (transcript-rebuilt; emitter-appended) ---
"""Pipeline reference for scband-user-model-9251359555947 (READ-ONLY COPY).

The authoritative reference and input builder live on the scoring server;
editing this copy changes nothing except your own understanding.
"""

import jax, jax.numpy as jnp
import numpy as np

NUM_EMBEDDINGS = 100001  # len(unique_user_ids) + 1
EMBED_DIM = 96
BATCH = 16384

def setup_inputs(seed: int = 0) -> dict:
    key = jax.random.key(seed)
    k_idx, k_tab = jax.random.split(key)
    viewer_indices = jax.random.randint(k_idx, (BATCH,), 0, NUM_EMBEDDINGS, dtype=jnp.int64) if jax.config.jax_enable_x64 else jax.random.randint(k_idx, (BATCH,), 0, NUM_EMBEDDINGS, dtype=jnp.int32)
    embedding_table = jax.random.normal(k_tab, (NUM_EMBEDDINGS, EMBED_DIM), dtype=jnp.float32) * 0.05
    return {"viewer_indices": viewer_indices, "embedding_table": embedding_table}

def reference(viewer_indices, embedding_table):
    # StringLookup is modeled as precomputed integer indices into the vocab.
    # Embedding lookup: table[idx]
    viewer_emb = jnp.take(embedding_table, viewer_indices, axis=0)
    # tf.concat([viewer_embedding(inputs['viewer'])], axis=1) is a no-op concat of one tensor
    out = jnp.concatenate([viewer_emb], axis=1)
    return out

if __name__ == "__main__":
    import jax
    _d = setup_inputs()
    print(jax.jit(kernel)(*tuple(_d.values())))

</pallas_src>

<mosaic_0001>
#map = affine_map<(d0, d1) -> (0)>
#map1 = affine_map<(d0, d1) -> (0, 0)>
module attributes {stable_mosaic.version = 14 : i64} {
  func.func @gather_kernel(%arg0: i32, %arg1: i32, %arg2: memref<16384xi32, #tpu.memory_space<hbm>>, %arg3: memref<96x100001xf32, #tpu.memory_space<hbm>>, %arg4: memref<96x128xf32, #tpu.memory_space<hbm>>, %arg5: memref<96x16384xf32, #tpu.memory_space<hbm>>, %arg6: memref<16384xi32, #tpu.memory_space<vmem>>, %arg7: memref<1x100096xf32, #tpu.memory_space<vmem>>, %arg8: memref<2x4096xf32, #tpu.memory_space<vmem>>, %arg9: memref<!tpu.dma_semaphore, #tpu.memory_space<semaphore_mem>>, %arg10: memref<!tpu.dma_semaphore, #tpu.memory_space<semaphore_mem>>, %arg11: memref<!tpu.dma_semaphore, #tpu.memory_space<semaphore_mem>>) attributes {dimension_semantics = [#tpu.dimension_semantics<core_parallel>, #tpu.dimension_semantics<subcore_parallel>], iteration_bounds = array<i64: 2, 16>, scalar_prefetch = 0 : i64, scratch_operands = 6 : i64, tpu.core_type = #tpu.core_type<sc_vector_subcore>, window_params = [{transform_indices = #map}, {transform_indices = #map1}, {transform_indices = #map1}, {transform_indices = #map1}]} {
    %mul3A = arith.constant 2 : i32
    %mul3A_0 = arith.muli %arg1, %mul3A : i32
    %add3A = arith.addi %mul3A_0, %arg0 : i32
    %broadcast_in_dim3A = arith.constant 0 : i32
    %broadcast_in_dim3A_1 = vector.broadcast %broadcast_in_dim3A : i32 to vector<16xi32>
    %mul3A_2 = arith.constant 3 : i32
    %mul3A_3 = arith.muli %add3A, %mul3A_2 : i32
    %dma_start3A = arith.constant 0 : i32
    %dma_start3A_4 = arith.constant 0 : i32
    %dma_start3A_5 = tpu.memref_slice %arg7[%dma_start3A, %dma_start3A_4] : memref<1x100096xf32, #tpu.memory_space<vmem>> -> memref<1x25088xf32, #tpu.memory_space<vmem>>
    %dma_start3A_6 = arith.constant 0 : i32
    %dma_start3A_7 = tpu.memref_slice %arg3[%mul3A_3, %dma_start3A_6] : memref<96x100001xf32, #tpu.memory_space<hbm>> -> memref<1x25088xf32, #tpu.memory_space<hbm>>
    %dma_start3A_8 = arith.constant 0 : i32
    %dma_start3A_9 = arith.constant 0 : i32
    %dma_start3A_10 = tpu.memref_slice %arg7[%dma_start3A_8, %dma_start3A_9] : memref<1x100096xf32, #tpu.memory_space<vmem>> -> memref<1x25088xf32, #tpu.memory_space<vmem>>
    %dma_start3A_11 = arith.constant 0 : i32
    %dma_start3A_12 = tpu.memref_slice %arg3[%mul3A_3, %dma_start3A_11] : memref<96x100001xf32, #tpu.memory_space<hbm>> -> memref<1x25088xf32, #tpu.memory_space<hbm>>
    tpu.enqueue_dma source(%dma_start3A_12 : memref<1x25088xf32, #tpu.memory_space<hbm>>) target(%dma_start3A_10 : memref<1x25088xf32, #tpu.memory_space<vmem>>) target_semaphore(%arg9 : memref<!tpu.dma_semaphore, #tpu.memory_space<semaphore_mem>>)
    %dma_start3A_13 = arith.constant 0 : i32
    %dma_start3A_14 = arith.constant 25088 : i32
    %dma_start3A_15 = tpu.memref_slice %arg7[%dma_start3A_13, %dma_start3A_14] : memref<1x100096xf32, #tpu.memory_space<vmem>> -> memref<1x25088xf32, #tpu.memory_space<vmem>>
    %dma_start3A_16 = arith.constant 25088 : i32
    %dma_start3A_17 = tpu.memref_slice %arg3[%mul3A_3, %dma_start3A_16] : memref<96x100001xf32, #tpu.memory_space<hbm>> -> memref<1x25088xf32, #tpu.memory_space<hbm>>
    %dma_start3A_18 = arith.constant 0 : i32
    %dma_start3A_19 = arith.constant 25088 : i32
    %dma_start3A_20 = tpu.memref_slice %arg7[%dma_start3A_18, %dma_start3A_19] : memref<1x100096xf32, #tpu.memory_space<vmem>> -> memref<1x25088xf32, #tpu.memory_space<vmem>>
    %dma_start3A_21 = arith.constant 25088 : i32
    %dma_start3A_22 = tpu.memref_slice %arg3[%mul3A_3, %dma_start3A_21] : memref<96x100001xf32, #tpu.memory_space<hbm>> -> memref<1x25088xf32, #tpu.memory_space<hbm>>
    tpu.enqueue_dma source(%dma_start3A_22 : memref<1x25088xf32, #tpu.memory_space<hbm>>) target(%dma_start3A_20 : memref<1x25088xf32, #tpu.memory_space<vmem>>) target_semaphore(%arg9 : memref<!tpu.dma_semaphore, #tpu.memory_space<semaphore_mem>>)
    %dma_start3A_23 = arith.constant 0 : i32
    %dma_start3A_24 = arith.constant 50176 : i32
    %dma_start3A_25 = tpu.memref_slice %arg7[%dma_start3A_23, %dma_start3A_24] : memref<1x100096xf32, #tpu.memory_space<vmem>> -> memref<1x25088xf32, #tpu.memory_space<vmem>>
    %dma_start3A_26 = arith.constant 50176 : i32
    %dma_start3A_27 = tpu.memref_slice %arg3[%mul3A_3, %dma_start3A_26] : memref<96x100001xf32, #tpu.memory_space<hbm>> -> memref<1x25088xf32, #tpu.memory_space<hbm>>
    %dma_start3A_28 = arith.constant 0 : i32
    %dma_start3A_29 = arith.constant 50176 : i32
    %dma_start3A_30 = tpu.memref_slice %arg7[%dma_start3A_28, %dma_start3A_29] : memref<1x100096xf32, #tpu.memory_space<vmem>> -> memref<1x25088xf32, #tpu.memory_space<vmem>>
    %dma_start3A_31 = arith.constant 50176 : i32
    %dma_start3A_32 = tpu.memref_slice %arg3[%mul3A_3, %dma_start3A_31] : memref<96x100001xf32, #tpu.memory_space<hbm>> -> memref<1x25088xf32, #tpu.memory_space<hbm>>
    tpu.enqueue_dma source(%dma_start3A_32 : memref<1x25088xf32, #tpu.memory_space<hbm>>) target(%dma_start3A_30 : memref<1x25088xf32, #tpu.memory_space<vmem>>) target_semaphore(%arg9 : memref<!tpu.dma_semaphore, #tpu.memory_space<semaphore_mem>>)
    %dma_start3A_33 = arith.constant 0 : i32
    %dma_start3A_34 = arith.constant 75264 : i32
    %dma_start3A_35 = tpu.memref_slice %arg7[%dma_start3A_33, %dma_start3A_34] : memref<1x100096xf32, #tpu.memory_space<vmem>> -> memref<1x24704xf32, #tpu.memory_space<vmem>>
    %dma_start3A_36 = arith.constant 75264 : i32
    %dma_start3A_37 = tpu.memref_slice %arg3[%mul3A_3, %dma_start3A_36] : memref<96x100001xf32, #tpu.memory_space<hbm>> -> memref<1x24704xf32, #tpu.memory_space<hbm>>
    %dma_start3A_38 = arith.constant 0 : i32
    %dma_start3A_39 = arith.constant 75264 : i32
    %dma_start3A_40 = tpu.memref_slice %arg7[%dma_start3A_38, %dma_start3A_39] : memref<1x100096xf32, #tpu.memory_space<vmem>> -> memref<1x24704xf32, #tpu.memory_space<vmem>>
    %dma_start3A_41 = arith.constant 75264 : i32
    %dma_start3A_42 = tpu.memref_slice %arg3[%mul3A_3, %dma_start3A_41] : memref<96x100001xf32, #tpu.memory_space<hbm>> -> memref<1x24704xf32, #tpu.memory_space<hbm>>
    tpu.enqueue_dma source(%dma_start3A_42 : memref<1x24704xf32, #tpu.memory_space<hbm>>) target(%dma_start3A_40 : memref<1x24704xf32, #tpu.memory_space<vmem>>) target_semaphore(%arg9 : memref<!tpu.dma_semaphore, #tpu.memory_space<semaphore_mem>>)
    %dma_start3A_43 = arith.constant 0 : i32
    %dma_start3A_44 = arith.constant 99968 : i32
    %dma_start3A_45 = tpu.memref_slice %arg7[%dma_start3A_43, %dma_start3A_44] : memref<1x100096xf32, #tpu.memory_space<vmem>> -> memref<1x128xf32, #tpu.memory_space<vmem>>
    %dma_start3A_46 = arith.constant 0 : i32
    %dma_start3A_47 = tpu.memref_slice %arg4[%mul3A_3, %dma_start3A_46] : memref<96x128xf32, #tpu.memory_space<hbm>> -> memref<1x128xf32, #tpu.memory_space<hbm>>
    %dma_start3A_48 = arith.constant 0 : i32
    %dma_start3A_49 = arith.constant 99968 : i32
    %dma_start3A_50 = tpu.memref_slice %arg7[%dma_start3A_48, %dma_start3A_49] : memref<1x100096xf32, #tpu.memory_space<vmem>> -> memref<1x128xf32, #tpu.memory_space<vmem>>
    %dma_start3A_51 = arith.constant 0 : i32
    %dma_start3A_52 = tpu.memref_slice %arg4[%mul3A_3, %dma_start3A_51] : memref<96x128xf32, #tpu.memory_space<hbm>> -> memref<1x128xf32, #tpu.memory_space<hbm>>
    tpu.enqueue_dma source(%dma_start3A_52 : memref<1x128xf32, #tpu.memory_space<hbm>>) target(%dma_start3A_50 : memref<1x128xf32, #tpu.memory_space<vmem>>) target_semaphore(%arg9 : memref<!tpu.dma_semaphore, #tpu.memory_space<semaphore_mem>>)
    tpu.enqueue_dma source(%arg2 : memref<16384xi32, #tpu.memory_space<hbm>>) target(%arg6 : memref<16384xi32, #tpu.memory_space<vmem>>) target_semaphore(%arg10 : memref<!tpu.dma_semaphore, #tpu.memory_space<semaphore_mem>>)
    tpu.wait_dma2 semaphore(%arg10 : memref<!tpu.dma_semaphore, #tpu.memory_space<semaphore_mem>>) src(%arg2 : memref<16384xi32, #tpu.memory_space<hbm>>) dst(%arg6 : memref<16384xi32, #tpu.memory_space<vmem>>)
    %add3A_53 = arith.constant 0 : i32
    %add3A_54 = arith.addi %mul3A_3, %add3A_53 : i32
    %dma_wait3A = arith.constant 0 : i32
    %dma_wait3A_55 = arith.constant 0 : i32
    %dma_wait3A_56 = tpu.memref_slice %arg3[%dma_wait3A, %dma_wait3A_55] : memref<96x100001xf32, #tpu.memory_space<hbm>> -> memref<1x100096xf32, #tpu.memory_space<hbm>>
    %dma_wait3A_57 = arith.constant 0 : i32
    %dma_wait3A_58 = arith.constant 0 : i32
    %dma_wait3A_59 = tpu.memref_slice %arg3[%dma_wait3A_57, %dma_wait3A_58] : memref<96x100001xf32, #tpu.memory_space<hbm>> -> memref<1x100096xf32, #tpu.memory_space<hbm>>
    tpu.wait_dma2 semaphore(%arg9 : memref<!tpu.dma_semaphore, #tpu.memory_space<semaphore_mem>>) src(%dma_wait3A_59 : memref<1x100096xf32, #tpu.memory_space<hbm>>) dst(%arg7 : memref<1x100096xf32, #tpu.memory_space<vmem>>)
    %scan3A = arith.constant 0 : i32
    %scan3A_60 = arith.constant 0 : i32
    %scan3A_61 = arith.constant 32 : i32
    %scan3A_62 = arith.addi %scan3A_60, %scan3A_61 : i32
    %scan3A_63 = arith.constant 1 : i32
    scf.for %scan3A_563 = %scan3A_60 to %scan3A_62 step %scan3A_63  : i32 {
      %mul3A_564 = arith.constant 8 : i32
      %mul3A_565 = arith.muli %scan3A_563, %mul3A_564 : i32
      %add3A_566 = arith.constant 0 : i32
      %add3A_567 = arith.addi %mul3A_565, %add3A_566 : i32
      %mul3A_568 = arith.constant 16 : i32
      %mul3A_569 = arith.muli %add3A_567, %mul3A_568 : i32
      %add3A_570 = arith.constant 0 : i32
      %add3A_571 = arith.addi %add3A_570, %mul3A_569 : i32
      %get3A = arith.index_cast %add3A_571 : i32 to index
      %get3A_572 = tpu.vector_load %arg6[%get3A] {strides = array<i32>} : memref<16384xi32, #tpu.memory_space<vmem>>, vector<16xi32>,
      %mul3A_573 = arith.constant 8 : i32
      %mul3A_574 = arith.muli %scan3A_563, %mul3A_573 : i32
      %add3A_575 = arith.constant 1 : i32
      %add3A_576 = arith.addi %mul3A_574, %add3A_575 : i32
      %mul3A_577 = arith.constant 16 : i32
      %mul3A_578 = arith.muli %add3A_576, %mul3A_577 : i32
      %add3A_579 = arith.constant 0 : i32
      %add3A_580 = arith.addi %add3A_579, %mul3A_578 : i32
      %get3A_581 = arith.index_cast %add3A_580 : i32 to index
      %get3A_582 = tpu.vector_load %arg6[%get3A_581] {strides = array<i32>} : memref<16384xi32, #tpu.memory_space<vmem>>, vector<16xi32>,
      %mul3A_583 = arith.constant 8 : i32
      %mul3A_584 = arith.muli %scan3A_563, %mul3A_583 : i32
      %add3A_585 = arith.constant 2 : i32
      %add3A_586 = arith.addi %mul3A_584, %add3A_585 : i32
      %mul3A_587 = arith.constant 16 : i32
      %mul3A_588 = arith.muli %add3A_586, %mul3A_587 : i32
      %add3A_589 = arith.constant 0 : i32
      %add3A_590 = arith.addi %add3A_589, %mul3A_588 : i32
      %get3A_591 = arith.index_cast %add3A_590 : i32 to index
      %get3A_592 = tpu.vector_load %arg6[%get3A_591] {strides = array<i32>} : memref<16384xi32, #tpu.memory_space<vmem>>, vector<16xi32>,
      %mul3A_593 = arith.constant 8 : i32
      %mul3A_594 = arith.muli %scan3A_563, %mul3A_593 : i32
      %add3A_595 = arith.constant 3 : i32
      %add3A_596 = arith.addi %mul3A_594, %add3A_595 : i32
      %mul3A_597 = arith.constant 16 : i32
      %mul3A_598 = arith.muli %add3A_596, %mul3A_597 : i32
      %add3A_599 = arith.constant 0 : i32
      %add3A_600 = arith.addi %add3A_599, %mul3A_598 : i32
      %get3A_601 = arith.index_cast %add3A_600 : i32 to index
      %get3A_602 = tpu.vector_load %arg6[%get3A_601] {strides = array<i32>} : memref<16384xi32, #tpu.memory_space<vmem>>, vector<16xi32>,
      %mul3A_603 = arith.constant 8 : i32
      %mul3A_604 = arith.muli %scan3A_563, %mul3A_603 : i32
      %add3A_605 = arith.constant 4 : i32
      %add3A_606 = arith.addi %mul3A_604, %add3A_605 : i32
      %mul3A_607 = arith.constant 16 : i32
      %mul3A_608 = arith.muli %add3A_606, %mul3A_607 : i32
      %add3A_609 = arith.constant 0 : i32
      %add3A_610 = arith.addi %add3A_609, %mul3A_608 : i32
      %get3A_611 = arith.index_cast %add3A_610 : i32 to index
      %get3A_612 = tpu.vector_load %arg6[%get3A_611] {strides = array<i32>} : memref<16384xi32, #tpu.memory_space<vmem>>, vector<16xi32>,
      %mul3A_613 = arith.constant 8 : i32
      %mul3A_614 = arith.muli %scan3A_563, %mul3A_613 : i32
      %add3A_615 = arith.constant 5 : i32
      %add3A_616 = arith.addi %mul3A_614, %add3A_615 : i32
      %mul3A_617 = arith.constant 16 : i32
      %mul3A_618 = arith.muli %add3A_616, %mul3A_617 : i32
      %add3A_619 = arith.constant 0 : i32
      %add3A_620 = arith.addi %add3A_619, %mul3A_618 : i32
      %get3A_621 = arith.index_cast %add3A_620 : i32 to index
      %get3A_622 = tpu.vector_load %arg6[%get3A_621] {strides = array<i32>} : memref<16384xi32, #tpu.memory_space<vmem>>, vector<16xi32>,
      %mul3A_623 = arith.constant 8 : i32
      %mul3A_624 = arith.muli %scan3A_563, %mul3A_623 : i32
      %add3A_625 = arith.constant 6 : i32
      %add3A_626 = arith.addi %mul3A_624, %add3A_625 : i32
      %mul3A_627 = arith.constant 16 : i32
      %mul3A_628 = arith.muli %add3A_626, %mul3A_627 : i32
      %add3A_629 = arith.constant 0 : i32
      %add3A_630 = arith.addi %add3A_629, %mul3A_628 : i32
      %get3A_631 = arith.index_cast %add3A_630 : i32 to index
      %get3A_632 = tpu.vector_load %arg6[%get3A_631] {strides = array<i32>} : memref<16384xi32, #tpu.memory_space<vmem>>, vector<16xi32>,
      %mul3A_633 = arith.constant 8 : i32
      %mul3A_634 = arith.muli %scan3A_563, %mul3A_633 : i32
      %add3A_635 = arith.constant 7 : i32
      %add3A_636 = arith.addi %mul3A_634, %add3A_635 : i32
      %mul3A_637 = arith.constant 16 : i32
      %mul3A_638 = arith.muli %add3A_636, %mul3A_637 : i32
      %add3A_639 = arith.constant 0 : i32
      %add3A_640 = arith.addi %add3A_639, %mul3A_638 : i32
      %get3A_641 = arith.index_cast %add3A_640 : i32 to index
      %get3A_642 = tpu.vector_load %arg6[%get3A_641] {strides = array<i32>} : memref<16384xi32, #tpu.memory_space<vmem>>, vector<16xi32>,
      %gather3A = tpu.vector_load_idx %arg7[%broadcast_in_dim3A_1, %get3A_572] : memref<1x100096xf32, #tpu.memory_space<vmem>>[vector<16xi32>, vector<16xi32>], vector<16xf32>,
      %gather3A_643 = tpu.vector_load_idx %arg7[%broadcast_in_dim3A_1, %get3A_582] : memref<1x100096xf32, #tpu.memory_space<vmem>>[vector<16xi32>, vector<16xi32>], vector<16xf32>,
      %gather3A_644 = tpu.vector_load_idx %arg7[%broadcast_in_dim3A_1, %get3A_592] : memref<1x100096xf32, #tpu.memory_space<vmem>>[vector<16xi32>, vector<16xi32>], vector<16xf32>,
      %gather3A_645 = tpu.vector_load_idx %arg7[%broadcast_in_dim3A_1, %get3A_602] : memref<1x100096xf32, #tpu.memory_space<vmem>>[vector<16xi32>, vector<16xi32>], vector<16xf32>,
      %gather3A_646 = tpu.vector_load_idx %arg7[%broadcast_in_dim3A_1, %get3A_612] : memref<1x100096xf32, #tpu.memory_space<vmem>>[vector<16xi32>, vector<16xi32>], vector<16xf32>,
      %gather3A_647 = tpu.vector_load_idx %arg7[%broadcast_in_dim3A_1, %get3A_622] : memref<1x100096xf32, #tpu.memory_space<vmem>>[vector<16xi32>, vector<16xi32>], vector<16xf32>,
      %gather3A_648 = tpu.vector_load_idx %arg7[%broadcast_in_dim3A_1, %get3A_632] : memref<1x100096xf32, #tpu.memory_space<vmem>>[vector<16xi32>, vector<16xi32>], vector<16xf32>,
      %gather3A_649 = tpu.vector_load_idx %arg7[%broadcast_in_dim3A_1, %get3A_642] : memref<1x100096xf32, #tpu.memory_space<vmem>>[vector<16xi32>, vector<16xi32>], vector<16xf32>,
      %mul3A_650 = arith.constant 8 : i32
      %mul3A_651 = arith.muli %scan3A_563, %mul3A_650 : i32
      %add3A_652 = arith.constant 0 : i32
      %add3A_653 = arith.addi %mul3A_651, %add3A_652 : i32
      %mul3A_654 = arith.constant 16 : i32
      %mul3A_655 = arith.muli %add3A_653, %mul3A_654 : i32
      %swap3A = arith.constant 0 : i32
      %swap3A_656 = arith.index_cast %swap3A : i32 to index
      %swap3A_657 = arith.index_cast %mul3A_655 : i32 to index
      %swap3A_658 = tpu.vector_load %arg8[%swap3A_656, %swap3A_657] {strides = array<i32>} : memref<2x4096xf32, #tpu.memory_space<vmem>>, vector<16xf32>,
      tpu.vector_store %arg8[%swap3A_656, %swap3A_657], %gather3A {strides = array<i32>} : memref<2x4096xf32, #tpu.memory_space<vmem>>, vector<16xf32>,
      %mul3A_659 = arith.constant 8 : i32
      %mul3A_660 = arith.muli %scan3A_563, %mul3A_659 : i32
      %add3A_661 = arith.constant 1 : i32
      %add3A_662 = arith.addi %mul3A_660, %add3A_661 : i32
      %mul3A_663 = arith.constant 16 : i32
      %mul3A_664 = arith.muli %add3A_662, %mul3A_663 : i32
      %swap3A_665 = arith.constant 0 : i32
      %swap3A_666 = arith.index_cast %swap3A_665 : i32 to index
      %swap3A_667 = arith.index_cast %mul3A_664 : i32 to index
      %swap3A_668 = tpu.vector_load %arg8[%swap3A_666, %swap3A_667] {strides = array<i32>} : memref<2x4096xf32, #tpu.memory_space<vmem>>, vector<16xf32>,
      tpu.vector_store %arg8[%swap3A_666, %swap3A_667], %gather3A_643 {strides = array<i32>} : memref<2x4096xf32, #tpu.memory_space<vmem>>, vector<16xf32>,
      %mul3A_669 = arith.constant 8 : i32
      %mul3A_670 = arith.muli %scan3A_563, %mul3A_669 : i32
      %add3A_671 = arith.constant 2 : i32
      %add3A_672 = arith.addi %mul3A_670, %add3A_671 : i32
      %mul3A_673 = arith.constant 16 : i32
      %mul3A_674 = arith.muli %add3A_672, %mul3A_673 : i32
      %swap3A_675 = arith.constant 0 : i32
      %swap3A_676 = arith.index_cast %swap3A_675 : i32 to index
      %swap3A_677 = arith.index_cast %mul3A_674 : i32 to index
      %swap3A_678 = tpu.vector_load %arg8[%swap3A_676, %swap3A_677] {strides = array<i32>} : memref<2x4096xf32, #tpu.memory_space<vmem>>, vector<16xf32>,
      tpu.vector_store %arg8[%swap3A_676, %swap3A_677], %gather3A_644 {strides = array<i32>} : memref<2x4096xf32, #tpu.memory_space<vmem>>, vector<16xf32>,
      %mul3A_679 = arith.constant 8 : i32
      %mul3A_680 = arith.muli %scan3A_563, %mul3A_679 : i32
      %add3A_681 = arith.constant 3 : i32
      %add3A_682 = arith.addi %mul3A_680, %add3A_681 : i32
      %mul3A_683 = arith.constant 16 : i32
      %mul3A_684 = arith.muli %add3A_682, %mul3A_683 : i32
      %swap3A_685 = arith.constant 0 : i32
      %swap3A_686 = arith.index_cast %swap3A_685 : i32 to index
      %swap3A_687 = arith.index_cast %mul3A_684 : i32 to index
      %swap3A_688 = tpu.vector_load %arg8[%swap3A_686, %swap3A_687] {strides = array<i32>} : memref<2x4096xf32, #tpu.memory_space<vmem>>, vector<16xf32>,
      tpu.vector_store %arg8[%swap3A_686, %swap3A_687], %gather3A_645 {strides = array<i32>} : memref<2x4096xf32, #tpu.memory_space<vmem>>, vector<16xf32>,
      %mul3A_689 = arith.constant 8 : i32
      %mul3A_690 = arith.muli %scan3A_563, %mul3A_689 : i32
      %add3A_691 = arith.constant 4 : i32
      %add3A_692 = arith.addi %mul3A_690, %add3A_691 : i32
      %mul3A_693 = arith.constant 16 : i32
      %mul3A_694 = arith.muli %add3A_692, %mul3A_693 : i32
      %swap3A_695 = arith.constant 0 : i32
      %swap3A_696 = arith.index_cast %swap3A_695 : i32 to index
      %swap3A_697 = arith.index_cast %mul3A_694 : i32 to index
      %swap3A_698 = tpu.vector_load %arg8[%swap3A_696, %swap3A_697] {strides = array<i32>} : memref<2x4096xf32, #tpu.memory_space<vmem>>, vector<16xf32>,
      tpu.vector_store %arg8[%swap3A_696, %swap3A_697], %gather3A_646 {strides = array<i32>} : memref<2x4096xf32, #tpu.memory_space<vmem>>, vector<16xf32>,
      %mul3A_699 = arith.constant 8 : i32
      %mul3A_700 = arith.muli %scan3A_563, %mul3A_699 : i32
      %add3A_701 = arith.constant 5 : i32
      %add3A_702 = arith.addi %mul3A_700, %add3A_701 : i32
      %mul3A_703 = arith.constant 16 : i32
      %mul3A_704 = arith.muli %add3A_702, %mul3A_703 : i32
      %swap3A_705 = arith.constant 0 : i32
      %swap3A_706 = arith.index_cast %swap3A_705 : i32 to index
      %swap3A_707 = arith.index_cast %mul3A_704 : i32 to index
      %swap3A_708 = tpu.vector_load %arg8[%swap3A_706, %swap3A_707] {strides = array<i32>} : memref<2x4096xf32, #tpu.memory_space<vmem>>, vector<16xf32>,
      tpu.vector_store %arg8[%swap3A_706, %swap3A_707], %gather3A_647 {strides = array<i32>} : memref<2x4096xf32, #tpu.memory_space<vmem>>, vector<16xf32>,
      %mul3A_709 = arith.constant 8 : i32
      %mul3A_710 = arith.muli %scan3A_563, %mul3A_709 : i32
      %add3A_711 = arith.constant 6 : i32
      %add3A_712 = arith.addi %mul3A_710, %add3A_711 : i32
      %mul3A_713 = arith.constant 16 : i32
      %mul3A_714 = arith.muli %add3A_712, %mul3A_713 : i32
      %swap3A_715 = arith.constant 0 : i32
      %swap3A_716 = arith.index_cast %swap3A_715 : i32 to index
      %swap3A_717 = arith.index_cast %mul3A_714 : i32 to index
      %swap3A_718 = tpu.vector_load %arg8[%swap3A_716, %swap3A_717] {strides = array<i32>} : memref<2x4096xf32, #tpu.memory_space<vmem>>, vector<16xf32>,
      tpu.vector_store %arg8[%swap3A_716, %swap3A_717], %gather3A_648 {strides = array<i32>} : memref<2x4096xf32, #tpu.memory_space<vmem>>, vector<16xf32>,
      %mul3A_719 = arith.constant 8 : i32
      %mul3A_720 = arith.muli %scan3A_563, %mul3A_719 : i32
      %add3A_721 = arith.constant 7 : i32
      %add3A_722 = arith.addi %mul3A_720, %add3A_721 : i32
      %mul3A_723 = arith.constant 16 : i32
      %mul3A_724 = arith.muli %add3A_722, %mul3A_723 : i32
      %swap3A_725 = arith.constant 0 : i32
      %swap3A_726 = arith.index_cast %swap3A_725 : i32 to index
      %swap3A_727 = arith.index_cast %mul3A_724 : i32 to index
      %swap3A_728 = tpu.vector_load %arg8[%swap3A_726, %swap3A_727] {strides = array<i32>} : memref<2x4096xf32, #tpu.memory_space<vmem>>, vector<16xf32>,
      tpu.vector_store %arg8[%swap3A_726, %swap3A_727], %gather3A_649 {strides = array<i32>} : memref<2x4096xf32, #tpu.memory_space<vmem>>, vector<16xf32>,
    }
    %scan3A_64 = arith.constant 32 : i32
    %dma_start3A_65 = arith.constant 0 : i32
    %dma_start3A_66 = arith.constant 0 : i32
    %dma_start3A_67 = tpu.memref_slice %arg8[%dma_start3A_65, %dma_start3A_66] : memref<2x4096xf32, #tpu.memory_space<vmem>> -> memref<1x4096xf32, #tpu.memory_space<vmem>>
    %dma_start3A_68 = tpu.memref_squeeze %dma_start3A_67 : memref<1x4096xf32, #tpu.memory_space<vmem>> -> memref<4096xf32, #tpu.memory_space<vmem>>
    %dma_start3A_69 = arith.constant 0 : i32
    %dma_start3A_70 = tpu.memref_slice %arg5[%add3A_54, %dma_start3A_69] : memref<96x16384xf32, #tpu.memory_space<hbm>> -> memref<1x4096xf32, #tpu.memory_space<hbm>>
    %dma_start3A_71 = tpu.memref_squeeze %dma_start3A_70 : memref<1x4096xf32, #tpu.memory_space<hbm>> -> memref<4096xf32, #tpu.memory_space<hbm>>
    %dma_start3A_72 = arith.constant 0 : i32
    %dma_start3A_73 = tpu.memref_slice %arg5[%add3A_54, %dma_start3A_72] : memref<96x16384xf32, #tpu.memory_space<hbm>> -> memref<1x4096xf32, #tpu.memory_space<hbm>>
    %dma_start3A_74 = tpu.memref_squeeze %dma_start3A_73 : memref<1x4096xf32, #tpu.memory_space<hbm>> -> memref<4096xf32, #tpu.memory_space<hbm>>
    %dma_start3A_75 = arith.constant 0 : i32
    %dma_start3A_76 = tpu.memref_slice %arg8[%dma_start3A_65, %dma_start3A_75] : memref<2x4096xf32, #tpu.memory_space<vmem>> -> memref<1x4096xf32, #tpu.memory_space<vmem>>
    %dma_start3A_77 = tpu.memref_squeeze %dma_start3A_76 : memref<1x4096xf32, #tpu.memory_space<vmem>> -> memref<4096xf32, #tpu.memory_space<vmem>>
    tpu.enqueue_dma source(%dma_start3A_77 : memref<4096xf32, #tpu.memory_space<vmem>>) target(%dma_start3A_74 : memref<4096xf32, #tpu.memory_space<hbm>>) target_semaphore(%arg11 : memref<!tpu.dma_semaphore, #tpu.memory_space<semaphore_mem>>)
    %scan3A_78 = arith.constant 0 : i32
    %scan3A_79 = arith.constant 0 : i32
    %scan3A_80 = arith.constant 32 : i32
    %scan3A_81 = arith.addi %scan3A_79, %scan3A_80 : i32
    %scan3A_82 = arith.constant 1 : i32
    scf.for %scan3A_563 = %scan3A_79 to %scan3A_81 step %scan3A_82  : i32 {
      %mul3A_564 = arith.constant 8 : i32
      %mul3A_565 = arith.muli %scan3A_563, %mul3A_564 : i32
      %add3A_566 = arith.constant 0 : i32
      %add3A_567 = arith.addi %mul3A_565, %add3A_566 : i32
      %mul3A_568 = arith.constant 16 : i32
      %mul3A_569 = arith.muli %add3A_567, %mul3A_568 : i32
      %add3A_570 = arith.constant 4096 : i32
      %add3A_571 = arith.addi %add3A_570, %mul3A_569 : i32
      %get3A = arith.index_cast %add3A_571 : i32 to index
      %get3A_572 = tpu.vector_load %arg6[%get3A] {strides = array<i32>} : memref<16384xi32, #tpu.memory_space<vmem>>, vector<16xi32>,
      %mul3A_573 = arith.constant 8 : i32
      %mul3A_574 = arith.muli %scan3A_563, %mul3A_573 : i32
      %add3A_575 = arith.constant 1 : i32
      %add3A_576 = arith.addi %mul3A_574, %add3A_575 : i32
      %mul3A_577 = arith.constant 16 : i32
      %mul3A_578 = arith.muli %add3A_576, %mul3A_577 : i32
      %add3A_579 = arith.constant 4096 : i32
      %add3A_580 = arith.addi %add3A_579, %mul3A_578 : i32
      %get3A_581 = arith.index_cast %add3A_580 : i32 to index
      %get3A_582 = tpu.vector_load %arg6[%get3A_581] {strides = array<i32>} : memref<16384xi32, #tpu.memory_space<vmem>>, vector<16xi32>,
      %mul3A_583 = arith.constant 8 : i32
      %mul3A_584 = arith.muli %scan3A_563, %mul3A_583 : i32
      %add3A_585 = arith.constant 2 : i32
      %add3A_586 = arith.addi %mul3A_584, %add3A_585 : i32
      %mul3A_587 = arith.constant 16 : i32
      %mul3A_588 = arith.muli %add3A_586, %mul3A_587 : i32
      %add3A_589 = arith.constant 4096 : i32
      %add3A_590 = arith.addi %add3A_589, %mul3A_588 : i32
      %get3A_591 = arith.index_cast %add3A_590 : i32 to index
      %get3A_592 = tpu.vector_load %arg6[%get3A_591] {strides = array<i32>} : memref<16384xi32, #tpu.memory_space<vmem>>, vector<16xi32>,
      %mul3A_593 = arith.constant 8 : i32
      %mul3A_594 = arith.muli %scan3A_563, %mul3A_593 : i32
      %add3A_595 = arith.constant 3 : i32
      %add3A_596 = arith.addi %mul3A_594, %add3A_595 : i32
      %mul3A_597 = arith.constant 16 : i32
      %mul3A_598 = arith.muli %add3A_596, %mul3A_597 : i32
      %add3A_599 = arith.constant 4096 : i32
      %add3A_600 = arith.addi %add3A_599, %mul3A_598 : i32
      %get3A_601 = arith.index_cast %add3A_600 : i32 to index
      %get3A_602 = tpu.vector_load %arg6[%get3A_601] {strides = array<i32>} : memref<16384xi32, #tpu.memory_space<vmem>>, vector<16xi32>,
      %mul3A_603 = arith.constant 8 : i32
      %mul3A_604 = arith.muli %scan3A_563, %mul3A_603 : i32
      %add3A_605 = arith.constant 4 : i32
      %add3A_606 = arith.addi %mul3A_604, %add3A_605 : i32
      %mul3A_607 = arith.constant 16 : i32
      %mul3A_608 = arith.muli %add3A_606, %mul3A_607 : i32
      %add3A_609 = arith.constant 4096 : i32
      %add3A_610 = arith.addi %add3A_609, %mul3A_608 : i32
      %get3A_611 = arith.index_cast %add3A_610 : i32 to index
      %get3A_612 = tpu.vector_load %arg6[%get3A_611] {strides = array<i32>} : memref<16384xi32, #tpu.memory_space<vmem>>, vector<16xi32>,
      %mul3A_613 = arith.constant 8 : i32
      %mul3A_614 = arith.muli %scan3A_563, %mul3A_613 : i32
      %add3A_615 = arith.constant 5 : i32
      %add3A_616 = arith.addi %mul3A_614, %add3A_615 : i32
      %mul3A_617 = arith.constant 16 : i32
      %mul3A_618 = arith.muli %add3A_616, %mul3A_617 : i32
      %add3A_619 = arith.constant 4096 : i32
      %add3A_620 = arith.addi %add3A_619, %mul3A_618 : i32
      %get3A_621 = arith.index_cast %add3A_620 : i32 to index
      %get3A_622 = tpu.vector_load %arg6[%get3A_621] {strides = array<i32>} : memref<16384xi32, #tpu.memory_space<vmem>>, vector<16xi32>,
      %mul3A_623 = arith.constant 8 : i32
      %mul3A_624 = arith.muli %scan3A_563, %mul3A_623 : i32
      %add3A_625 = arith.constant 6 : i32
      %add3A_626 = arith.addi %mul3A_624, %add3A_625 : i32
      %mul3A_627 = arith.constant 16 : i32
      %mul3A_628 = arith.muli %add3A_626, %mul3A_627 : i32
      %add3A_629 = arith.constant 4096 : i32
      %add3A_630 = arith.addi %add3A_629, %mul3A_628 : i32
      %get3A_631 = arith.index_cast %add3A_630 : i32 to index
      %get3A_632 = tpu.vector_load %arg6[%get3A_631] {strides = array<i32>} : memref<16384xi32, #tpu.memory_space<vmem>>, vector<16xi32>,
      %mul3A_633 = arith.constant 8 : i32
      %mul3A_634 = arith.muli %scan3A_563, %mul3A_633 : i32
      %add3A_635 = arith.constant 7 : i32
      %add3A_636 = arith.addi %mul3A_634, %add3A_635 : i32
      %mul3A_637 = arith.constant 16 : i32
      %mul3A_638 = arith.muli %add3A_636, %mul3A_637 : i32
      %add3A_639 = arith.constant 4096 : i32
      %add3A_640 = arith.addi %add3A_639, %mul3A_638 : i32
      %get3A_641 = arith.index_cast %add3A_640 : i32 to index
      %get3A_642 = tpu.vector_load %arg6[%get3A_641] {strides = array<i32>} : memref<16384xi32, #tpu.memory_space<vmem>>, vector<16xi32>,
      %gather3A = tpu.vector_load_idx %arg7[%broadcast_in_dim3A_1, %get3A_572] : memref<1x100096xf32, #tpu.memory_space<vmem>>[vector<16xi32>, vector<16xi32>], vector<16xf32>,
      %gather3A_643 = tpu.vector_load_idx %arg7[%broadcast_in_dim3A_1, %get3A_582] : memref<1x100096xf32, #tpu.memory_space<vmem>>[vector<16xi32>, vector<16xi32>], vector<16xf32>,
      %gather3A_644 = tpu.vector_load_idx %arg7[%broadcast_in_dim3A_1, %get3A_592] : memref<1x100096xf32, #tpu.memory_space<vmem>>[vector<16xi32>, vector<16xi32>], vector<16xf32>,
      %gather3A_645 = tpu.vector_load_idx %arg7[%broadcast_in_dim3A_1, %get3A_602] : memref<1x100096xf32, #tpu.memory_space<vmem>>[vector<16xi32>, vector<16xi32>], vector<16xf32>,
      %gather3A_646 = tpu.vector_load_idx %arg7[%broadcast_in_dim3A_1, %get3A_612] : memref<1x100096xf32, #tpu.memory_space<vmem>>[vector<16xi32>, vector<16xi32>], vector<16xf32>,
      %gather3A_647 = tpu.vector_load_idx %arg7[%broadcast_in_dim3A_1, %get3A_622] : memref<1x100096xf32, #tpu.memory_space<vmem>>[vector<16xi32>, vector<16xi32>], vector<16xf32>,
      %gather3A_648 = tpu.vector_load_idx %arg7[%broadcast_in_dim3A_1, %get3A_632] : memref<1x100096xf32, #tpu.memory_space<vmem>>[vector<16xi32>, vector<16xi32>], vector<16xf32>,
      %gather3A_649 = tpu.vector_load_idx %arg7[%broadcast_in_dim3A_1, %get3A_642] : memref<1x100096xf32, #tpu.memory_space<vmem>>[vector<16xi32>, vector<16xi32>], vector<16xf32>,
      %mul3A_650 = arith.constant 8 : i32
      %mul3A_651 = arith.muli %scan3A_563, %mul3A_650 : i32
      %add3A_652 = arith.constant 0 : i32
      %add3A_653 = arith.addi %mul3A_651, %add3A_652 : i32
      %mul3A_654 = arith.constant 16 : i32
      %mul3A_655 = arith.muli %add3A_653, %mul3A_654 : i32
      %swap3A = arith.constant 1 : i32
      %swap3A_656 = arith.index_cast %swap3A : i32 to index
      %swap3A_657 = arith.index_cast %mul3A_655 : i32 to index
      %swap3A_658 = tpu.vector_load %arg8[%swap3A_656, %swap3A_657] {strides = array<i32>} : memref<2x4096xf32, #tpu.memory_space<vmem>>, vector<16xf32>,
      tpu.vector_store %arg8[%swap3A_656, %swap3A_657], %gather3A {strides = array<i32>} : memref<2x4096xf32, #tpu.memory_space<vmem>>, vector<16xf32>,
      %mul3A_659 = arith.constant 8 : i32
      %mul3A_660 = arith.muli %scan3A_563, %mul3A_659 : i32
      %add3A_661 = arith.constant 1 : i32
      %add3A_662 = arith.addi %mul3A_660, %add3A_661 : i32
      %mul3A_663 = arith.constant 16 : i32
      %mul3A_664 = arith.muli %add3A_662, %mul3A_663 : i32
      %swap3A_665 = arith.constant 1 : i32
      %swap3A_666 = arith.index_cast %swap3A_665 : i32 to index
      %swap3A_667 = arith.index_cast %mul3A_664 : i32 to index
      %swap3A_668 = tpu.vector_load %arg8[%swap3A_666, %swap3A_667] {strides = array<i32>} : memref<2x4096xf32, #tpu.memory_space<vmem>>, vector<16xf32>,
      tpu.vector_store %arg8[%swap3A_666, %swap3A_667], %gather3A_643 {strides = array<i32>} : memref<2x4096xf32, #tpu.memory_space<vmem>>, vector<16xf32>,
      %mul3A_669 = arith.constant 8 : i32
      %mul3A_670 = arith.muli %scan3A_563, %mul3A_669 : i32
      %add3A_671 = arith.constant 2 : i32
      %add3A_672 = arith.addi %mul3A_670, %add3A_671 : i32
      %mul3A_673 = arith.constant 16 : i32
      %mul3A_674 = arith.muli %add3A_672, %mul3A_673 : i32
      %swap3A_675 = arith.constant 1 : i32
      %swap3A_676 = arith.index_cast %swap3A_675 : i32 to index
      %swap3A_677 = arith.index_cast %mul3A_674 : i32 to index
      %swap3A_678 = tpu.vector_load %arg8[%swap3A_676, %swap3A_677] {strides = array<i32>} : memref<2x4096xf32, #tpu.memory_space<vmem>>, vector<16xf32>,
      tpu.vector_store %arg8[%swap3A_676, %swap3A_677], %gather3A_644 {strides = array<i32>} : memref<2x4096xf32, #tpu.memory_space<vmem>>, vector<16xf32>,
      %mul3A_679 = arith.constant 8 : i32
      %mul3A_680 = arith.muli %scan3A_563, %mul3A_679 : i32
      %add3A_681 = arith.constant 3 : i32
      %add3A_682 = arith.addi %mul3A_680, %add3A_681 : i32
      %mul3A_683 = arith.constant 16 : i32
      %mul3A_684 = arith.muli %add3A_682, %mul3A_683 : i32
      %swap3A_685 = arith.constant 1 : i32
      %swap3A_686 = arith.index_cast %swap3A_685 : i32 to index
      %swap3A_687 = arith.index_cast %mul3A_684 : i32 to index
      %swap3A_688 = tpu.vector_load %arg8[%swap3A_686, %swap3A_687] {strides = array<i32>} : memref<2x4096xf32, #tpu.memory_space<vmem>>, vector<16xf32>,
      tpu.vector_store %arg8[%swap3A_686, %swap3A_687], %gather3A_645 {strides = array<i32>} : memref<2x4096xf32, #tpu.memory_space<vmem>>, vector<16xf32>,
      %mul3A_689 = arith.constant 8 : i32
      %mul3A_690 = arith.muli %scan3A_563, %mul3A_689 : i32
      %add3A_691 = arith.constant 4 : i32
      %add3A_692 = arith.addi %mul3A_690, %add3A_691 : i32
      %mul3A_693 = arith.constant 16 : i32
      %mul3A_694 = arith.muli %add3A_692, %mul3A_693 : i32
      %swap3A_695 = arith.constant 1 : i32
      %swap3A_696 = arith.index_cast %swap3A_695 : i32 to index
      %swap3A_697 = arith.index_cast %mul3A_694 : i32 to index
      %swap3A_698 = tpu.vector_load %arg8[%swap3A_696, %swap3A_697] {strides = array<i32>} : memref<2x4096xf32, #tpu.memory_space<vmem>>, vector<16xf32>,
      tpu.vector_store %arg8[%swap3A_696, %swap3A_697], %gather3A_646 {strides = array<i32>} : memref<2x4096xf32, #tpu.memory_space<vmem>>, vector<16xf32>,
      %mul3A_699 = arith.constant 8 : i32
      %mul3A_700 = arith.muli %scan3A_563, %mul3A_699 : i32
      %add3A_701 = arith.constant 5 : i32
      %add3A_702 = arith.addi %mul3A_700, %add3A_701 : i32
      %mul3A_703 = arith.constant 16 : i32
      %mul3A_704 = arith.muli %add3A_702, %mul3A_703 : i32
      %swap3A_705 = arith.constant 1 : i32
      %swap3A_706 = arith.index_cast %swap3A_705 : i32 to index
      %swap3A_707 = arith.index_cast %mul3A_704 : i32 to index
      %swap3A_708 = tpu.vector_load %arg8[%swap3A_706, %swap3A_707] {strides = array<i32>} : memref<2x4096xf32, #tpu.memory_space<vmem>>, vector<16xf32>,
      tpu.vector_store %arg8[%swap3A_706, %swap3A_707], %gather3A_647 {strides = array<i32>} : memref<2x4096xf32, #tpu.memory_space<vmem>>, vector<16xf32>,
      %mul3A_709 = arith.constant 8 : i32
      %mul3A_710 = arith.muli %scan3A_563, %mul3A_709 : i32
      %add3A_711 = arith.constant 6 : i32
      %add3A_712 = arith.addi %mul3A_710, %add3A_711 : i32
      %mul3A_713 = arith.constant 16 : i32
      %mul3A_714 = arith.muli %add3A_712, %mul3A_713 : i32
      %swap3A_715 = arith.constant 1 : i32
      %swap3A_716 = arith.index_cast %swap3A_715 : i32 to index
      %swap3A_717 = arith.index_cast %mul3A_714 : i32 to index
      %swap3A_718 = tpu.vector_load %arg8[%swap3A_716, %swap3A_717] {strides = array<i32>} : memref<2x4096xf32, #tpu.memory_space<vmem>>, vector<16xf32>,
      tpu.vector_store %arg8[%swap3A_716, %swap3A_717], %gather3A_648 {strides = array<i32>} : memref<2x4096xf32, #tpu.memory_space<vmem>>, vector<16xf32>,
      %mul3A_719 = arith.constant 8 : i32
      %mul3A_720 = arith.muli %scan3A_563, %mul3A_719 : i32
      %add3A_721 = arith.constant 7 : i32
      %add3A_722 = arith.addi %mul3A_720, %add3A_721 : i32
      %mul3A_723 = arith.constant 16 : i32
      %mul3A_724 = arith.muli %add3A_722, %mul3A_723 : i32
      %swap3A_725 = arith.constant 1 : i32
      %swap3A_726 = arith.index_cast %swap3A_725 : i32 to index
      %swap3A_727 = arith.index_cast %mul3A_724 : i32 to index
      %swap3A_728 = tpu.vector_load %arg8[%swap3A_726, %swap3A_727] {strides = array<i32>} : memref<2x4096xf32, #tpu.memory_space<vmem>>, vector<16xf32>,
      tpu.vector_store %arg8[%swap3A_726, %swap3A_727], %gather3A_649 {strides = array<i32>} : memref<2x4096xf32, #tpu.memory_space<vmem>>, vector<16xf32>,
    }
    %scan3A_83 = arith.constant 32 : i32
    %dma_start3A_84 = arith.constant 1 : i32
    %dma_start3A_85 = arith.constant 0 : i32
    %dma_start3A_86 = tpu.memref_slice %arg8[%dma_start3A_84, %dma_start3A_85] : memref<2x4096xf32, #tpu.memory_space<vmem>> -> memref<1x4096xf32, #tpu.memory_space<vmem>>
    %dma_start3A_87 = tpu.memref_squeeze %dma_start3A_86 : memref<1x4096xf32, #tpu.memory_space<vmem>> -> memref<4096xf32, #tpu.memory_space<vmem>>
    %dma_start3A_88 = arith.constant 4096 : i32
    %dma_start3A_89 = tpu.memref_slice %arg5[%add3A_54, %dma_start3A_88] : memref<96x16384xf32, #tpu.memory_space<hbm>> -> memref<1x4096xf32, #tpu.memory_space<hbm>>
    %dma_start3A_90 = tpu.memref_squeeze %dma_start3A_89 : memref<1x4096xf32, #tpu.memory_space<hbm>> -> memref<4096xf32, #tpu.memory_space<hbm>>
    %dma_start3A_91 = arith.constant 4096 : i32
    %dma_start3A_92 = tpu.memref_slice %arg5[%add3A_54, %dma_start3A_91] : memref<96x16384xf32, #tpu.memory_space<hbm>> -> memref<1x4096xf32, #tpu.memory_space<hbm>>
    %dma_start3A_93 = tpu.memref_squeeze %dma_start3A_92 : memref<1x4096xf32, #tpu.memory_space<hbm>> -> memref<4096xf32, #tpu.memory_space<hbm>>
    %dma_start3A_94 = arith.constant 0 : i32
    %dma_start3A_95 = tpu.memref_slice %arg8[%dma_start3A_84, %dma_start3A_94] : memref<2x4096xf32, #tpu.memory_space<vmem>> -> memref<1x4096xf32, #tpu.memory_space<vmem>>
    %dma_start3A_96 = tpu.memref_squeeze %dma_start3A_95 : memref<1x4096xf32, #tpu.memory_space<vmem>> -> memref<4096xf32, #tpu.memory_space<vmem>>
    tpu.enqueue_dma source(%dma_start3A_96 : memref<4096xf32, #tpu.memory_space<vmem>>) target(%dma_start3A_93 : memref<4096xf32, #tpu.memory_space<hbm>>) target_semaphore(%arg11 : memref<!tpu.dma_semaphore, #tpu.memory_space<semaphore_mem>>)
    %dma_wait3A_97 = arith.constant 0 : i32
    %dma_wait3A_98 = arith.constant 0 : i32
    %dma_wait3A_99 = tpu.memref_slice %arg8[%dma_wait3A_97, %dma_wait3A_98] : memref<2x4096xf32, #tpu.memory_space<vmem>> -> memref<1x4096xf32, #tpu.memory_space<vmem>>
    %dma_wait3A_100 = tpu.memref_squeeze %dma_wait3A_99 : memref<1x4096xf32, #tpu.memory_space<vmem>> -> memref<4096xf32, #tpu.memory_space<vmem>>
    %dma_wait3A_101 = arith.constant 0 : i32
    %dma_wait3A_102 = tpu.memref_slice %arg5[%add3A_54, %dma_wait3A_101] : memref<96x16384xf32, #tpu.memory_space<hbm>> -> memref<1x4096xf32, #tpu.memory_space<hbm>>
    %dma_wait3A_103 = tpu.memref_squeeze %dma_wait3A_102 : memref<1x4096xf32, #tpu.memory_space<hbm>> -> memref<4096xf32, #tpu.memory_space<hbm>>
    %dma_wait3A_104 = arith.constant 0 : i32
    %dma_wait3A_105 = tpu.memref_slice %arg5[%add3A_54, %dma_wait3A_104] : memref<96x16384xf32, #tpu.memory_space<hbm>> -> memref<1x4096xf32, #tpu.memory_space<hbm>>
    %dma_wait3A_106 = tpu.memref_squeeze %dma_wait3A_105 : memref<1x4096xf32, #tpu.memory_space<hbm>> -> memref<4096xf32, #tpu.memory_space<hbm>>
    %dma_wait3A_107 = arith.constant 0 : i32
    %dma_wait3A_108 = tpu.memref_slice %arg8[%dma_wait3A_97, %dma_wait3A_107] : memref<2x4096xf32, #tpu.memory_space<vmem>> -> memref<1x4096xf32, #tpu.memory_space<vmem>>
    %dma_wait3A_109 = tpu.memref_squeeze %dma_wait3A_108 : memref<1x4096xf32, #tpu.memory_space<vmem>> -> memref<4096xf32, #tpu.memory_space<vmem>>
    tpu.wait_dma2 semaphore(%arg11 : memref<!tpu.dma_semaphore, #tpu.memory_space<semaphore_mem>>) src(%dma_wait3A_109 : memref<4096xf32, #tpu.memory_space<vmem>>) dst(%dma_wait3A_106 : memref<4096xf32, #tpu.memory_space<hbm>>)
    %scan3A_110 = arith.constant 0 : i32
    %scan3A_111 = arith.constant 0 : i32
    %scan3A_112 = arith.constant 32 : i32
    %scan3A_113 = arith.addi %scan3A_111, %scan3A_112 : i32
    %scan3A_114 = arith.constant 1 : i32
    scf.for %scan3A_563 = %scan3A_111 to %scan3A_113 step %scan3A_114  : i32 {
      %mul3A_564 = arith.constant 8 : i32
      %mul3A_565 = arith.muli %scan3A_563, %mul3A_564 : i32
      %add3A_566 = arith.constant 0 : i32
      %add3A_567 = arith.addi %mul3A_565, %add3A_566 : i32
      %mul3A_568 = arith.constant 16 : i32
      %mul3A_569 = arith.muli %add3A_567, %mul3A_568 : i32
      %add3A_570 = arith.constant 8192 : i32
      %add3A_571 = arith.addi %add3A_570, %mul3A_569 : i32
      %get3A = arith.index_cast %add3A_571 : i32 to index
      %get3A_572 = tpu.vector_load %arg6[%get3A] {strides = array<i32>} : memref<16384xi32, #tpu.memory_space<vmem>>, vector<16xi32>,
      %mul3A_573 = arith.constant 8 : i32
      %mul3A_574 = arith.muli %scan3A_563, %mul3A_573 : i32
      %add3A_575 = arith.constant 1 : i32
      %add3A_576 = arith.addi %mul3A_574, %add3A_575 : i32
      %mul3A_577 = arith.constant 16 : i32
      %mul3A_578 = arith.muli %add3A_576, %mul3A_577 : i32
      %add3A_579 = arith.constant 8192 : i32
      %add3A_580 = arith.addi %add3A_579, %mul3A_578 : i32
      %get3A_581 = arith.index_cast %add3A_580 : i32 to index
      %get3A_582 = tpu.vector_load %arg6[%get3A_581] {strides = array<i32>} : memref<16384xi32, #tpu.memory_space<vmem>>, vector<16xi32>,
      %mul3A_583 = arith.constant 8 : i32
      %mul3A_584 = arith.muli %scan3A_563, %mul3A_583 : i32
      %add3A_585 = arith.constant 2 : i32
      %add3A_586 = arith.addi %mul3A_584, %add3A_585 : i32
      %mul3A_587 = arith.constant 16 : i32
      %mul3A_588 = arith.muli %add3A_586, %mul3A_587 : i32
      %add3A_589 = arith.constant 8192 : i32
      %add3A_590 = arith.addi %add3A_589, %mul3A_588 : i32
      %get3A_591 = arith.index_cast %add3A_590 : i32 to index
      %get3A_592 = tpu.vector_load %arg6[%get3A_591] {strides = array<i32>} : memref<16384xi32, #tpu.memory_space<vmem>>, vector<16xi32>,
      %mul3A_593 = arith.constant 8 : i32
      %mul3A_594 = arith.muli %scan3A_563, %mul3A_593 : i32
      %add3A_595 = arith.constant 3 : i32
      %add3A_596 = arith.addi %mul3A_594, %add3A_595 : i32
      %mul3A_597 = arith.constant 16 : i32
      %mul3A_598 = arith.muli %add3A_596, %mul3A_597 : i32
      %add3A_599 = arith.constant 8192 : i32
      %add3A_600 = arith.addi %add3A_599, %mul3A_598 : i32
      %get3A_601 = arith.index_cast %add3A_600 : i32 to index
      %get3A_602 = tpu.vector_load %arg6[%get3A_601] {strides = array<i32>} : memref<16384xi32, #tpu.memory_space<vmem>>, vector<16xi32>,
      %mul3A_603 = arith.constant 8 : i32
      %mul3A_604 = arith.muli %scan3A_563, %mul3A_603 : i32
      %add3A_605 = arith.constant 4 : i32
      %add3A_606 = arith.addi %mul3A_604, %add3A_605 : i32
      %mul3A_607 = arith.constant 16 : i32
      %mul3A_608 = arith.muli %add3A_606, %mul3A_607 : i32
      %add3A_609 = arith.constant 8192 : i32
      %add3A_610 = arith.addi %add3A_609, %mul3A_608 : i32
      %get3A_611 = arith.index_cast %add3A_610 : i32 to index
      %get3A_612 = tpu.vector_load %arg6[%get3A_611] {strides = array<i32>} : memref<16384xi32, #tpu.memory_space<vmem>>, vector<16xi32>,
      %mul3A_613 = arith.constant 8 : i32
      %mul3A_614 = arith.muli %scan3A_563, %mul3A_613 : i32
      %add3A_615 = arith.constant 5 : i32
      %add3A_616 = arith.addi %mul3A_614, %add3A_615 : i32
      %mul3A_617 = arith.constant 16 : i32
      %mul3A_618 = arith.muli %add3A_616, %mul3A_617 : i32
      %add3A_619 = arith.constant 8192 : i32
      %add3A_620 = arith.addi %add3A_619, %mul3A_618 : i32
      %get3A_621 = arith.index_cast %add3A_620 : i32 to index
      %get3A_622 = tpu.vector_load %arg6[%get3A_621] {strides = array<i32>} : memref<16384xi32, #tpu.memory_space<vmem>>, vector<16xi32>,
      %mul3A_623 = arith.constant 8 : i32
      %mul3A_624 = arith.muli %scan3A_563, %mul3A_623 : i32
      %add3A_625 = arith.constant 6 : i32
      %add3A_626 = arith.addi %mul3A_624, %add3A_625 : i32
      %mul3A_627 = arith.constant 16 : i32
      %mul3A_628 = arith.muli %add3A_626, %mul3A_627 : i32
      %add3A_629 = arith.constant 8192 : i32
      %add3A_630 = arith.addi %add3A_629, %mul3A_628 : i32
      %get3A_631 = arith.index_cast %add3A_630 : i32 to index
      %get3A_632 = tpu.vector_load %arg6[%get3A_631] {strides = array<i32>} : memref<16384xi32, #tpu.memory_space<vmem>>, vector<16xi32>,
      %mul3A_633 = arith.constant 8 : i32
      %mul3A_634 = arith.muli %scan3A_563, %mul3A_633 : i32
      %add3A_635 = arith.constant 7 : i32
      %add3A_636 = arith.addi %mul3A_634, %add3A_635 : i32
      %mul3A_637 = arith.constant 16 : i32
      %mul3A_638 = arith.muli %add3A_636, %mul3A_637 : i32
      %add3A_639 = arith.constant 8192 : i32
      %add3A_640 = arith.addi %add3A_639, %mul3A_638 : i32
      %get3A_641 = arith.index_cast %add3A_640 : i32 to index
      %get3A_642 = tpu.vector_load %arg6[%get3A_641] {strides = array<i32>} : memref<16384xi32, #tpu.memory_space<vmem>>, vector<16xi32>,
      %gather3A = tpu.vector_load_idx %arg7[%broadcast_in_dim3A_1, %get3A_572] : memref<1x100096xf32, #tpu.memory_space<vmem>>[vector<16xi32>, vector<16xi32>], vector<16xf32>,
      %gather3A_643 = tpu.vector_load_idx %arg7[%broadcast_in_dim3A_1, %get3A_582] : memref<1x100096xf32, #tpu.memory_space<vmem>>[vector<16xi32>, vector<16xi32>], vector<16xf32>,
      %gather3A_644 = tpu.vector_load_idx %arg7[%broadcast_in_dim3A_1, %get3A_592] : memref<1x100096xf32, #tpu.memory_space<vmem>>[vector<16xi32>, vector<16xi32>], vector<16xf32>,
      %gather3A_645 = tpu.vector_load_idx %arg7[%broadcast_in_dim3A_1, %get3A_602] : memref<1x100096xf32, #tpu.memory_space<vmem>>[vector<16xi32>, vector<16xi32>], vector<16xf32>,
      %gather3A_646 = tpu.vector_load_idx %arg7[%broadcast_in_dim3A_1, %get3A_612] : memref<1x100096xf32, #tpu.memory_space<vmem>>[vector<16xi32>, vector<16xi32>], vector<16xf32>,
      %gather3A_647 = tpu.vector_load_idx %arg7[%broadcast_in_dim3A_1, %get3A_622] : memref<1x100096xf32, #tpu.memory_space<vmem>>[vector<16xi32>, vector<16xi32>], vector<16xf32>,
      %gather3A_648 = tpu.vector_load_idx %arg7[%broadcast_in_dim3A_1, %get3A_632] : memref<1x100096xf32, #tpu.memory_space<vmem>>[vector<16xi32>, vector<16xi32>], vector<16xf32>,
      %gather3A_649 = tpu.vector_load_idx %arg7[%broadcast_in_dim3A_1, %get3A_642] : memref<1x100096xf32, #tpu.memory_space<vmem>>[vector<16xi32>, vector<16xi32>], vector<16xf32>,
      %mul3A_650 = arith.constant 8 : i32
      %mul3A_651 = arith.muli %scan3A_563, %mul3A_650 : i32
      %add3A_652 = arith.constant 0 : i32
      %add3A_653 = arith.addi %mul3A_651, %add3A_652 : i32
      %mul3A_654 = arith.constant 16 : i32
      %mul3A_655 = arith.muli %add3A_653, %mul3A_654 : i32
      %swap3A = arith.constant 0 : i32
      %swap3A_656 = arith.index_cast %swap3A : i32 to index
      %swap3A_657 = arith.index_cast %mul3A_655 : i32 to index
      %swap3A_658 = tpu.vector_load %arg8[%swap3A_656, %swap3A_657] {strides = array<i32>} : memref<2x4096xf32, #tpu.memory_space<vmem>>, vector<16xf32>,
      tpu.vector_store %arg8[%swap3A_656, %swap3A_657], %gather3A {strides = array<i32>} : memref<2x4096xf32, #tpu.memory_space<vmem>>, vector<16xf32>,
      %mul3A_659 = arith.constant 8 : i32
      %mul3A_660 = arith.muli %scan3A_563, %mul3A_659 : i32
      %add3A_661 = arith.constant 1 : i32
      %add3A_662 = arith.addi %mul3A_660, %add3A_661 : i32
      %mul3A_663 = arith.constant 16 : i32
      %mul3A_664 = arith.muli %add3A_662, %mul3A_663 : i32
      %swap3A_665 = arith.constant 0 : i32
      %swap3A_666 = arith.index_cast %swap3A_665 : i32 to index
      %swap3A_667 = arith.index_cast %mul3A_664 : i32 to index
      %swap3A_668 = tpu.vector_load %arg8[%swap3A_666, %swap3A_667] {strides = array<i32>} : memref<2x4096xf32, #tpu.memory_space<vmem>>, vector<16xf32>,
      tpu.vector_store %arg8[%swap3A_666, %swap3A_667], %gather3A_643 {strides = array<i32>} : memref<2x4096xf32, #tpu.memory_space<vmem>>, vector<16xf32>,
      %mul3A_669 = arith.constant 8 : i32
      %mul3A_670 = arith.muli %scan3A_563, %mul3A_669 : i32
      %add3A_671 = arith.constant 2 : i32
      %add3A_672 = arith.addi %mul3A_670, %add3A_671 : i32
      %mul3A_673 = arith.constant 16 : i32
      %mul3A_674 = arith.muli %add3A_672, %mul3A_673 : i32
      %swap3A_675 = arith.constant 0 : i32
      %swap3A_676 = arith.index_cast %swap3A_675 : i32 to index
      %swap3A_677 = arith.index_cast %mul3A_674 : i32 to index
      %swap3A_678 = tpu.vector_load %arg8[%swap3A_676, %swap3A_677] {strides = array<i32>} : memref<2x4096xf32, #tpu.memory_space<vmem>>, vector<16xf32>,
      tpu.vector_store %arg8[%swap3A_676, %swap3A_677], %gather3A_644 {strides = array<i32>} : memref<2x4096xf32, #tpu.memory_space<vmem>>, vector<16xf32>,
      %mul3A_679 = arith.constant 8 : i32
      %mul3A_680 = arith.muli %scan3A_563, %mul3A_679 : i32
      %add3A_681 = arith.constant 3 : i32
      %add3A_682 = arith.addi %mul3A_680, %add3A_681 : i32
      %mul3A_683 = arith.constant 16 : i32
      %mul3A_684 = arith.muli %add3A_682, %mul3A_683 : i32
      %swap3A_685 = arith.constant 0 : i32
      %swap3A_686 = arith.index_cast %swap3A_685 : i32 to index
      %swap3A_687 = arith.index_cast %mul3A_684 : i32 to index
      %swap3A_688 = tpu.vector_load %arg8[%swap3A_686, %swap3A_687] {strides = array<i32>} : memref<2x4096xf32, #tpu.memory_space<vmem>>, vector<16xf32>,
      tpu.vector_store %arg8[%swap3A_686, %swap3A_687], %gather3A_645 {strides = array<i32>} : memref<2x4096xf32, #tpu.memory_space<vmem>>, vector<16xf32>,
      %mul3A_689 = arith.constant 8 : i32
      %mul3A_690 = arith.muli %scan3A_563, %mul3A_689 : i32
      %add3A_691 = arith.constant 4 : i32
      %add3A_692 = arith.addi %mul3A_690, %add3A_691 : i32
      %mul3A_693 = arith.constant 16 : i32
      %mul3A_694 = arith.muli %add3A_692, %mul3A_693 : i32
      %swap3A_695 = arith.constant 0 : i32
      %swap3A_696 = arith.index_cast %swap3A_695 : i32 to index
      %swap3A_697 = arith.index_cast %mul3A_694 : i32 to index
      %swap3A_698 = tpu.vector_load %arg8[%swap3A_696, %swap3A_697] {strides = array<i32>} : memref<2x4096xf32, #tpu.memory_space<vmem>>, vector<16xf32>,
      tpu.vector_store %arg8[%swap3A_696, %swap3A_697], %gather3A_646 {strides = array<i32>} : memref<2x4096xf32, #tpu.memory_space<vmem>>, vector<16xf32>,
      %mul3A_699 = arith.constant 8 : i32
      %mul3A_700 = arith.muli %scan3A_563, %mul3A_699 : i32
      %add3A_701 = arith.constant 5 : i32
      %add3A_702 = arith.addi %mul3A_700, %add3A_701 : i32
      %mul3A_703 = arith.constant 16 : i32
      %mul3A_704 = arith.muli %add3A_702, %mul3A_703 : i32
      %swap3A_705 = arith.constant 0 : i32
      %swap3A_706 = arith.index_cast %swap3A_705 : i32 to index
      %swap3A_707 = arith.index_cast %mul3A_704 : i32 to index
      %swap3A_708 = tpu.vector_load %arg8[%swap3A_706, %swap3A_707] {strides = array<i32>} : memref<2x4096xf32, #tpu.memory_space<vmem>>, vector<16xf32>,
      tpu.vector_store %arg8[%swap3A_706, %swap3A_707], %gather3A_647 {strides = array<i32>} : memref<2x4096xf32, #tpu.memory_space<vmem>>, vector<16xf32>,
      %mul3A_709 = arith.constant 8 : i32
      %mul3A_710 = arith.muli %scan3A_563, %mul3A_709 : i32
      %add3A_711 = arith.constant 6 : i32
      %add3A_712 = arith.addi %mul3A_710, %add3A_711 : i32
      %mul3A_713 = arith.constant 16 : i32
      %mul3A_714 = arith.muli %add3A_712, %mul3A_713 : i32
      %swap3A_715 = arith.constant 0 : i32
      %swap3A_716 = arith.index_cast %swap3A_715 : i32 to index
      %swap3A_717 = arith.index_cast %mul3A_714 : i32 to index
      %swap3A_718 = tpu.vector_load %arg8[%swap3A_716, %swap3A_717] {strides = array<i32>} : memref<2x4096xf32, #tpu.memory_space<vmem>>, vector<16xf32>,
      tpu.vector_store %arg8[%swap3A_716, %swap3A_717], %gather3A_648 {strides = array<i32>} : memref<2x4096xf32, #tpu.memory_space<vmem>>, vector<16xf32>,
      %mul3A_719 = arith.constant 8 : i32
      %mul3A_720 = arith.muli %scan3A_563, %mul3A_719 : i32
      %add3A_721 = arith.constant 7 : i32
      %add3A_722 = arith.addi %mul3A_720, %add3A_721 : i32
      %mul3A_723 = arith.constant 16 : i32
      %mul3A_724 = arith.muli %add3A_722, %mul3A_723 : i32
      %swap3A_725 = arith.constant 0 : i32
      %swap3A_726 = arith.index_cast %swap3A_725 : i32 to index
      %swap3A_727 = arith.index_cast %mul3A_724 : i32 to index
      %swap3A_728 = tpu.vector_load %arg8[%swap3A_726, %swap3A_727] {strides = array<i32>} : memref<2x4096xf32, #tpu.memory_space<vmem>>, vector<16xf32>,
      tpu.vector_store %arg8[%swap3A_726, %swap3A_727], %gather3A_649 {strides = array<i32>} : memref<2x4096xf32, #tpu.memory_space<vmem>>, vector<16xf32>,
    }
    %scan3A_115 = arith.constant 32 : i32
    %dma_start3A_116 = arith.constant 0 : i32
    %dma_start3A_117 = arith.constant 0 : i32
    %dma_start3A_118 = tpu.memref_slice %arg8[%dma_start3A_116, %dma_start3A_117] : memref<2x4096xf32, #tpu.memory_space<vmem>> -> memref<1x4096xf32, #tpu.memory_space<vmem>>
    %dma_start3A_119 = tpu.memref_squeeze %dma_start3A_118 : memref<1x4096xf32, #tpu.memory_space<vmem>> -> memref<4096xf32, #tpu.memory_space<vmem>>
    %dma_start3A_120 = arith.constant 8192 : i32
    %dma_start3A_121 = tpu.memref_slice %arg5[%add3A_54, %dma_start3A_120] : memref<96x16384xf32, #tpu.memory_space<hbm>> -> memref<1x4096xf32, #tpu.memory_space<hbm>>
    %dma_start3A_122 = tpu.memref_squeeze %dma_start3A_121 : memref<1x4096xf32, #tpu.memory_space<hbm>> -> memref<4096xf32, #tpu.memory_space<hbm>>
    %dma_start3A_123 = arith.constant 8192 : i32
    %dma_start3A_124 = tpu.memref_slice %arg5[%add3A_54, %dma_start3A_123] : memref<96x16384xf32, #tpu.memory_space<hbm>> -> memref<1x4096xf32, #tpu.memory_space<hbm>>
    %dma_start3A_125 = tpu.memref_squeeze %dma_start3A_124 : memref<1x4096xf32, #tpu.memory_space<hbm>> -> memref<4096xf32, #tpu.memory_space<hbm>>
    %dma_start3A_126 = arith.constant 0 : i32
    %dma_start3A_127 = tpu.memref_slice %arg8[%dma_start3A_116, %dma_start3A_126] : memref<2x4096xf32, #tpu.memory_space<vmem>> -> memref<1x4096xf32, #tpu.memory_space<vmem>>
    %dma_start3A_128 = tpu.memref_squeeze %dma_start3A_127 : memref<1x4096xf32, #tpu.memory_space<vmem>> -> memref<4096xf32, #tpu.memory_space<vmem>>
    tpu.enqueue_dma source(%dma_start3A_128 : memref<4096xf32, #tpu.memory_space<vmem>>) target(%dma_start3A_125 : memref<4096xf32, #tpu.memory_space<hbm>>) target_semaphore(%arg11 : memref<!tpu.dma_semaphore, #tpu.memory_space<semaphore_mem>>)
    %dma_wait3A_129 = arith.constant 1 : i32
    %dma_wait3A_130 = arith.constant 0 : i32
    %dma_wait3A_131 = tpu.memref_slice %arg8[%dma_wait3A_129, %dma_wait3A_130] : memref<2x4096xf32, #tpu.memory_space<vmem>> -> memref<1x4096xf32, #tpu.memory_space<vmem>>
    %dma_wait3A_132 = tpu.memref_squeeze %dma_wait3A_131 : memref<1x4096xf32, #tpu.memory_space<vmem>> -> memref<4096xf32, #tpu.memory_space<vmem>>
    %dma_wait3A_133 = arith.constant 0 : i32
    %dma_wait3A_134 = tpu.memref_slice %arg5[%add3A_54, %dma_wait3A_133] : memref<96x16384xf32, #tpu.memory_space<hbm>> -> memref<1x4096xf32, #tpu.memory_space<hbm>>
    %dma_wait3A_135 = tpu.memref_squeeze %dma_wait3A_134 : memref<1x4096xf32, #tpu.memory_space<hbm>> -> memref<4096xf32, #tpu.memory_space<hbm>>
    %dma_wait3A_136 = arith.constant 0 : i32
    %dma_wait3A_137 = tpu.memref_slice %arg5[%add3A_54, %dma_wait3A_136] : memref<96x16384xf32, #tpu.memory_space<hbm>> -> memref<1x4096xf32, #tpu.memory_space<hbm>>
    %dma_wait3A_138 = tpu.memref_squeeze %dma_wait3A_137 : memref<1x4096xf32, #tpu.memory_space<hbm>> -> memref<4096xf32, #tpu.memory_space<hbm>>
    %dma_wait3A_139 = arith.constant 0 : i32
    %dma_wait3A_140 = tpu.memref_slice %arg8[%dma_wait3A_129, %dma_wait3A_139] : memref<2x4096xf32, #tpu.memory_space<vmem>> -> memref<1x4096xf32, #tpu.memory_space<vmem>>
    %dma_wait3A_141 = tpu.memref_squeeze %dma_wait3A_140 : memref<1x4096xf32, #tpu.memory_space<vmem>> -> memref<4096xf32, #tpu.memory_space<vmem>>
    tpu.wait_dma2 semaphore(%arg11 : memref<!tpu.dma_semaphore, #tpu.memory_space<semaphore_mem>>) src(%dma_wait3A_141 : memref<4096xf32, #tpu.memory_space<vmem>>) dst(%dma_wait3A_138 : memref<4096xf32, #tpu.memory_space<hbm>>)
    %scan3A_142 = arith.constant 0 : i32
    %scan3A_143 = arith.constant 0 : i32
    %scan3A_144 = arith.constant 32 : i32
    %scan3A_145 = arith.addi %scan3A_143, %scan3A_144 : i32
    %scan3A_146 = arith.constant 1 : i32
    scf.for %scan3A_563 = %scan3A_143 to %scan3A_145 step %scan3A_146  : i32 {
      %mul3A_564 = arith.constant 8 : i32
      %mul3A_565 = arith.muli %scan3A_563, %mul3A_564 : i32
      %add3A_566 = arith.constant 0 : i32
      %add3A_567 = arith.addi %mul3A_565, %add3A_566 : i32
      %mul3A_568 = arith.constant 16 : i32
      %mul3A_569 = arith.muli %add3A_567, %mul3A_568 : i32
      %add3A_570 = arith.constant 12288 : i32
      %add3A_571 = arith.addi %add3A_570, %mul3A_569 : i32
      %get3A = arith.index_cast %add3A_571 : i32 to index
      %get3A_572 = tpu.vector_load %arg6[%get3A] {strides = array<i32>} : memref<16384xi32, #tpu.memory_space<vmem>>, vector<16xi32>,
      %mul3A_573 = arith.constant 8 : i32
      %mul3A_574 = arith.muli %scan3A_563, %mul3A_573 : i32
      %add3A_575 = arith.constant 1 : i32
      %add3A_576 = arith.addi %mul3A_574, %add3A_575 : i32
      %mul3A_577 = arith.constant 16 : i32
      %mul3A_578 = arith.muli %add3A_576, %mul3A_577 : i32
      %add3A_579 = arith.constant 12288 : i32
      %add3A_580 = arith.addi %add3A_579, %mul3A_578 : i32
      %get3A_581 = arith.index_cast %add3A_580 : i32 to index
      %get3A_582 = tpu.vector_load %arg6[%get3A_581] {strides = array<i32>} : memref<16384xi32, #tpu.memory_space<vmem>>, vector<16xi32>,
      %mul3A_583 = arith.constant 8 : i32
      %mul3A_584 = arith.muli %scan3A_563, %mul3A_583 : i32
      %add3A_585 = arith.constant 2 : i32
      %add3A_586 = arith.addi %mul3A_584, %add3A_585 : i32
      %mul3A_587 = arith.constant 16 : i32
      %mul3A_588 = arith.muli %add3A_586, %mul3A_587 : i32
      %add3A_589 = arith.constant 12288 : i32
      %add3A_590 = arith.addi %add3A_589, %mul3A_588 : i32
      %get3A_591 = arith.index_cast %add3A_590 : i32 to index
      %get3A_592 = tpu.vector_load %arg6[%get3A_591] {strides = array<i32>} : memref<16384xi32, #tpu.memory_space<vmem>>, vector<16xi32>,
      %mul3A_593 = arith.constant 8 : i32
      %mul3A_594 = arith.muli %scan3A_563, %mul3A_593 : i32
      %add3A_595 = arith.constant 3 : i32
      %add3A_596 = arith.addi %mul3A_594, %add3A_595 : i32
      %mul3A_597 = arith.constant 16 : i32
      %mul3A_598 = arith.muli %add3A_596, %mul3A_597 : i32
      %add3A_599 = arith.constant 12288 : i32
      %add3A_600 = arith.addi %add3A_599, %mul3A_598 : i32
      %get3A_601 = arith.index_cast %add3A_600 : i32 to index
      %get3A_602 = tpu.vector_load %arg6[%get3A_601] {strides = array<i32>} : memref<16384xi32, #tpu.memory_space<vmem>>, vector<16xi32>,
      %mul3A_603 = arith.constant 8 : i32
      %mul3A_604 = arith.muli %scan3A_563, %mul3A_603 : i32
      %add3A_605 = arith.constant 4 : i32
      %add3A_606 = arith.addi %mul3A_604, %add3A_605 : i32
      %mul3A_607 = arith.constant 16 : i32
      %mul3A_608 = arith.muli %add3A_606, %mul3A_607 : i32
      %add3A_609 = arith.constant 12288 : i32
      %add3A_610 = arith.addi %add3A_609, %mul3A_608 : i32
      %get3A_611 = arith.index_cast %add3A_610 : i32 to index
      %get3A_612 = tpu.vector_load %arg6[%get3A_611] {strides = array<i32>} : memref<16384xi32, #tpu.memory_space<vmem>>, vector<16xi32>,
      %mul3A_613 = arith.constant 8 : i32
      %mul3A_614 = arith.muli %scan3A_563, %mul3A_613 : i32
      %add3A_615 = arith.constant 5 : i32
      %add3A_616 = arith.addi %mul3A_614, %add3A_615 : i32
      %mul3A_617 = arith.constant 16 : i32
      %mul3A_618 = arith.muli %add3A_616, %mul3A_617 : i32
      %add3A_619 = arith.constant 12288 : i32
      %add3A_620 = arith.addi %add3A_619, %mul3A_618 : i32
      %get3A_621 = arith.index_cast %add3A_620 : i32 to index
      %get3A_622 = tpu.vector_load %arg6[%get3A_621] {strides = array<i32>} : memref<16384xi32, #tpu.memory_space<vmem>>, vector<16xi32>,
      %mul3A_623 = arith.constant 8 : i32
      %mul3A_624 = arith.muli %scan3A_563, %mul3A_623 : i32
      %add3A_625 = arith.constant 6 : i32
      %add3A_626 = arith.addi %mul3A_624, %add3A_625 : i32
      %mul3A_627 = arith.constant 16 : i32
      %mul3A_628 = arith.muli %add3A_626, %mul3A_627 : i32
      %add3A_629 = arith.constant 12288 : i32
      %add3A_630 = arith.addi %add3A_629, %mul3A_628 : i32
      %get3A_631 = arith.index_cast %add3A_630 : i32 to index
      %get3A_632 = tpu.vector_load %arg6[%get3A_631] {strides = array<i32>} : memref<16384xi32, #tpu.memory_space<vmem>>, vector<16xi32>,
      %mul3A_633 = arith.constant 8 : i32
      %mul3A_634 = arith.muli %scan3A_563, %mul3A_633 : i32
      %add3A_635 = arith.constant 7 : i32
      %add3A_636 = arith.addi %mul3A_634, %add3A_635 : i32
      %mul3A_637 = arith.constant 16 : i32
      %mul3A_638 = arith.muli %add3A_636, %mul3A_637 : i32
      %add3A_639 = arith.constant 12288 : i32
      %add3A_640 = arith.addi %add3A_639, %mul3A_638 : i32
      %get3A_641 = arith.index_cast %add3A_640 : i32 to index
      %get3A_642 = tpu.vector_load %arg6[%get3A_641] {strides = array<i32>} : memref<16384xi32, #tpu.memory_space<vmem>>, vector<16xi32>,
      %gather3A = tpu.vector_load_idx %arg7[%broadcast_in_dim3A_1, %get3A_572] : memref<1x100096xf32, #tpu.memory_space<vmem>>[vector<16xi32>, vector<16xi32>], vector<16xf32>,
      %gather3A_643 = tpu.vector_load_idx %arg7[%broadcast_in_dim3A_1, %get3A_582] : memref<1x100096xf32, #tpu.memory_space<vmem>>[vector<16xi32>, vector<16xi32>], vector<16xf32>,
      %gather3A_644 = tpu.vector_load_idx %arg7[%broadcast_in_dim3A_1, %get3A_592] : memref<1x100096xf32, #tpu.memory_space<vmem>>[vector<16xi32>, vector<16xi32>], vector<16xf32>,
      %gather3A_645 = tpu.vector_load_idx %arg7[%broadcast_in_dim3A_1, %get3A_602] : memref<1x100096xf32, #tpu.memory_space<vmem>>[vector<16xi32>, vector<16xi32>], vector<16xf32>,
      %gather3A_646 = tpu.vector_load_idx %arg7[%broadcast_in_dim3A_1, %get3A_612] : memref<1x100096xf32, #tpu.memory_space<vmem>>[vector<16xi32>, vector<16xi32>], vector<16xf32>,
      %gather3A_647 = tpu.vector_load_idx %arg7[%broadcast_in_dim3A_1, %get3A_622] : memref<1x100096xf32, #tpu.memory_space<vmem>>[vector<16xi32>, vector<16xi32>], vector<16xf32>,
      %gather3A_648 = tpu.vector_load_idx %arg7[%broadcast_in_dim3A_1, %get3A_632] : memref<1x100096xf32, #tpu.memory_space<vmem>>[vector<16xi32>, vector<16xi32>], vector<16xf32>,
      %gather3A_649 = tpu.vector_load_idx %arg7[%broadcast_in_dim3A_1, %get3A_642] : memref<1x100096xf32, #tpu.memory_space<vmem>>[vector<16xi32>, vector<16xi32>], vector<16xf32>,
      %mul3A_650 = arith.constant 8 : i32
      %mul3A_651 = arith.muli %scan3A_563, %mul3A_650 : i32
      %add3A_652 = arith.constant 0 : i32
      %add3A_653 = arith.addi %mul3A_651, %add3A_652 : i32
      %mul3A_654 = arith.constant 16 : i32
      %mul3A_655 = arith.muli %add3A_653, %mul3A_654 : i32
      %swap3A = arith.constant 1 : i32
      %swap3A_656 = arith.index_cast %swap3A : i32 to index
      %swap3A_657 = arith.index_cast %mul3A_655 : i32 to index
      %swap3A_658 = tpu.vector_load %arg8[%swap3A_656, %swap3A_657] {strides = array<i32>} : memref<2x4096xf32, #tpu.memory_space<vmem>>, vector<16xf32>,
      tpu.vector_store %arg8[%swap3A_656, %swap3A_657], %gather3A {strides = array<i32>} : memref<2x4096xf32, #tpu.memory_space<vmem>>, vector<16xf32>,
      %mul3A_659 = arith.constant 8 : i32
      %mul3A_660 = arith.muli %scan3A_563, %mul3A_659 : i32
      %add3A_661 = arith.constant 1 : i32
      %add3A_662 = arith.addi %mul3A_660, %add3A_661 : i32
      %mul3A_663 = arith.constant 16 : i32
      %mul3A_664 = arith.muli %add3A_662, %mul3A_663 : i32
      %swap3A_665 = arith.constant 1 : i32
      %swap3A_666 = arith.index_cast %swap3A_665 : i32 to index
      %swap3A_667 = arith.index_cast %mul3A_664 : i32 to index
      %swap3A_668 = tpu.vector_load %arg8[%swap3A_666, %swap3A_667] {strides = array<i32>} : memref<2x4096xf32, #tpu.memory_space<vmem>>, vector<16xf32>,
      tpu.vector_store %arg8[%swap3A_666, %swap3A_667], %gather3A_643 {strides = array<i32>} : memref<2x4096xf32, #tpu.memory_space<vmem>>, vector<16xf32>,
      %mul3A_669 = arith.constant 8 : i32
      %mul3A_670 = arith.muli %scan3A_563, %mul3A_669 : i32
      %add3A_671 = arith.constant 2 : i32
      %add3A_672 = arith.addi %mul3A_670, %add3A_671 : i32
      %mul3A_673 = arith.constant 16 : i32
      %mul3A_674 = arith.muli %add3A_672, %mul3A_673 : i32
      %swap3A_675 = arith.constant 1 : i32
      %swap3A_676 = arith.index_cast %swap3A_675 : i32 to index
      %swap3A_677 = arith.index_cast %mul3A_674 : i32 to index
      %swap3A_678 = tpu.vector_load %arg8[%swap3A_676, %swap3A_677] {strides = array<i32>} : memref<2x4096xf32, #tpu.memory_space<vmem>>, vector<16xf32>,
      tpu.vector_store %arg8[%swap3A_676, %swap3A_677], %gather3A_644 {strides = array<i32>} : memref<2x4096xf32, #tpu.memory_space<vmem>>, vector<16xf32>,
      %mul3A_679 = arith.constant 8 : i32
      %mul3A_680 = arith.muli %scan3A_563, %mul3A_679 : i32
      %add3A_681 = arith.constant 3 : i32
      %add3A_682 = arith.addi %mul3A_680, %add3A_681 : i32
      %mul3A_683 = arith.constant 16 : i32
      %mul3A_684 = arith.muli %add3A_682, %mul3A_683 : i32
      %swap3A_685 = arith.constant 1 : i32
      %swap3A_686 = arith.index_cast %swap3A_685 : i32 to index
      %swap3A_687 = arith.index_cast %mul3A_684 : i32 to index
      %swap3A_688 = tpu.vector_load %arg8[%swap3A_686, %swap3A_687] {strides = array<i32>} : memref<2x4096xf32, #tpu.memory_space<vmem>>, vector<16xf32>,
      tpu.vector_store %arg8[%swap3A_686, %swap3A_687], %gather3A_645 {strides = array<i32>} : memref<2x4096xf32, #tpu.memory_space<vmem>>, vector<16xf32>,
      %mul3A_689 = arith.constant 8 : i32
      %mul3A_690 = arith.muli %scan3A_563, %mul3A_689 : i32
      %add3A_691 = arith.constant 4 : i32
      %add3A_692 = arith.addi %mul3A_690, %add3A_691 : i32
      %mul3A_693 = arith.constant 16 : i32
      %mul3A_694 = arith.muli %add3A_692, %mul3A_693 : i32
      %swap3A_695 = arith.constant 1 : i32
      %swap3A_696 = arith.index_cast %swap3A_695 : i32 to index
      %swap3A_697 = arith.index_cast %mul3A_694 : i32 to index
      %swap3A_698 = tpu.vector_load %arg8[%swap3A_696, %swap3A_697] {strides = array<i32>} : memref<2x4096xf32, #tpu.memory_space<vmem>>, vector<16xf32>,
      tpu.vector_store %arg8[%swap3A_696, %swap3A_697], %gather3A_646 {strides = array<i32>} : memref<2x4096xf32, #tpu.memory_space<vmem>>, vector<16xf32>,
      %mul3A_699 = arith.constant 8 : i32
      %mul3A_700 = arith.muli %scan3A_563, %mul3A_699 : i32
      %add3A_701 = arith.constant 5 : i32
      %add3A_702 = arith.addi %mul3A_700, %add3A_701 : i32
      %mul3A_703 = arith.constant 16 : i32
      %mul3A_704 = arith.muli %add3A_702, %mul3A_703 : i32
      %swap3A_705 = arith.constant 1 : i32
      %swap3A_706 = arith.index_cast %swap3A_705 : i32 to index
      %swap3A_707 = arith.index_cast %mul3A_704 : i32 to index
      %swap3A_708 = tpu.vector_load %arg8[%swap3A_706, %swap3A_707] {strides = array<i32>} : memref<2x4096xf32, #tpu.memory_space<vmem>>, vector<16xf32>,
      tpu.vector_store %arg8[%swap3A_706, %swap3A_707], %gather3A_647 {strides = array<i32>} : memref<2x4096xf32, #tpu.memory_space<vmem>>, vector<16xf32>,
      %mul3A_709 = arith.constant 8 : i32
      %mul3A_710 = arith.muli %scan3A_563, %mul3A_709 : i32
      %add3A_711 = arith.constant 6 : i32
      %add3A_712 = arith.addi %mul3A_710, %add3A_711 : i32
      %mul3A_713 = arith.constant 16 : i32
      %mul3A_714 = arith.muli %add3A_712, %mul3A_713 : i32
      %swap3A_715 = arith.constant 1 : i32
      %swap3A_716 = arith.index_cast %swap3A_715 : i32 to index
      %swap3A_717 = arith.index_cast %mul3A_714 : i32 to index
      %swap3A_718 = tpu.vector_load %arg8[%swap3A_716, %swap3A_717] {strides = array<i32>} : memref<2x4096xf32, #tpu.memory_space<vmem>>, vector<16xf32>,
      tpu.vector_store %arg8[%swap3A_716, %swap3A_717], %gather3A_648 {strides = array<i32>} : memref<2x4096xf32, #tpu.memory_space<vmem>>, vector<16xf32>,
      %mul3A_719 = arith.constant 8 : i32
      %mul3A_720 = arith.muli %scan3A_563, %mul3A_719 : i32
      %add3A_721 = arith.constant 7 : i32
      %add3A_722 = arith.addi %mul3A_720, %add3A_721 : i32
      %mul3A_723 = arith.constant 16 : i32
      %mul3A_724 = arith.muli %add3A_722, %mul3A_723 : i32
      %swap3A_725 = arith.constant 1 : i32
      %swap3A_726 = arith.index_cast %swap3A_725 : i32 to index
      %swap3A_727 = arith.index_cast %mul3A_724 : i32 to index
      %swap3A_728 = tpu.vector_load %arg8[%swap3A_726, %swap3A_727] {strides = array<i32>} : memref<2x4096xf32, #tpu.memory_space<vmem>>, vector<16xf32>,
      tpu.vector_store %arg8[%swap3A_726, %swap3A_727], %gather3A_649 {strides = array<i32>} : memref<2x4096xf32, #tpu.memory_space<vmem>>, vector<16xf32>,
    }
    %scan3A_147 = arith.constant 32 : i32
    %dma_start3A_148 = arith.constant 1 : i32
    %dma_start3A_149 = arith.constant 0 : i32
    %dma_start3A_150 = tpu.memref_slice %arg8[%dma_start3A_148, %dma_start3A_149] : memref<2x4096xf32, #tpu.memory_space<vmem>> -> memref<1x4096xf32, #tpu.memory_space<vmem>>
    %dma_start3A_151 = tpu.memref_squeeze %dma_start3A_150 : memref<1x4096xf32, #tpu.memory_space<vmem>> -> memref<4096xf32, #tpu.memory_space<vmem>>
    %dma_start3A_152 = arith.constant 12288 : i32
    %dma_start3A_153 = tpu.memref_slice %arg5[%add3A_54, %dma_start3A_152] : memref<96x16384xf32, #tpu.memory_space<hbm>> -> memref<1x4096xf32, #tpu.memory_space<hbm>>
    %dma_start3A_154 = tpu.memref_squeeze %dma_start3A_153 : memref<1x4096xf32, #tpu.memory_space<hbm>> -> memref<4096xf32, #tpu.memory_space<hbm>>
    %dma_start3A_155 = arith.constant 12288 : i32
    %dma_start3A_156 = tpu.memref_slice %arg5[%add3A_54, %dma_start3A_155] : memref<96x16384xf32, #tpu.memory_space<hbm>> -> memref<1x4096xf32, #tpu.memory_space<hbm>>
    %dma_start3A_157 = tpu.memref_squeeze %dma_start3A_156 : memref<1x4096xf32, #tpu.memory_space<hbm>> -> memref<4096xf32, #tpu.memory_space<hbm>>
    %dma_start3A_158 = arith.constant 0 : i32
    %dma_start3A_159 = tpu.memref_slice %arg8[%dma_start3A_148, %dma_start3A_158] : memref<2x4096xf32, #tpu.memory_space<vmem>> -> memref<1x4096xf32, #tpu.memory_space<vmem>>
    %dma_start3A_160 = tpu.memref_squeeze %dma_start3A_159 : memref<1x4096xf32, #tpu.memory_space<vmem>> -> memref<4096xf32, #tpu.memory_space<vmem>>
    tpu.enqueue_dma source(%dma_start3A_160 : memref<4096xf32, #tpu.memory_space<vmem>>) target(%dma_start3A_157 : memref<4096xf32, #tpu.memory_space<hbm>>) target_semaphore(%arg11 : memref<!tpu.dma_semaphore, #tpu.memory_space<semaphore_mem>>)
    %add3A_161 = arith.constant 1 : i32
    %add3A_162 = arith.addi %add3A_54, %add3A_161 : i32
    %dma_start3A_163 = arith.constant 0 : i32
    %dma_start3A_164 = arith.constant 0 : i32
    %dma_start3A_165 = tpu.memref_slice %arg7[%dma_start3A_163, %dma_start3A_164] : memref<1x100096xf32, #tpu.memory_space<vmem>> -> memref<1x25088xf32, #tpu.memory_space<vmem>>
    %dma_start3A_166 = arith.constant 0 : i32
    %dma_start3A_167 = tpu.memref_slice %arg3[%add3A_162, %dma_start3A_166] : memref<96x100001xf32, #tpu.memory_space<hbm>> -> memref<1x25088xf32, #tpu.memory_space<hbm>>
    %dma_start3A_168 = arith.constant 0 : i32
    %dma_start3A_169 = arith.constant 0 : i32
    %dma_start3A_170 = tpu.memref_slice %arg7[%dma_start3A_168, %dma_start3A_169] : memref<1x100096xf32, #tpu.memory_space<vmem>> -> memref<1x25088xf32, #tpu.memory_space<vmem>>
    %dma_start3A_171 = arith.constant 0 : i32
    %dma_start3A_172 = tpu.memref_slice %arg3[%add3A_162, %dma_start3A_171] : memref<96x100001xf32, #tpu.memory_space<hbm>> -> memref<1x25088xf32, #tpu.memory_space<hbm>>
    tpu.enqueue_dma source(%dma_start3A_172 : memref<1x25088xf32, #tpu.memory_space<hbm>>) target(%dma_start3A_170 : memref<1x25088xf32, #tpu.memory_space<vmem>>) target_semaphore(%arg9 : memref<!tpu.dma_semaphore, #tpu.memory_space<semaphore_mem>>)
    %dma_start3A_173 = arith.constant 0 : i32
    %dma_start3A_174 = arith.constant 25088 : i32
    %dma_start3A_175 = tpu.memref_slice %arg7[%dma_start3A_173, %dma_start3A_174] : memref<1x100096xf32, #tpu.memory_space<vmem>> -> memref<1x25088xf32, #tpu.memory_space<vmem>>
    %dma_start3A_176 = arith.constant 25088 : i32
    %dma_start3A_177 = tpu.memref_slice %arg3[%add3A_162, %dma_start3A_176] : memref<96x100001xf32, #tpu.memory_space<hbm>> -> memref<1x25088xf32, #tpu.memory_space<hbm>>
    %dma_start3A_178 = arith.constant 0 : i32
    %dma_start3A_179 = arith.constant 25088 : i32
    %dma_start3A_180 = tpu.memref_slice %arg7[%dma_start3A_178, %dma_start3A_179] : memref<1x100096xf32, #tpu.memory_space<vmem>> -> memref<1x25088xf32, #tpu.memory_space<vmem>>
    %dma_start3A_181 = arith.constant 25088 : i32
    %dma_start3A_182 = tpu.memref_slice %arg3[%add3A_162, %dma_start3A_181] : memref<96x100001xf32, #tpu.memory_space<hbm>> -> memref<1x25088xf32, #tpu.memory_space<hbm>>
    tpu.enqueue_dma source(%dma_start3A_182 : memref<1x25088xf32, #tpu.memory_space<hbm>>) target(%dma_start3A_180 : memref<1x25088xf32, #tpu.memory_space<vmem>>) target_semaphore(%arg9 : memref<!tpu.dma_semaphore, #tpu.memory_space<semaphore_mem>>)
    %dma_start3A_183 = arith.constant 0 : i32
    %dma_start3A_184 = arith.constant 50176 : i32
    %dma_start3A_185 = tpu.memref_slice %arg7[%dma_start3A_183, %dma_start3A_184] : memref<1x100096xf32, #tpu.memory_space<vmem>> -> memref<1x25088xf32, #tpu.memory_space<vmem>>
    %dma_start3A_186 = arith.constant 50176 : i32
    %dma_start3A_187 = tpu.memref_slice %arg3[%add3A_162, %dma_start3A_186] : memref<96x100001xf32, #tpu.memory_space<hbm>> -> memref<1x25088xf32, #tpu.memory_space<hbm>>
    %dma_start3A_188 = arith.constant 0 : i32
    %dma_start3A_189 = arith.constant 50176 : i32
    %dma_start3A_190 = tpu.memref_slice %arg7[%dma_start3A_188, %dma_start3A_189] : memref<1x100096xf32, #tpu.memory_space<vmem>> -> memref<1x25088xf32, #tpu.memory_space<vmem>>
    %dma_start3A_191 = arith.constant 50176 : i32
    %dma_start3A_192 = tpu.memref_slice %arg3[%add3A_162, %dma_start3A_191] : memref<96x100001xf32, #tpu.memory_space<hbm>> -> memref<1x25088xf32, #tpu.memory_space<hbm>>
    tpu.enqueue_dma source(%dma_start3A_192 : memref<1x25088xf32, #tpu.memory_space<hbm>>) target(%dma_start3A_190 : memref<1x25088xf32, #tpu.memory_space<vmem>>) target_semaphore(%arg9 : memref<!tpu.dma_semaphore, #tpu.memory_space<semaphore_mem>>)
    %dma_start3A_193 = arith.constant 0 : i32
    %dma_start3A_194 = arith.constant 75264 : i32
    %dma_start3A_195 = tpu.memref_slice %arg7[%dma_start3A_193, %dma_start3A_194] : memref<1x100096xf32, #tpu.memory_space<vmem>> -> memref<1x24704xf32, #tpu.memory_space<vmem>>
    %dma_start3A_196 = arith.constant 75264 : i32
    %dma_start3A_197 = tpu.memref_slice %arg3[%add3A_162, %dma_start3A_196] : memref<96x100001xf32, #tpu.memory_space<hbm>> -> memref<1x24704xf32, #tpu.memory_space<hbm>>
    %dma_start3A_198 = arith.constant 0 : i32
    %dma_start3A_199 = arith.constant 75264 : i32
    %dma_start3A_200 = tpu.memref_slice %arg7[%dma_start3A_198, %dma_start3A_199] : memref<1x100096xf32, #tpu.memory_space<vmem>> -> memref<1x24704xf32, #tpu.memory_space<vmem>>
    %dma_start3A_201 = arith.constant 75264 : i32
    %dma_start3A_202 = tpu.memref_slice %arg3[%add3A_162, %dma_start3A_201] : memref<96x100001xf32, #tpu.memory_space<hbm>> -> memref<1x24704xf32, #tpu.memory_space<hbm>>
    tpu.enqueue_dma source(%dma_start3A_202 : memref<1x24704xf32, #tpu.memory_space<hbm>>) target(%dma_start3A_200 : memref<1x24704xf32, #tpu.memory_space<vmem>>) target_semaphore(%arg9 : memref<!tpu.dma_semaphore, #tpu.memory_space<semaphore_mem>>)
    %dma_start3A_203 = arith.constant 0 : i32
    %dma_start3A_204 = arith.constant 99968 : i32
    %dma_start3A_205 = tpu.memref_slice %arg7[%dma_start3A_203, %dma_start3A_204] : memref<1x100096xf32, #tpu.memory_space<vmem>> -> memref<1x128xf32, #tpu.memory_space<vmem>>
    %dma_start3A_206 = arith.constant 0 : i32
    %dma_start3A_207 = tpu.memref_slice %arg4[%add3A_162, %dma_start3A_206] : memref<96x128xf32, #tpu.memory_space<hbm>> -> memref<1x128xf32, #tpu.memory_space<hbm>>
    %dma_start3A_208 = arith.constant 0 : i32
    %dma_start3A_209 = arith.constant 99968 : i32
    %dma_start3A_210 = tpu.memref_slice %arg7[%dma_start3A_208, %dma_start3A_209] : memref<1x100096xf32, #tpu.memory_space<vmem>> -> memref<1x128xf32, #tpu.memory_space<vmem>>
    %dma_start3A_211 = arith.constant 0 : i32
    %dma_start3A_212 = tpu.memref_slice %arg4[%add3A_162, %dma_start3A_211] : memref<96x128xf32, #tpu.memory_space<hbm>> -> memref<1x128xf32, #tpu.memory_space<hbm>>
    tpu.enqueue_dma source(%dma_start3A_212 : memref<1x128xf32, #tpu.memory_space<hbm>>) target(%dma_start3A_210 : memref<1x128xf32, #tpu.memory_space<vmem>>) target_semaphore(%arg9 : memref<!tpu.dma_semaphore, #tpu.memory_space<semaphore_mem>>)
    %dma_wait3A_213 = arith.constant 0 : i32
    %dma_wait3A_214 = arith.constant 0 : i32
    %dma_wait3A_215 = tpu.memref_slice %arg8[%dma_wait3A_213, %dma_wait3A_214] : memref<2x4096xf32, #tpu.memory_space<vmem>> -> memref<1x4096xf32, #tpu.memory_space<vmem>>
    %dma_wait3A_216 = tpu.memref_squeeze %dma_wait3A_215 : memref<1x4096xf32, #tpu.memory_space<vmem>> -> memref<4096xf32, #tpu.memory_space<vmem>>
    %dma_wait3A_217 = arith.constant 0 : i32
    %dma_wait3A_218 = tpu.memref_slice %arg5[%add3A_54, %dma_wait3A_217] : memref<96x16384xf32, #tpu.memory_space<hbm>> -> memref<1x4096xf32, #tpu.memory_space<hbm>>
    %dma_wait3A_219 = tpu.memref_squeeze %dma_wait3A_218 : memref<1x4096xf32, #tpu.memory_space<hbm>> -> memref<4096xf32, #tpu.memory_space<hbm>>
    %dma_wait3A_220 = arith.constant 0 : i32
    %dma_wait3A_221 = tpu.memref_slice %arg5[%add3A_54, %dma_wait3A_220] : memref<96x16384xf32, #tpu.memory_space<hbm>> -> memref<1x4096xf32, #tpu.memory_space<hbm>>
    %dma_wait3A_222 = tpu.memref_squeeze %dma_wait3A_221 : memref<1x4096xf32, #tpu.memory_space<hbm>> -> memref<4096xf32, #tpu.memory_space<hbm>>
    %dma_wait3A_223 = arith.constant 0 : i32
    %dma_wait3A_224 = tpu.memref_slice %arg8[%dma_wait3A_213, %dma_wait3A_223] : memref<2x4096xf32, #tpu.memory_space<vmem>> -> memref<1x4096xf32, #tpu.memory_space<vmem>>
    %dma_wait3A_225 = tpu.memref_squeeze %dma_wait3A_224 : memref<1x4096xf32, #tpu.memory_space<vmem>> -> memref<4096xf32, #tpu.memory_space<vmem>>
    tpu.wait_dma2 semaphore(%arg11 : memref<!tpu.dma_semaphore, #tpu.memory_space<semaphore_mem>>) src(%dma_wait3A_225 : memref<4096xf32, #tpu.memory_space<vmem>>) dst(%dma_wait3A_222 : memref<4096xf32, #tpu.memory_space<hbm>>)
    %dma_wait3A_226 = arith.constant 0 : i32
    %dma_wait3A_227 = arith.constant 0 : i32
    %dma_wait3A_228 = tpu.memref_slice %arg8[%dma_wait3A_226, %dma_wait3A_227] : memref<2x4096xf32, #tpu.memory_space<vmem>> -> memref<1x4096xf32, #tpu.memory_space<vmem>>
    %dma_wait3A_229 = tpu.memref_squeeze %dma_wait3A_228 : memref<1x4096xf32, #tpu.memory_space<vmem>> -> memref<4096xf32, #tpu.memory_space<vmem>>
    %dma_wait3A_230 = arith.constant 0 : i32
    %dma_wait3A_231 = tpu.memref_slice %arg5[%add3A_54, %dma_wait3A_230] : memref<96x16384xf32, #tpu.memory_space<hbm>> -> memref<1x4096xf32, #tpu.memory_space<hbm>>
    %dma_wait3A_232 = tpu.memref_squeeze %dma_wait3A_231 : memref<1x4096xf32, #tpu.memory_space<hbm>> -> memref<4096xf32, #tpu.memory_space<hbm>>
    %dma_wait3A_233 = arith.constant 0 : i32
    %dma_wait3A_234 = tpu.memref_slice %arg5[%add3A_54, %dma_wait3A_233] : memref<96x16384xf32, #tpu.memory_space<hbm>> -> memref<1x4096xf32, #tpu.memory_space<hbm>>
    %dma_wait3A_235 = tpu.memref_squeeze %dma_wait3A_234 : memref<1x4096xf32, #tpu.memory_space<hbm>> -> memref<4096xf32, #tpu.memory_space<hbm>>
    %dma_wait3A_236 = arith.constant 0 : i32
    %dma_wait3A_237 = tpu.memref_slice %arg8[%dma_wait3A_226, %dma_wait3A_236] : memref<2x4096xf32, #tpu.memory_space<vmem>> -> memref<1x4096xf32, #tpu.memory_space<vmem>>
    %dma_wait3A_238 = tpu.memref_squeeze %dma_wait3A_237 : memref<1x4096xf32, #tpu.memory_space<vmem>> -> memref<4096xf32, #tpu.memory_space<vmem>>
    tpu.wait_dma2 semaphore(%arg11 : memref<!tpu.dma_semaphore, #tpu.memory_space<semaphore_mem>>) src(%dma_wait3A_238 : memref<4096xf32, #tpu.memory_space<vmem>>) dst(%dma_wait3A_235 : memref<4096xf32, #tpu.memory_space<hbm>>)
    %add3A_239 = arith.constant 1 : i32
    %add3A_240 = arith.addi %mul3A_3, %add3A_239 : i32
    %dma_wait3A_241 = arith.constant 0 : i32
    %dma_wait3A_242 = arith.constant 0 : i32
    %dma_wait3A_243 = tpu.memref_slice %arg3[%dma_wait3A_241, %dma_wait3A_242] : memref<96x100001xf32, #tpu.memory_space<hbm>> -> memref<1x100096xf32, #tpu.memory_space<hbm>>
    %dma_wait3A_244 = arith.constant 0 : i32
    %dma_wait3A_245 = arith.constant 0 : i32
    %dma_wait3A_246 = tpu.memref_slice %arg3[%dma_wait3A_244, %dma_wait3A_245] : memref<96x100001xf32, #tpu.memory_space<hbm>> -> memref<1x100096xf32, #tpu.memory_space<hbm>>
    tpu.wait_dma2 semaphore(%arg9 : memref<!tpu.dma_semaphore, #tpu.memory_space<semaphore_mem>>) src(%dma_wait3A_246 : memref<1x100096xf32, #tpu.memory_space<hbm>>) dst(%arg7 : memref<1x100096xf32, #tpu.memory_space<vmem>>)
    %scan3A_247 = arith.constant 0 : i32
    %scan3A_248 = arith.constant 0 : i32
    %scan3A_249 = arith.constant 32 : i32
    %scan3A_250 = arith.addi %scan3A_248, %scan3A_249 : i32
    %scan3A_251 = arith.constant 1 : i32
    scf.for %scan3A_563 = %scan3A_248 to %scan3A_250 step %scan3A_251  : i32 {
      %mul3A_564 = arith.constant 8 : i32
      %mul3A_565 = arith.muli %scan3A_563, %mul3A_564 : i32
      %add3A_566 = arith.constant 0 : i32
      %add3A_567 = arith.addi %mul3A_565, %add3A_566 : i32
      %mul3A_568 = arith.constant 16 : i32
      %mul3A_569 = arith.muli %add3A_567, %mul3A_568 : i32
      %add3A_570 = arith.constant 0 : i32
      %add3A_571 = arith.addi %add3A_570, %mul3A_569 : i32
      %get3A = arith.index_cast %add3A_571 : i32 to index
      %get3A_572 = tpu.vector_load %arg6[%get3A] {strides = array<i32>} : memref<16384xi32, #tpu.memory_space<vmem>>, vector<16xi32>,
      %mul3A_573 = arith.constant 8 : i32
      %mul3A_574 = arith.muli %scan3A_563, %mul3A_573 : i32
      %add3A_575 = arith.constant 1 : i32
      %add3A_576 = arith.addi %mul3A_574, %add3A_575 : i32
      %mul3A_577 = arith.constant 16 : i32
      %mul3A_578 = arith.muli %add3A_576, %mul3A_577 : i32
      %add3A_579 = arith.constant 0 : i32
      %add3A_580 = arith.addi %add3A_579, %mul3A_578 : i32
      %get3A_581 = arith.index_cast %add3A_580 : i32 to index
      %get3A_582 = tpu.vector_load %arg6[%get3A_581] {strides = array<i32>} : memref<16384xi32, #tpu.memory_space<vmem>>, vector<16xi32>,
      %mul3A_583 = arith.constant 8 : i32
      %mul3A_584 = arith.muli %scan3A_563, %mul3A_583 : i32
      %add3A_585 = arith.constant 2 : i32
      %add3A_586 = arith.addi %mul3A_584, %add3A_585 : i32
      %mul3A_587 = arith.constant 16 : i32
      %mul3A_588 = arith.muli %add3A_586, %mul3A_587 : i32
      %add3A_589 = arith.constant 0 : i32
      %add3A_590 = arith.addi %add3A_589, %mul3A_588 : i32
      %get3A_591 = arith.index_cast %add3A_590 : i32 to index
      %get3A_592 = tpu.vector_load %arg6[%get3A_591] {strides = array<i32>} : memref<16384xi32, #tpu.memory_space<vmem>>, vector<16xi32>,
      %mul3A_593 = arith.constant 8 : i32
      %mul3A_594 = arith.muli %scan3A_563, %mul3A_593 : i32
      %add3A_595 = arith.constant 3 : i32
      %add3A_596 = arith.addi %mul3A_594, %add3A_595 : i32
      %mul3A_597 = arith.constant 16 : i32
      %mul3A_598 = arith.muli %add3A_596, %mul3A_597 : i32
      %add3A_599 = arith.constant 0 : i32
      %add3A_600 = arith.addi %add3A_599, %mul3A_598 : i32
      %get3A_601 = arith.index_cast %add3A_600 : i32 to index
      %get3A_602 = tpu.vector_load %arg6[%get3A_601] {strides = array<i32>} : memref<16384xi32, #tpu.memory_space<vmem>>, vector<16xi32>,
      %mul3A_603 = arith.constant 8 : i32
      %mul3A_604 = arith.muli %scan3A_563, %mul3A_603 : i32
      %add3A_605 = arith.constant 4 : i32
      %add3A_606 = arith.addi %mul3A_604, %add3A_605 : i32
      %mul3A_607 = arith.constant 16 : i32
      %mul3A_608 = arith.muli %add3A_606, %mul3A_607 : i32
      %add3A_609 = arith.constant 0 : i32
      %add3A_610 = arith.addi %add3A_609, %mul3A_608 : i32
      %get3A_611 = arith.index_cast %add3A_610 : i32 to index
      %get3A_612 = tpu.vector_load %arg6[%get3A_611] {strides = array<i32>} : memref<16384xi32, #tpu.memory_space<vmem>>, vector<16xi32>,
      %mul3A_613 = arith.constant 8 : i32
      %mul3A_614 = arith.muli %scan3A_563, %mul3A_613 : i32
      %add3A_615 = arith.constant 5 : i32
      %add3A_616 = arith.addi %mul3A_614, %add3A_615 : i32
      %mul3A_617 = arith.constant 16 : i32
      %mul3A_618 = arith.muli %add3A_616, %mul3A_617 : i32
      %add3A_619 = arith.constant 0 : i32
      %add3A_620 = arith.addi %add3A_619, %mul3A_618 : i32
      %get3A_621 = arith.index_cast %add3A_620 : i32 to index
      %get3A_622 = tpu.vector_load %arg6[%get3A_621] {strides = array<i32>} : memref<16384xi32, #tpu.memory_space<vmem>>, vector<16xi32>,
      %mul3A_623 = arith.constant 8 : i32
      %mul3A_624 = arith.muli %scan3A_563, %mul3A_623 : i32
      %add3A_625 = arith.constant 6 : i32
      %add3A_626 = arith.addi %mul3A_624, %add3A_625 : i32
      %mul3A_627 = arith.constant 16 : i32
      %mul3A_628 = arith.muli %add3A_626, %mul3A_627 : i32
      %add3A_629 = arith.constant 0 : i32
      %add3A_630 = arith.addi %add3A_629, %mul3A_628 : i32
      %get3A_631 = arith.index_cast %add3A_630 : i32 to index
      %get3A_632 = tpu.vector_load %arg6[%get3A_631] {strides = array<i32>} : memref<16384xi32, #tpu.memory_space<vmem>>, vector<16xi32>,
      %mul3A_633 = arith.constant 8 : i32
      %mul3A_634 = arith.muli %scan3A_563, %mul3A_633 : i32
      %add3A_635 = arith.constant 7 : i32
      %add3A_636 = arith.addi %mul3A_634, %add3A_635 : i32
      %mul3A_637 = arith.constant 16 : i32
      %mul3A_638 = arith.muli %add3A_636, %mul3A_637 : i32
      %add3A_639 = arith.constant 0 : i32
      %add3A_640 = arith.addi %add3A_639, %mul3A_638 : i32
      %get3A_641 = arith.index_cast %add3A_640 : i32 to index
      %get3A_642 = tpu.vector_load %arg6[%get3A_641] {strides = array<i32>} : memref<16384xi32, #tpu.memory_space<vmem>>, vector<16xi32>,
      %gather3A = tpu.vector_load_idx %arg7[%broadcast_in_dim3A_1, %get3A_572] : memref<1x100096xf32, #tpu.memory_space<vmem>>[vector<16xi32>, vector<16xi32>], vector<16xf32>,
      %gather3A_643 = tpu.vector_load_idx %arg7[%broadcast_in_dim3A_1, %get3A_582] : memref<1x100096xf32, #tpu.memory_space<vmem>>[vector<16xi32>, vector<16xi32>], vector<16xf32>,
      %gather3A_644 = tpu.vector_load_idx %arg7[%broadcast_in_dim3A_1, %get3A_592] : memref<1x100096xf32, #tpu.memory_space<vmem>>[vector<16xi32>, vector<16xi32>], vector<16xf32>,
      %gather3A_645 = tpu.vector_load_idx %arg7[%broadcast_in_dim3A_1, %get3A_602] : memref<1x100096xf32, #tpu.memory_space<vmem>>[vector<16xi32>, vector<16xi32>], vector<16xf32>,
      %gather3A_646 = tpu.vector_load_idx %arg7[%broadcast_in_dim3A_1, %get3A_612] : memref<1x100096xf32, #tpu.memory_space<vmem>>[vector<16xi32>, vector<16xi32>], vector<16xf32>,
      %gather3A_647 = tpu.vector_load_idx %arg7[%broadcast_in_dim3A_1, %get3A_622] : memref<1x100096xf32, #tpu.memory_space<vmem>>[vector<16xi32>, vector<16xi32>], vector<16xf32>,
      %gather3A_648 = tpu.vector_load_idx %arg7[%broadcast_in_dim3A_1, %get3A_632] : memref<1x100096xf32, #tpu.memory_space<vmem>>[vector<16xi32>, vector<16xi32>], vector<16xf32>,
      %gather3A_649 = tpu.vector_load_idx %arg7[%broadcast_in_dim3A_1, %get3A_642] : memref<1x100096xf32, #tpu.memory_space<vmem>>[vector<16xi32>, vector<16xi32>], vector<16xf32>,
      %mul3A_650 = arith.constant 8 : i32
      %mul3A_651 = arith.muli %scan3A_563, %mul3A_650 : i32
      %add3A_652 = arith.constant 0 : i32
      %add3A_653 = arith.addi %mul3A_651, %add3A_652 : i32
      %mul3A_654 = arith.constant 16 : i32
      %mul3A_655 = arith.muli %add3A_653, %mul3A_654 : i32
      %swap3A = arith.constant 0 : i32
      %swap3A_656 = arith.index_cast %swap3A : i32 to index
      %swap3A_657 = arith.index_cast %mul3A_655 : i32 to index
      %swap3A_658 = tpu.vector_load %arg8[%swap3A_656, %swap3A_657] {strides = array<i32>} : memref<2x4096xf32, #tpu.memory_space<vmem>>, vector<16xf32>,
      tpu.vector_store %arg8[%swap3A_656, %swap3A_657], %gather3A {strides = array<i32>} : memref<2x4096xf32, #tpu.memory_space<vmem>>, vector<16xf32>,
      %mul3A_659 = arith.constant 8 : i32
      %mul3A_660 = arith.muli %scan3A_563, %mul3A_659 : i32
      %add3A_661 = arith.constant 1 : i32
      %add3A_662 = arith.addi %mul3A_660, %add3A_661 : i32
      %mul3A_663 = arith.constant 16 : i32
      %mul3A_664 = arith.muli %add3A_662, %mul3A_663 : i32
      %swap3A_665 = arith.constant 0 : i32
      %swap3A_666 = arith.index_cast %swap3A_665 : i32 to index
      %swap3A_667 = arith.index_cast %mul3A_664 : i32 to index
      %swap3A_668 = tpu.vector_load %arg8[%swap3A_666, %swap3A_667] {strides = array<i32>} : memref<2x4096xf32, #tpu.memory_space<vmem>>, vector<16xf32>,
      tpu.vector_store %arg8[%swap3A_666, %swap3A_667], %gather3A_643 {strides = array<i32>} : memref<2x4096xf32, #tpu.memory_space<vmem>>, vector<16xf32>,
      %mul3A_669 = arith.constant 8 : i32
      %mul3A_670 = arith.muli %scan3A_563, %mul3A_669 : i32
      %add3A_671 = arith.constant 2 : i32
      %add3A_672 = arith.addi %mul3A_670, %add3A_671 : i32
      %mul3A_673 = arith.constant 16 : i32
      %mul3A_674 = arith.muli %add3A_672, %mul3A_673 : i32
      %swap3A_675 = arith.constant 0 : i32
      %swap3A_676 = arith.index_cast %swap3A_675 : i32 to index
      %swap3A_677 = arith.index_cast %mul3A_674 : i32 to index
      %swap3A_678 = tpu.vector_load %arg8[%swap3A_676, %swap3A_677] {strides = array<i32>} : memref<2x4096xf32, #tpu.memory_space<vmem>>, vector<16xf32>,
      tpu.vector_store %arg8[%swap3A_676, %swap3A_677], %gather3A_644 {strides = array<i32>} : memref<2x4096xf32, #tpu.memory_space<vmem>>, vector<16xf32>,
      %mul3A_679 = arith.constant 8 : i32
      %mul3A_680 = arith.muli %scan3A_563, %mul3A_679 : i32
      %add3A_681 = arith.constant 3 : i32
      %add3A_682 = arith.addi %mul3A_680, %add3A_681 : i32
      %mul3A_683 = arith.constant 16 : i32
      %mul3A_684 = arith.muli %add3A_682, %mul3A_683 : i32
      %swap3A_685 = arith.constant 0 : i32
      %swap3A_686 = arith.index_cast %swap3A_685 : i32 to index
      %swap3A_687 = arith.index_cast %mul3A_684 : i32 to index
      %swap3A_688 = tpu.vector_load %arg8[%swap3A_686, %swap3A_687] {strides = array<i32>} : memref<2x4096xf32, #tpu.memory_space<vmem>>, vector<16xf32>,
      tpu.vector_store %arg8[%swap3A_686, %swap3A_687], %gather3A_645 {strides = array<i32>} : memref<2x4096xf32, #tpu.memory_space<vmem>>, vector<16xf32>,
      %mul3A_689 = arith.constant 8 : i32
      %mul3A_690 = arith.muli %scan3A_563, %mul3A_689 : i32
      %add3A_691 = arith.constant 4 : i32
      %add3A_692 = arith.addi %mul3A_690, %add3A_691 : i32
      %mul3A_693 = arith.constant 16 : i32
      %mul3A_694 = arith.muli %add3A_692, %mul3A_693 : i32
      %swap3A_695 = arith.constant 0 : i32
      %swap3A_696 = arith.index_cast %swap3A_695 : i32 to index
      %swap3A_697 = arith.index_cast %mul3A_694 : i32 to index
      %swap3A_698 = tpu.vector_load %arg8[%swap3A_696, %swap3A_697] {strides = array<i32>} : memref<2x4096xf32, #tpu.memory_space<vmem>>, vector<16xf32>,
      tpu.vector_store %arg8[%swap3A_696, %swap3A_697], %gather3A_646 {strides = array<i32>} : memref<2x4096xf32, #tpu.memory_space<vmem>>, vector<16xf32>,
      %mul3A_699 = arith.constant 8 : i32
      %mul3A_700 = arith.muli %scan3A_563, %mul3A_699 : i32
      %add3A_701 = arith.constant 5 : i32
      %add3A_702 = arith.addi %mul3A_700, %add3A_701 : i32
      %mul3A_703 = arith.constant 16 : i32
      %mul3A_704 = arith.muli %add3A_702, %mul3A_703 : i32
      %swap3A_705 = arith.constant 0 : i32
      %swap3A_706 = arith.index_cast %swap3A_705 : i32 to index
      %swap3A_707 = arith.index_cast %mul3A_704 : i32 to index
      %swap3A_708 = tpu.vector_load %arg8[%swap3A_706, %swap3A_707] {strides = array<i32>} : memref<2x4096xf32, #tpu.memory_space<vmem>>, vector<16xf32>,
      tpu.vector_store %arg8[%swap3A_706, %swap3A_707], %gather3A_647 {strides = array<i32>} : memref<2x4096xf32, #tpu.memory_space<vmem>>, vector<16xf32>,
      %mul3A_709 = arith.constant 8 : i32
      %mul3A_710 = arith.muli %scan3A_563, %mul3A_709 : i32
      %add3A_711 = arith.constant 6 : i32
      %add3A_712 = arith.addi %mul3A_710, %add3A_711 : i32
      %mul3A_713 = arith.constant 16 : i32
      %mul3A_714 = arith.muli %add3A_712, %mul3A_713 : i32
      %swap3A_715 = arith.constant 0 : i32
      %swap3A_716 = arith.index_cast %swap3A_715 : i32 to index
      %swap3A_717 = arith.index_cast %mul3A_714 : i32 to index
      %swap3A_718 = tpu.vector_load %arg8[%swap3A_716, %swap3A_717] {strides = array<i32>} : memref<2x4096xf32, #tpu.memory_space<vmem>>, vector<16xf32>,
      tpu.vector_store %arg8[%swap3A_716, %swap3A_717], %gather3A_648 {strides = array<i32>} : memref<2x4096xf32, #tpu.memory_space<vmem>>, vector<16xf32>,
      %mul3A_719 = arith.constant 8 : i32
      %mul3A_720 = arith.muli %scan3A_563, %mul3A_719 : i32
      %add3A_721 = arith.constant 7 : i32
      %add3A_722 = arith.addi %mul3A_720, %add3A_721 : i32
      %mul3A_723 = arith.constant 16 : i32
      %mul3A_724 = arith.muli %add3A_722, %mul3A_723 : i32
      %swap3A_725 = arith.constant 0 : i32
      %swap3A_726 = arith.index_cast %swap3A_725 : i32 to index
      %swap3A_727 = arith.index_cast %mul3A_724 : i32 to index
      %swap3A_728 = tpu.vector_load %arg8[%swap3A_726, %swap3A_727] {strides = array<i32>} : memref<2x4096xf32, #tpu.memory_space<vmem>>, vector<16xf32>,
      tpu.vector_store %arg8[%swap3A_726, %swap3A_727], %gather3A_649 {strides = array<i32>} : memref<2x4096xf32, #tpu.memory_space<vmem>>, vector<16xf32>,
    }
    %scan3A_252 = arith.constant 32 : i32
    %dma_start3A_253 = arith.constant 0 : i32
    %dma_start3A_254 = arith.constant 0 : i32
    %dma_start3A_255 = tpu.memref_slice %arg8[%dma_start3A_253, %dma_start3A_254] : memref<2x4096xf32, #tpu.memory_space<vmem>> -> memref<1x4096xf32, #tpu.memory_space<vmem>>
    %dma_start3A_256 = tpu.memref_squeeze %dma_start3A_255 : memref<1x4096xf32, #tpu.memory_space<vmem>> -> memref<4096xf32, #tpu.memory_space<vmem>>
    %dma_start3A_257 = arith.constant 0 : i32
    %dma_start3A_258 = tpu.memref_slice %arg5[%add3A_240, %dma_start3A_257] : memref<96x16384xf32, #tpu.memory_space<hbm>> -> memref<1x4096xf32, #tpu.memory_space<hbm>>
    %dma_start3A_259 = tpu.memref_squeeze %dma_start3A_258 : memref<1x4096xf32, #tpu.memory_space<hbm>> -> memref<4096xf32, #tpu.memory_space<hbm>>
    %dma_start3A_260 = arith.constant 0 : i32
    %dma_start3A_261 = tpu.memref_slice %arg5[%add3A_240, %dma_start3A_260] : memref<96x16384xf32, #tpu.memory_space<hbm>> -> memref<1x4096xf32, #tpu.memory_space<hbm>>
    %dma_start3A_262 = tpu.memref_squeeze %dma_start3A_261 : memref<1x4096xf32, #tpu.memory_space<hbm>> -> memref<4096xf32, #tpu.memory_space<hbm>>
    %dma_start3A_263 = arith.constant 0 : i32
    %dma_start3A_264 = tpu.memref_slice %arg8[%dma_start3A_253, %dma_start3A_263] : memref<2x4096xf32, #tpu.memory_space<vmem>> -> memref<1x4096xf32, #tpu.memory_space<vmem>>
    %dma_start3A_265 = tpu.memref_squeeze %dma_start3A_264 : memref<1x4096xf32, #tpu.memory_space<vmem>> -> memref<4096xf32, #tpu.memory_space<vmem>>
    tpu.enqueue_dma source(%dma_start3A_265 : memref<4096xf32, #tpu.memory_space<vmem>>) target(%dma_start3A_262 : memref<4096xf32, #tpu.memory_space<hbm>>) target_semaphore(%arg11 : memref<!tpu.dma_semaphore, #tpu.memory_space<semaphore_mem>>)
    %scan3A_266 = arith.constant 0 : i32
    %scan3A_267 = arith.constant 0 : i32
    %scan3A_268 = arith.constant 32 : i32
    %scan3A_269 = arith.addi %scan3A_267, %scan3A_268 : i32
    %scan3A_270 = arith.constant 1 : i32
    scf.for %scan3A_563 = %scan3A_267 to %scan3A_269 step %scan3A_270  : i32 {
      %mul3A_564 = arith.constant 8 : i32
      %mul3A_565 = arith.muli %scan3A_563, %mul3A_564 : i32
      %add3A_566 = arith.constant 0 : i32
      %add3A_567 = arith.addi %mul3A_565, %add3A_566 : i32
      %mul3A_568 = arith.constant 16 : i32
      %mul3A_569 = arith.muli %add3A_567, %mul3A_568 : i32
      %add3A_570 = arith.constant 4096 : i32
      %add3A_571 = arith.addi %add3A_570, %mul3A_569 : i32
      %get3A = arith.index_cast %add3A_571 : i32 to index
      %get3A_572 = tpu.vector_load %arg6[%get3A] {strides = array<i32>} : memref<16384xi32, #tpu.memory_space<vmem>>, vector<16xi32>,
      %mul3A_573 = arith.constant 8 : i32
      %mul3A_574 = arith.muli %scan3A_563, %mul3A_573 : i32
      %add3A_575 = arith.constant 1 : i32
      %add3A_576 = arith.addi %mul3A_574, %add3A_575 : i32
      %mul3A_577 = arith.constant 16 : i32
      %mul3A_578 = arith.muli %add3A_576, %mul3A_577 : i32
      %add3A_579 = arith.constant 4096 : i32
      %add3A_580 = arith.addi %add3A_579, %mul3A_578 : i32
      %get3A_581 = arith.index_cast %add3A_580 : i32 to index
      %get3A_582 = tpu.vector_load %arg6[%get3A_581] {strides = array<i32>} : memref<16384xi32, #tpu.memory_space<vmem>>, vector<16xi32>,
      %mul3A_583 = arith.constant 8 : i32
      %mul3A_584 = arith.muli %scan3A_563, %mul3A_583 : i32
      %add3A_585 = arith.constant 2 : i32
      %add3A_586 = arith.addi %mul3A_584, %add3A_585 : i32
      %mul3A_587 = arith.constant 16 : i32
      %mul3A_588 = arith.muli %add3A_586, %mul3A_587 : i32
      %add3A_589 = arith.constant 4096 : i32
      %add3A_590 = arith.addi %add3A_589, %mul3A_588 : i32
      %get3A_591 = arith.index_cast %add3A_590 : i32 to index
      %get3A_592 = tpu.vector_load %arg6[%get3A_591] {strides = array<i32>} : memref<16384xi32, #tpu.memory_space<vmem>>, vector<16xi32>,
      %mul3A_593 = arith.constant 8 : i32
      %mul3A_594 = arith.muli %scan3A_563, %mul3A_593 : i32
      %add3A_595 = arith.constant 3 : i32
      %add3A_596 = arith.addi %mul3A_594, %add3A_595 : i32
      %mul3A_597 = arith.constant 16 : i32
      %mul3A_598 = arith.muli %add3A_596, %mul3A_597 : i32
      %add3A_599 = arith.constant 4096 : i32
      %add3A_600 = arith.addi %add3A_599, %mul3A_598 : i32
      %get3A_601 = arith.index_cast %add3A_600 : i32 to index
      %get3A_602 = tpu.vector_load %arg6[%get3A_601] {strides = array<i32>} : memref<16384xi32, #tpu.memory_space<vmem>>, vector<16xi32>,
      %mul3A_603 = arith.constant 8 : i32
      %mul3A_604 = arith.muli %scan3A_563, %mul3A_603 : i32
      %add3A_605 = arith.constant 4 : i32
      %add3A_606 = arith.addi %mul3A_604, %add3A_605 : i32
      %mul3A_607 = arith.constant 16 : i32
      %mul3A_608 = arith.muli %add3A_606, %mul3A_607 : i32
      %add3A_609 = arith.constant 4096 : i32
      %add3A_610 = arith.addi %add3A_609, %mul3A_608 : i32
      %get3A_611 = arith.index_cast %add3A_610 : i32 to index
      %get3A_612 = tpu.vector_load %arg6[%get3A_611] {strides = array<i32>} : memref<16384xi32, #tpu.memory_space<vmem>>, vector<16xi32>,
      %mul3A_613 = arith.constant 8 : i32
      %mul3A_614 = arith.muli %scan3A_563, %mul3A_613 : i32
      %add3A_615 = arith.constant 5 : i32
      %add3A_616 = arith.addi %mul3A_614, %add3A_615 : i32
      %mul3A_617 = arith.constant 16 : i32
      %mul3A_618 = arith.muli %add3A_616, %mul3A_617 : i32
      %add3A_619 = arith.constant 4096 : i32
      %add3A_620 = arith.addi %add3A_619, %mul3A_618 : i32
      %get3A_621 = arith.index_cast %add3A_620 : i32 to index
      %get3A_622 = tpu.vector_load %arg6[%get3A_621] {strides = array<i32>} : memref<16384xi32, #tpu.memory_space<vmem>>, vector<16xi32>,
      %mul3A_623 = arith.constant 8 : i32
      %mul3A_624 = arith.muli %scan3A_563, %mul3A_623 : i32
      %add3A_625 = arith.constant 6 : i32
      %add3A_626 = arith.addi %mul3A_624, %add3A_625 : i32
      %mul3A_627 = arith.constant 16 : i32
      %mul3A_628 = arith.muli %add3A_626, %mul3A_627 : i32
      %add3A_629 = arith.constant 4096 : i32
      %add3A_630 = arith.addi %add3A_629, %mul3A_628 : i32
      %get3A_631 = arith.index_cast %add3A_630 : i32 to index
      %get3A_632 = tpu.vector_load %arg6[%get3A_631] {strides = array<i32>} : memref<16384xi32, #tpu.memory_space<vmem>>, vector<16xi32>,
      %mul3A_633 = arith.constant 8 : i32
      %mul3A_634 = arith.muli %scan3A_563, %mul3A_633 : i32
      %add3A_635 = arith.constant 7 : i32
      %add3A_636 = arith.addi %mul3A_634, %add3A_635 : i32
      %mul3A_637 = arith.constant 16 : i32
      %mul3A_638 = arith.muli %add3A_636, %mul3A_637 : i32
      %add3A_639 = arith.constant 4096 : i32
      %add3A_640 = arith.addi %add3A_639, %mul3A_638 : i32
      %get3A_641 = arith.index_cast %add3A_640 : i32 to index
      %get3A_642 = tpu.vector_load %arg6[%get3A_641] {strides = array<i32>} : memref<16384xi32, #tpu.memory_space<vmem>>, vector<16xi32>,
      %gather3A = tpu.vector_load_idx %arg7[%broadcast_in_dim3A_1, %get3A_572] : memref<1x100096xf32, #tpu.memory_space<vmem>>[vector<16xi32>, vector<16xi32>], vector<16xf32>,
      %gather3A_643 = tpu.vector_load_idx %arg7[%broadcast_in_dim3A_1, %get3A_582] : memref<1x100096xf32, #tpu.memory_space<vmem>>[vector<16xi32>, vector<16xi32>], vector<16xf32>,
      %gather3A_644 = tpu.vector_load_idx %arg7[%broadcast_in_dim3A_1, %get3A_592] : memref<1x100096xf32, #tpu.memory_space<vmem>>[vector<16xi32>, vector<16xi32>], vector<16xf32>,
      %gather3A_645 = tpu.vector_load_idx %arg7[%broadcast_in_dim3A_1, %get3A_602] : memref<1x100096xf32, #tpu.memory_space<vmem>>[vector<16xi32>, vector<16xi32>], vector<16xf32>,
      %gather3A_646 = tpu.vector_load_idx %arg7[%broadcast_in_dim3A_1, %get3A_612] : memref<1x100096xf32, #tpu.memory_space<vmem>>[vector<16xi32>, vector<16xi32>], vector<16xf32>,
      %gather3A_647 = tpu.vector_load_idx %arg7[%broadcast_in_dim3A_1, %get3A_622] : memref<1x100096xf32, #tpu.memory_space<vmem>>[vector<16xi32>, vector<16xi32>], vector<16xf32>,
      %gather3A_648 = tpu.vector_load_idx %arg7[%broadcast_in_dim3A_1, %get3A_632] : memref<1x100096xf32, #tpu.memory_space<vmem>>[vector<16xi32>, vector<16xi32>], vector<16xf32>,
      %gather3A_649 = tpu.vector_load_idx %arg7[%broadcast_in_dim3A_1, %get3A_642] : memref<1x100096xf32, #tpu.memory_space<vmem>>[vector<16xi32>, vector<16xi32>], vector<16xf32>,
      %mul3A_650 = arith.constant 8 : i32
      %mul3A_651 = arith.muli %scan3A_563, %mul3A_650 : i32
      %add3A_652 = arith.constant 0 : i32
      %add3A_653 = arith.addi %mul3A_651, %add3A_652 : i32
      %mul3A_654 = arith.constant 16 : i32
      %mul3A_655 = arith.muli %add3A_653, %mul3A_654 : i32
      %swap3A = arith.constant 1 : i32
      %swap3A_656 = arith.index_cast %swap3A : i32 to index
      %swap3A_657 = arith.index_cast %mul3A_655 : i32 to index
      %swap3A_658 = tpu.vector_load %arg8[%swap3A_656, %swap3A_657] {strides = array<i32>} : memref<2x4096xf32, #tpu.memory_space<vmem>>, vector<16xf32>,
      tpu.vector_store %arg8[%swap3A_656, %swap3A_657], %gather3A {strides = array<i32>} : memref<2x4096xf32, #tpu.memory_space<vmem>>, vector<16xf32>,
      %mul3A_659 = arith.constant 8 : i32
      %mul3A_660 = arith.muli %scan3A_563, %mul3A_659 : i32
      %add3A_661 = arith.constant 1 : i32
      %add3A_662 = arith.addi %mul3A_660, %add3A_661 : i32
      %mul3A_663 = arith.constant 16 : i32
      %mul3A_664 = arith.muli %add3A_662, %mul3A_663 : i32
      %swap3A_665 = arith.constant 1 : i32
      %swap3A_666 = arith.index_cast %swap3A_665 : i32 to index
      %swap3A_667 = arith.index_cast %mul3A_664 : i32 to index
      %swap3A_668 = tpu.vector_load %arg8[%swap3A_666, %swap3A_667] {strides = array<i32>} : memref<2x4096xf32, #tpu.memory_space<vmem>>, vector<16xf32>,
      tpu.vector_store %arg8[%swap3A_666, %swap3A_667], %gather3A_643 {strides = array<i32>} : memref<2x4096xf32, #tpu.memory_space<vmem>>, vector<16xf32>,
      %mul3A_669 = arith.constant 8 : i32
      %mul3A_670 = arith.muli %scan3A_563, %mul3A_669 : i32
      %add3A_671 = arith.constant 2 : i32
      %add3A_672 = arith.addi %mul3A_670, %add3A_671 : i32
      %mul3A_673 = arith.constant 16 : i32
      %mul3A_674 = arith.muli %add3A_672, %mul3A_673 : i32
      %swap3A_675 = arith.constant 1 : i32
      %swap3A_676 = arith.index_cast %swap3A_675 : i32 to index
      %swap3A_677 = arith.index_cast %mul3A_674 : i32 to index
      %swap3A_678 = tpu.vector_load %arg8[%swap3A_676, %swap3A_677] {strides = array<i32>} : memref<2x4096xf32, #tpu.memory_space<vmem>>, vector<16xf32>,
      tpu.vector_store %arg8[%swap3A_676, %swap3A_677], %gather3A_644 {strides = array<i32>} : memref<2x4096xf32, #tpu.memory_space<vmem>>, vector<16xf32>,
      %mul3A_679 = arith.constant 8 : i32
      %mul3A_680 = arith.muli %scan3A_563, %mul3A_679 : i32
      %add3A_681 = arith.constant 3 : i32
      %add3A_682 = arith.addi %mul3A_680, %add3A_681 : i32
      %mul3A_683 = arith.constant 16 : i32
      %mul3A_684 = arith.muli %add3A_682, %mul3A_683 : i32
      %swap3A_685 = arith.constant 1 : i32
      %swap3A_686 = arith.index_cast %swap3A_685 : i32 to index
      %swap3A_687 = arith.index_cast %mul3A_684 : i32 to index
      %swap3A_688 = tpu.vector_load %arg8[%swap3A_686, %swap3A_687] {strides = array<i32>} : memref<2x4096xf32, #tpu.memory_space<vmem>>, vector<16xf32>,
      tpu.vector_store %arg8[%swap3A_686, %swap3A_687], %gather3A_645 {strides = array<i32>} : memref<2x4096xf32, #tpu.memory_space<vmem>>, vector<16xf32>,
      %mul3A_689 = arith.constant 8 : i32
      %mul3A_690 = arith.muli %scan3A_563, %mul3A_689 : i32
      %add3A_691 = arith.constant 4 : i32
      %add3A_692 = arith.addi %mul3A_690, %add3A_691 : i32
      %mul3A_693 = arith.constant 16 : i32
      %mul3A_694 = arith.muli %add3A_692, %mul3A_693 : i32
      %swap3A_695 = arith.constant 1 : i32
      %swap3A_696 = arith.index_cast %swap3A_695 : i32 to index
      %swap3A_697 = arith.index_cast %mul3A_694 : i32 to index
      %swap3A_698 = tpu.vector_load %arg8[%swap3A_696, %swap3A_697] {strides = array<i32>} : memref<2x4096xf32, #tpu.memory_space<vmem>>, vector<16xf32>,
      tpu.vector_store %arg8[%swap3A_696, %swap3A_697], %gather3A_646 {strides = array<i32>} : memref<2x4096xf32, #tpu.memory_space<vmem>>, vector<16xf32>,
      %mul3A_699 = arith.constant 8 : i32
      %mul3A_700 = arith.muli %scan3A_563, %mul3A_699 : i32
      %add3A_701 = arith.constant 5 : i32
      %add3A_702 = arith.addi %mul3A_700, %add3A_701 : i32
      %mul3A_703 = arith.constant 16 : i32
      %mul3A_704 = arith.muli %add3A_702, %mul3A_703 : i32
      %swap3A_705 = arith.constant 1 : i32
      %swap3A_706 = arith.index_cast %swap3A_705 : i32 to index
      %swap3A_707 = arith.index_cast %mul3A_704 : i32 to index
      %swap3A_708 = tpu.vector_load %arg8[%swap3A_706, %swap3A_707] {strides = array<i32>} : memref<2x4096xf32, #tpu.memory_space<vmem>>, vector<16xf32>,
      tpu.vector_store %arg8[%swap3A_706, %swap3A_707], %gather3A_647 {strides = array<i32>} : memref<2x4096xf32, #tpu.memory_space<vmem>>, vector<16xf32>,
      %mul3A_709 = arith.constant 8 : i32
      %mul3A_710 = arith.muli %scan3A_563, %mul3A_709 : i32
      %add3A_711 = arith.constant 6 : i32
      %add3A_712 = arith.addi %mul3A_710, %add3A_711 : i32
      %mul3A_713 = arith.constant 16 : i32
      %mul3A_714 = arith.muli %add3A_712, %mul3A_713 : i32
      %swap3A_715 = arith.constant 1 : i32
      %swap3A_716 = arith.index_cast %swap3A_715 : i32 to index
      %swap3A_717 = arith.index_cast %mul3A_714 : i32 to index
      %swap3A_718 = tpu.vector_load %arg8[%swap3A_716, %swap3A_717] {strides = array<i32>} : memref<2x4096xf32, #tpu.memory_space<vmem>>, vector<16xf32>,
      tpu.vector_store %arg8[%swap3A_716, %swap3A_717], %gather3A_648 {strides = array<i32>} : memref<2x4096xf32, #tpu.memory_space<vmem>>, vector<16xf32>,
      %mul3A_719 = arith.constant 8 : i32
      %mul3A_720 = arith.muli %scan3A_563, %mul3A_719 : i32
      %add3A_721 = arith.constant 7 : i32
      %add3A_722 = arith.addi %mul3A_720, %add3A_721 : i32
      %mul3A_723 = arith.constant 16 : i32
      %mul3A_724 = arith.muli %add3A_722, %mul3A_723 : i32
      %swap3A_725 = arith.constant 1 : i32
      %swap3A_726 = arith.index_cast %swap3A_725 : i32 to index
      %swap3A_727 = arith.index_cast %mul3A_724 : i32 to index
      %swap3A_728 = tpu.vector_load %arg8[%swap3A_726, %swap3A_727] {strides = array<i32>} : memref<2x4096xf32, #tpu.memory_space<vmem>>, vector<16xf32>,
      tpu.vector_store %arg8[%swap3A_726, %swap3A_727], %gather3A_649 {strides = array<i32>} : memref<2x4096xf32, #tpu.memory_space<vmem>>, vector<16xf32>,
    }
    %scan3A_271 = arith.constant 32 : i32
    %dma_start3A_272 = arith.constant 1 : i32
    %dma_start3A_273 = arith.constant 0 : i32
    %dma_start3A_274 = tpu.memref_slice %arg8[%dma_start3A_272, %dma_start3A_273] : memref<2x4096xf32, #tpu.memory_space<vmem>> -> memref<1x4096xf32, #tpu.memory_space<vmem>>
    %dma_start3A_275 = tpu.memref_squeeze %dma_start3A_274 : memref<1x4096xf32, #tpu.memory_space<vmem>> -> memref<4096xf32, #tpu.memory_space<vmem>>
    %dma_start3A_276 = arith.constant 4096 : i32
    %dma_start3A_277 = tpu.memref_slice %arg5[%add3A_240, %dma_start3A_276] : memref<96x16384xf32, #tpu.memory_space<hbm>> -> memref<1x4096xf32, #tpu.memory_space<hbm>>
    %dma_start3A_278 = tpu.memref_squeeze %dma_start3A_277 : memref<1x4096xf32, #tpu.memory_space<hbm>> -> memref<4096xf32, #tpu.memory_space<hbm>>
    %dma_start3A_279 = arith.constant 4096 : i32
    %dma_start3A_280 = tpu.memref_slice %arg5[%add3A_240, %dma_start3A_279] : memref<96x16384xf32, #tpu.memory_space<hbm>> -> memref<1x4096xf32, #tpu.memory_space<hbm>>
    %dma_start3A_281 = tpu.memref_squeeze %dma_start3A_280 : memref<1x4096xf32, #tpu.memory_space<hbm>> -> memref<4096xf32, #tpu.memory_space<hbm>>
    %dma_start3A_282 = arith.constant 0 : i32
    %dma_start3A_283 = tpu.memref_slice %arg8[%dma_start3A_272, %dma_start3A_282] : memref<2x4096xf32, #tpu.memory_space<vmem>> -> memref<1x4096xf32, #tpu.memory_space<vmem>>
    %dma_start3A_284 = tpu.memref_squeeze %dma_start3A_283 : memref<1x4096xf32, #tpu.memory_space<vmem>> -> memref<4096xf32, #tpu.memory_space<vmem>>
    tpu.enqueue_dma source(%dma_start3A_284 : memref<4096xf32, #tpu.memory_space<vmem>>) target(%dma_start3A_281 : memref<4096xf32, #tpu.memory_space<hbm>>) target_semaphore(%arg11 : memref<!tpu.dma_semaphore, #tpu.memory_space<semaphore_mem>>)
    %dma_wait3A_285 = arith.constant 0 : i32
    %dma_wait3A_286 = arith.constant 0 : i32
    %dma_wait3A_287 = tpu.memref_slice %arg8[%dma_wait3A_285, %dma_wait3A_286] : memref<2x4096xf32, #tpu.memory_space<vmem>> -> memref<1x4096xf32, #tpu.memory_space<vmem>>
    %dma_wait3A_288 = tpu.memref_squeeze %dma_wait3A_287 : memref<1x4096xf32, #tpu.memory_space<vmem>> -> memref<4096xf32, #tpu.memory_space<vmem>>
    %dma_wait3A_289 = arith.constant 0 : i32
    %dma_wait3A_290 = tpu.memref_slice %arg5[%add3A_240, %dma_wait3A_289] : memref<96x16384xf32, #tpu.memory_space<hbm>> -> memref<1x4096xf32, #tpu.memory_space<hbm>>
    %dma_wait3A_291 = tpu.memref_squeeze %dma_wait3A_290 : memref<1x4096xf32, #tpu.memory_space<hbm>> -> memref<4096xf32, #tpu.memory_space<hbm>>
    %dma_wait3A_292 = arith.constant 0 : i32
    %dma_wait3A_293 = tpu.memref_slice %arg5[%add3A_240, %dma_wait3A_292] : memref<96x16384xf32, #tpu.memory_space<hbm>> -> memref<1x4096xf32, #tpu.memory_space<hbm>>
    %dma_wait3A_294 = tpu.memref_squeeze %dma_wait3A_293 : memref<1x4096xf32, #tpu.memory_space<hbm>> -> memref<4096xf32, #tpu.memory_space<hbm>>
    %dma_wait3A_295 = arith.constant 0 : i32
    %dma_wait3A_296 = tpu.memref_slice %arg8[%dma_wait3A_285, %dma_wait3A_295] : memref<2x4096xf32, #tpu.memory_space<vmem>> -> memref<1x4096xf32, #tpu.memory_space<vmem>>
    %dma_wait3A_297 = tpu.memref_squeeze %dma_wait3A_296 : memref<1x4096xf32, #tpu.memory_space<vmem>> -> memref<4096xf32, #tpu.memory_space<vmem>>
    tpu.wait_dma2 semaphore(%arg11 : memref<!tpu.dma_semaphore, #tpu.memory_space<semaphore_mem>>) src(%dma_wait3A_297 : memref<4096xf32, #tpu.memory_space<vmem>>) dst(%dma_wait3A_294 : memref<4096xf32, #tpu.memory_space<hbm>>)
    %scan3A_298 = arith.constant 0 : i32
    %scan3A_299 = arith.constant 0 : i32
    %scan3A_300 = arith.constant 32 : i32
    %scan3A_301 = arith.addi %scan3A_299, %scan3A_300 : i32
    %scan3A_302 = arith.constant 1 : i32
    scf.for %scan3A_563 = %scan3A_299 to %scan3A_301 step %scan3A_302  : i32 {
      %mul3A_564 = arith.constant 8 : i32
      %mul3A_565 = arith.muli %scan3A_563, %mul3A_564 : i32
      %add3A_566 = arith.constant 0 : i32
      %add3A_567 = arith.addi %mul3A_565, %add3A_566 : i32
      %mul3A_568 = arith.constant 16 : i32
      %mul3A_569 = arith.muli %add3A_567, %mul3A_568 : i32
      %add3A_570 = arith.constant 8192 : i32
      %add3A_571 = arith.addi %add3A_570, %mul3A_569 : i32
      %get3A = arith.index_cast %add3A_571 : i32 to index
      %get3A_572 = tpu.vector_load %arg6[%get3A] {strides = array<i32>} : memref<16384xi32, #tpu.memory_space<vmem>>, vector<16xi32>,
      %mul3A_573 = arith.constant 8 : i32
      %mul3A_574 = arith.muli %scan3A_563, %mul3A_573 : i32
      %add3A_575 = arith.constant 1 : i32
      %add3A_576 = arith.addi %mul3A_574, %add3A_575 : i32
      %mul3A_577 = arith.constant 16 : i32
      %mul3A_578 = arith.muli %add3A_576, %mul3A_577 : i32
      %add3A_579 = arith.constant 8192 : i32
      %add3A_580 = arith.addi %add3A_579, %mul3A_578 : i32
      %get3A_581 = arith.index_cast %add3A_580 : i32 to index
      %get3A_582 = tpu.vector_load %arg6[%get3A_581] {strides = array<i32>} : memref<16384xi32, #tpu.memory_space<vmem>>, vector<16xi32>,
      %mul3A_583 = arith.constant 8 : i32
      %mul3A_584 = arith.muli %scan3A_563, %mul3A_583 : i32
      %add3A_585 = arith.constant 2 : i32
      %add3A_586 = arith.addi %mul3A_584, %add3A_585 : i32
      %mul3A_587 = arith.constant 16 : i32
      %mul3A_588 = arith.muli %add3A_586, %mul3A_587 : i32
      %add3A_589 = arith.constant 8192 : i32
      %add3A_590 = arith.addi %add3A_589, %mul3A_588 : i32
      %get3A_591 = arith.index_cast %add3A_590 : i32 to index
      %get3A_592 = tpu.vector_load %arg6[%get3A_591] {strides = array<i32>} : memref<16384xi32, #tpu.memory_space<vmem>>, vector<16xi32>,
      %mul3A_593 = arith.constant 8 : i32
      %mul3A_594 = arith.muli %scan3A_563, %mul3A_593 : i32
      %add3A_595 = arith.constant 3 : i32
      %add3A_596 = arith.addi %mul3A_594, %add3A_595 : i32
      %mul3A_597 = arith.constant 16 : i32
      %mul3A_598 = arith.muli %add3A_596, %mul3A_597 : i32
      %add3A_599 = arith.constant 8192 : i32
      %add3A_600 = arith.addi %add3A_599, %mul3A_598 : i32
      %get3A_601 = arith.index_cast %add3A_600 : i32 to index
      %get3A_602 = tpu.vector_load %arg6[%get3A_601] {strides = array<i32>} : memref<16384xi32, #tpu.memory_space<vmem>>, vector<16xi32>,
      %mul3A_603 = arith.constant 8 : i32
      %mul3A_604 = arith.muli %scan3A_563, %mul3A_603 : i32
      %add3A_605 = arith.constant 4 : i32
      %add3A_606 = arith.addi %mul3A_604, %add3A_605 : i32
      %mul3A_607 = arith.constant 16 : i32
      %mul3A_608 = arith.muli %add3A_606, %mul3A_607 : i32
      %add3A_609 = arith.constant 8192 : i32
      %add3A_610 = arith.addi %add3A_609, %mul3A_608 : i32
      %get3A_611 = arith.index_cast %add3A_610 : i32 to index
      %get3A_612 = tpu.vector_load %arg6[%get3A_611] {strides = array<i32>} : memref<16384xi32, #tpu.memory_space<vmem>>, vector<16xi32>,
      %mul3A_613 = arith.constant 8 : i32
      %mul3A_614 = arith.muli %scan3A_563, %mul3A_613 : i32
      %add3A_615 = arith.constant 5 : i32
      %add3A_616 = arith.addi %mul3A_614, %add3A_615 : i32
      %mul3A_617 = arith.constant 16 : i32
      %mul3A_618 = arith.muli %add3A_616, %mul3A_617 : i32
      %add3A_619 = arith.constant 8192 : i32
      %add3A_620 = arith.addi %add3A_619, %mul3A_618 : i32
      %get3A_621 = arith.index_cast %add3A_620 : i32 to index
      %get3A_622 = tpu.vector_load %arg6[%get3A_621] {strides = array<i32>} : memref<16384xi32, #tpu.memory_space<vmem>>, vector<16xi32>,
      %mul3A_623 = arith.constant 8 : i32
      %mul3A_624 = arith.muli %scan3A_563, %mul3A_623 : i32
      %add3A_625 = arith.constant 6 : i32
      %add3A_626 = arith.addi %mul3A_624, %add3A_625 : i32
      %mul3A_627 = arith.constant 16 : i32
      %mul3A_628 = arith.muli %add3A_626, %mul3A_627 : i32
      %add3A_629 = arith.constant 8192 : i32
      %add3A_630 = arith.addi %add3A_629, %mul3A_628 : i32
      %get3A_631 = arith.index_cast %add3A_630 : i32 to index
      %get3A_632 = tpu.vector_load %arg6[%get3A_631] {strides = array<i32>} : memref<16384xi32, #tpu.memory_space<vmem>>, vector<16xi32>,
      %mul3A_633 = arith.constant 8 : i32
      %mul3A_634 = arith.muli %scan3A_563, %mul3A_633 : i32
      %add3A_635 = arith.constant 7 : i32
      %add3A_636 = arith.addi %mul3A_634, %add3A_635 : i32
      %mul3A_637 = arith.constant 16 : i32
      %mul3A_638 = arith.muli %add3A_636, %mul3A_637 : i32
      %add3A_639 = arith.constant 8192 : i32
      %add3A_640 = arith.addi %add3A_639, %mul3A_638 : i32
      %get3A_641 = arith.index_cast %add3A_640 : i32 to index
      %get3A_642 = tpu.vector_load %arg6[%get3A_641] {strides = array<i32>} : memref<16384xi32, #tpu.memory_space<vmem>>, vector<16xi32>,
      %gather3A = tpu.vector_load_idx %arg7[%broadcast_in_dim3A_1, %get3A_572] : memref<1x100096xf32, #tpu.memory_space<vmem>>[vector<16xi32>, vector<16xi32>], vector<16xf32>,
      %gather3A_643 = tpu.vector_load_idx %arg7[%broadcast_in_dim3A_1, %get3A_582] : memref<1x100096xf32, #tpu.memory_space<vmem>>[vector<16xi32>, vector<16xi32>], vector<16xf32>,
      %gather3A_644 = tpu.vector_load_idx %arg7[%broadcast_in_dim3A_1, %get3A_592] : memref<1x100096xf32, #tpu.memory_space<vmem>>[vector<16xi32>, vector<16xi32>], vector<16xf32>,
      %gather3A_645 = tpu.vector_load_idx %arg7[%broadcast_in_dim3A_1, %get3A_602] : memref<1x100096xf32, #tpu.memory_space<vmem>>[vector<16xi32>, vector<16xi32>], vector<16xf32>,
      %gather3A_646 = tpu.vector_load_idx %arg7[%broadcast_in_dim3A_1, %get3A_612] : memref<1x100096xf32, #tpu.memory_space<vmem>>[vector<16xi32>, vector<16xi32>], vector<16xf32>,
      %gather3A_647 = tpu.vector_load_idx %arg7[%broadcast_in_dim3A_1, %get3A_622] : memref<1x100096xf32, #tpu.memory_space<vmem>>[vector<16xi32>, vector<16xi32>], vector<16xf32>,
      %gather3A_648 = tpu.vector_load_idx %arg7[%broadcast_in_dim3A_1, %get3A_632] : memref<1x100096xf32, #tpu.memory_space<vmem>>[vector<16xi32>, vector<16xi32>], vector<16xf32>,
      %gather3A_649 = tpu.vector_load_idx %arg7[%broadcast_in_dim3A_1, %get3A_642] : memref<1x100096xf32, #tpu.memory_space<vmem>>[vector<16xi32>, vector<16xi32>], vector<16xf32>,
      %mul3A_650 = arith.constant 8 : i32
      %mul3A_651 = arith.muli %scan3A_563, %mul3A_650 : i32
      %add3A_652 = arith.constant 0 : i32
      %add3A_653 = arith.addi %mul3A_651, %add3A_652 : i32
      %mul3A_654 = arith.constant 16 : i32
      %mul3A_655 = arith.muli %add3A_653, %mul3A_654 : i32
      %swap3A = arith.constant 0 : i32
      %swap3A_656 = arith.index_cast %swap3A : i32 to index
      %swap3A_657 = arith.index_cast %mul3A_655 : i32 to index
      %swap3A_658 = tpu.vector_load %arg8[%swap3A_656, %swap3A_657] {strides = array<i32>} : memref<2x4096xf32, #tpu.memory_space<vmem>>, vector<16xf32>,
      tpu.vector_store %arg8[%swap3A_656, %swap3A_657], %gather3A {strides = array<i32>} : memref<2x4096xf32, #tpu.memory_space<vmem>>, vector<16xf32>,
      %mul3A_659 = arith.constant 8 : i32
      %mul3A_660 = arith.muli %scan3A_563, %mul3A_659 : i32
      %add3A_661 = arith.constant 1 : i32
      %add3A_662 = arith.addi %mul3A_660, %add3A_661 : i32
      %mul3A_663 = arith.constant 16 : i32
      %mul3A_664 = arith.muli %add3A_662, %mul3A_663 : i32
      %swap3A_665 = arith.constant 0 : i32
      %swap3A_666 = arith.index_cast %swap3A_665 : i32 to index
      %swap3A_667 = arith.index_cast %mul3A_664 : i32 to index
      %swap3A_668 = tpu.vector_load %arg8[%swap3A_666, %swap3A_667] {strides = array<i32>} : memref<2x4096xf32, #tpu.memory_space<vmem>>, vector<16xf32>,
      tpu.vector_store %arg8[%swap3A_666, %swap3A_667], %gather3A_643 {strides = array<i32>} : memref<2x4096xf32, #tpu.memory_space<vmem>>, vector<16xf32>,
      %mul3A_669 = arith.constant 8 : i32
      %mul3A_670 = arith.muli %scan3A_563, %mul3A_669 : i32
      %add3A_671 = arith.constant 2 : i32
      %add3A_672 = arith.addi %mul3A_670, %add3A_671 : i32
      %mul3A_673 = arith.constant 16 : i32
      %mul3A_674 = arith.muli %add3A_672, %mul3A_673 : i32
      %swap3A_675 = arith.constant 0 : i32
      %swap3A_676 = arith.index_cast %swap3A_675 : i32 to index
      %swap3A_677 = arith.index_cast %mul3A_674 : i32 to index
      %swap3A_678 = tpu.vector_load %arg8[%swap3A_676, %swap3A_677] {strides = array<i32>} : memref<2x4096xf32, #tpu.memory_space<vmem>>, vector<16xf32>,
      tpu.vector_store %arg8[%swap3A_676, %swap3A_677], %gather3A_644 {strides = array<i32>} : memref<2x4096xf32, #tpu.memory_space<vmem>>, vector<16xf32>,
      %mul3A_679 = arith.constant 8 : i32
      %mul3A_680 = arith.muli %scan3A_563, %mul3A_679 : i32
      %add3A_681 = arith.constant 3 : i32
      %add3A_682 = arith.addi %mul3A_680, %add3A_681 : i32
      %mul3A_683 = arith.constant 16 : i32
      %mul3A_684 = arith.muli %add3A_682, %mul3A_683 : i32
      %swap3A_685 = arith.constant 0 : i32
      %swap3A_686 = arith.index_cast %swap3A_685 : i32 to index
      %swap3A_687 = arith.index_cast %mul3A_684 : i32 to index
      %swap3A_688 = tpu.vector_load %arg8[%swap3A_686, %swap3A_687] {strides = array<i32>} : memref<2x4096xf32, #tpu.memory_space<vmem>>, vector<16xf32>,
      tpu.vector_store %arg8[%swap3A_686, %swap3A_687], %gather3A_645 {strides = array<i32>} : memref<2x4096xf32, #tpu.memory_space<vmem>>, vector<16xf32>,
      %mul3A_689 = arith.constant 8 : i32
      %mul3A_690 = arith.muli %scan3A_563, %mul3A_689 : i32
      %add3A_691 = arith.constant 4 : i32
      %add3A_692 = arith.addi %mul3A_690, %add3A_691 : i32
      %mul3A_693 = arith.constant 16 : i32
      %mul3A_694 = arith.muli %add3A_692, %mul3A_693 : i32
      %swap3A_695 = arith.constant 0 : i32
      %swap3A_696 = arith.index_cast %swap3A_695 : i32 to index
      %swap3A_697 = arith.index_cast %mul3A_694 : i32 to index
      %swap3A_698 = tpu.vector_load %arg8[%swap3A_696, %swap3A_697] {strides = array<i32>} : memref<2x4096xf32, #tpu.memory_space<vmem>>, vector<16xf32>,
      tpu.vector_store %arg8[%swap3A_696, %swap3A_697], %gather3A_646 {strides = array<i32>} : memref<2x4096xf32, #tpu.memory_space<vmem>>, vector<16xf32>,
      %mul3A_699 = arith.constant 8 : i32
      %mul3A_700 = arith.muli %scan3A_563, %mul3A_699 : i32
      %add3A_701 = arith.constant 5 : i32
      %add3A_702 = arith.addi %mul3A_700, %add3A_701 : i32
      %mul3A_703 = arith.constant 16 : i32
      %mul3A_704 = arith.muli %add3A_702, %mul3A_703 : i32
      %swap3A_705 = arith.constant 0 : i32
      %swap3A_706 = arith.index_cast %swap3A_705 : i32 to index
      %swap3A_707 = arith.index_cast %mul3A_704 : i32 to index
      %swap3A_708 = tpu.vector_load %arg8[%swap3A_706, %swap3A_707] {strides = array<i32>} : memref<2x4096xf32, #tpu.memory_space<vmem>>, vector<16xf32>,
      tpu.vector_store %arg8[%swap3A_706, %swap3A_707], %gather3A_647 {strides = array<i32>} : memref<2x4096xf32, #tpu.memory_space<vmem>>, vector<16xf32>,
      %mul3A_709 = arith.constant 8 : i32
      %mul3A_710 = arith.muli %scan3A_563, %mul3A_709 : i32
      %add3A_711 = arith.constant 6 : i32
      %add3A_712 = arith.addi %mul3A_710, %add3A_711 : i32
      %mul3A_713 = arith.constant 16 : i32
      %mul3A_714 = arith.muli %add3A_712, %mul3A_713 : i32
      %swap3A_715 = arith.constant 0 : i32
      %swap3A_716 = arith.index_cast %swap3A_715 : i32 to index
      %swap3A_717 = arith.index_cast %mul3A_714 : i32 to index
      %swap3A_718 = tpu.vector_load %arg8[%swap3A_716, %swap3A_717] {strides = array<i32>} : memref<2x4096xf32, #tpu.memory_space<vmem>>, vector<16xf32>,
      tpu.vector_store %arg8[%swap3A_716, %swap3A_717], %gather3A_648 {strides = array<i32>} : memref<2x4096xf32, #tpu.memory_space<vmem>>, vector<16xf32>,
      %mul3A_719 = arith.constant 8 : i32
      %mul3A_720 = arith.muli %scan3A_563, %mul3A_719 : i32
      %add3A_721 = arith.constant 7 : i32
      %add3A_722 = arith.addi %mul3A_720, %add3A_721 : i32
      %mul3A_723 = arith.constant 16 : i32
      %mul3A_724 = arith.muli %add3A_722, %mul3A_723 : i32
      %swap3A_725 = arith.constant 0 : i32
      %swap3A_726 = arith.index_cast %swap3A_725 : i32 to index
      %swap3A_727 = arith.index_cast %mul3A_724 : i32 to index
      %swap3A_728 = tpu.vector_load %arg8[%swap3A_726, %swap3A_727] {strides = array<i32>} : memref<2x4096xf32, #tpu.memory_space<vmem>>, vector<16xf32>,
      tpu.vector_store %arg8[%swap3A_726, %swap3A_727], %gather3A_649 {strides = array<i32>} : memref<2x4096xf32, #tpu.memory_space<vmem>>, vector<16xf32>,
    }
    %scan3A_303 = arith.constant 32 : i32
    %dma_start3A_304 = arith.constant 0 : i32
    %dma_start3A_305 = arith.constant 0 : i32
    %dma_start3A_306 = tpu.memref_slice %arg8[%dma_start3A_304, %dma_start3A_305] : memref<2x4096xf32, #tpu.memory_space<vmem>> -> memref<1x4096xf32, #tpu.memory_space<vmem>>
    %dma_start3A_307 = tpu.memref_squeeze %dma_start3A_306 : memref<1x4096xf32, #tpu.memory_space<vmem>> -> memref<4096xf32, #tpu.memory_space<vmem>>
    %dma_start3A_308 = arith.constant 8192 : i32
    %dma_start3A_309 = tpu.memref_slice %arg5[%add3A_240, %dma_start3A_308] : memref<96x16384xf32, #tpu.memory_space<hbm>> -> memref<1x4096xf32, #tpu.memory_space<hbm>>
    %dma_start3A_310 = tpu.memref_squeeze %dma_start3A_309 : memref<1x4096xf32, #tpu.memory_space<hbm>> -> memref<4096xf32, #tpu.memory_space<hbm>>
    %dma_start3A_311 = arith.constant 8192 : i32
    %dma_start3A_312 = tpu.memref_slice %arg5[%add3A_240, %dma_start3A_311] : memref<96x16384xf32, #tpu.memory_space<hbm>> -> memref<1x4096xf32, #tpu.memory_space<hbm>>
    %dma_start3A_313 = tpu.memref_squeeze %dma_start3A_312 : memref<1x4096xf32, #tpu.memory_space<hbm>> -> memref<4096xf32, #tpu.memory_space<hbm>>
    %dma_start3A_314 = arith.constant 0 : i32
    %dma_start3A_315 = tpu.memref_slice %arg8[%dma_start3A_304, %dma_start3A_314] : memref<2x4096xf32, #tpu.memory_space<vmem>> -> memref<1x4096xf32, #tpu.memory_space<vmem>>
    %dma_start3A_316 = tpu.memref_squeeze %dma_start3A_315 : memref<1x4096xf32, #tpu.memory_space<vmem>> -> memref<4096xf32, #tpu.memory_space<vmem>>
    tpu.enqueue_dma source(%dma_start3A_316 : memref<4096xf32, #tpu.memory_space<vmem>>) target(%dma_start3A_313 : memref<4096xf32, #tpu.memory_space<hbm>>) target_semaphore(%arg11 : memref<!tpu.dma_semaphore, #tpu.memory_space<semaphore_mem>>)
    %dma_wait3A_317 = arith.constant 1 : i32
    %dma_wait3A_318 = arith.constant 0 : i32
    %dma_wait3A_319 = tpu.memref_slice %arg8[%dma_wait3A_317, %dma_wait3A_318] : memref<2x4096xf32, #tpu.memory_space<vmem>> -> memref<1x4096xf32, #tpu.memory_space<vmem>>
    %dma_wait3A_320 = tpu.memref_squeeze %dma_wait3A_319 : memref<1x4096xf32, #tpu.memory_space<vmem>> -> memref<4096xf32, #tpu.memory_space<vmem>>
    %dma_wait3A_321 = arith.constant 0 : i32
    %dma_wait3A_322 = tpu.memref_slice %arg5[%add3A_240, %dma_wait3A_321] : memref<96x16384xf32, #tpu.memory_space<hbm>> -> memref<1x4096xf32, #tpu.memory_space<hbm>>
    %dma_wait3A_323 = tpu.memref_squeeze %dma_wait3A_322 : memref<1x4096xf32, #tpu.memory_space<hbm>> -> memref<4096xf32, #tpu.memory_space<hbm>>
    %dma_wait3A_324 = arith.constant 0 : i32
    %dma_wait3A_325 = tpu.memref_slice %arg5[%add3A_240, %dma_wait3A_324] : memref<96x16384xf32, #tpu.memory_space<hbm>> -> memref<1x4096xf32, #tpu.memory_space<hbm>>
    %dma_wait3A_326 = tpu.memref_squeeze %dma_wait3A_325 : memref<1x4096xf32, #tpu.memory_space<hbm>> -> memref<4096xf32, #tpu.memory_space<hbm>>
    %dma_wait3A_327 = arith.constant 0 : i32
    %dma_wait3A_328 = tpu.memref_slice %arg8[%dma_wait3A_317, %dma_wait3A_327] : memref<2x4096xf32, #tpu.memory_space<vmem>> -> memref<1x4096xf32, #tpu.memory_space<vmem>>
    %dma_wait3A_329 = tpu.memref_squeeze %dma_wait3A_328 : memref<1x4096xf32, #tpu.memory_space<vmem>> -> memref<4096xf32, #tpu.memory_space<vmem>>
    tpu.wait_dma2 semaphore(%arg11 : memref<!tpu.dma_semaphore, #tpu.memory_space<semaphore_mem>>) src(%dma_wait3A_329 : memref<4096xf32, #tpu.memory_space<vmem>>) dst(%dma_wait3A_326 : memref<4096xf32, #tpu.memory_space<hbm>>)
    %scan3A_330 = arith.constant 0 : i32
    %scan3A_331 = arith.constant 0 : i32
    %scan3A_332 = arith.constant 32 : i32
    %scan3A_333 = arith.addi %scan3A_331, %scan3A_332 : i32
    %scan3A_334 = arith.constant 1 : i32
    scf.for %scan3A_563 = %scan3A_331 to %scan3A_333 step %scan3A_334  : i32 {
      %mul3A_564 = arith.constant 8 : i32
      %mul3A_565 = arith.muli %scan3A_563, %mul3A_564 : i32
      %add3A_566 = arith.constant 0 : i32
      %add3A_567 = arith.addi %mul3A_565, %add3A_566 : i32
      %mul3A_568 = arith.constant 16 : i32
      %mul3A_569 = arith.muli %add3A_567, %mul3A_568 : i32
      %add3A_570 = arith.constant 12288 : i32
      %add3A_571 = arith.addi %add3A_570, %mul3A_569 : i32
      %get3A = arith.index_cast %add3A_571 : i32 to index
      %get3A_572 = tpu.vector_load %arg6[%get3A] {strides = array<i32>} : memref<16384xi32, #tpu.memory_space<vmem>>, vector<16xi32>,
      %mul3A_573 = arith.constant 8 : i32
      %mul3A_574 = arith.muli %scan3A_563, %mul3A_573 : i32
      %add3A_575 = arith.constant 1 : i32
      %add3A_576 = arith.addi %mul3A_574, %add3A_575 : i32
      %mul3A_577 = arith.constant 16 : i32
      %mul3A_578 = arith.muli %add3A_576, %mul3A_577 : i32
      %add3A_579 = arith.constant 12288 : i32
      %add3A_580 = arith.addi %add3A_579, %mul3A_578 : i32
      %get3A_581 = arith.index_cast %add3A_580 : i32 to index
      %get3A_582 = tpu.vector_load %arg6[%get3A_581] {strides = array<i32>} : memref<16384xi32, #tpu.memory_space<vmem>>, vector<16xi32>,
      %mul3A_583 = arith.constant 8 : i32
      %mul3A_584 = arith.muli %scan3A_563, %mul3A_583 : i32
      %add3A_585 = arith.constant 2 : i32
      %add3A_586 = arith.addi %mul3A_584, %add3A_585 : i32
      %mul3A_587 = arith.constant 16 : i32
      %mul3A_588 = arith.muli %add3A_586, %mul3A_587 : i32
      %add3A_589 = arith.constant 12288 : i32
      %add3A_590 = arith.addi %add3A_589, %mul3A_588 : i32
      %get3A_591 = arith.index_cast %add3A_590 : i32 to index
      %get3A_592 = tpu.vector_load %arg6[%get3A_591] {strides = array<i32>} : memref<16384xi32, #tpu.memory_space<vmem>>, vector<16xi32>,
      %mul3A_593 = arith.constant 8 : i32
      %mul3A_594 = arith.muli %scan3A_563, %mul3A_593 : i32
      %add3A_595 = arith.constant 3 : i32
      %add3A_596 = arith.addi %mul3A_594, %add3A_595 : i32
      %mul3A_597 = arith.constant 16 : i32
      %mul3A_598 = arith.muli %add3A_596, %mul3A_597 : i32
      %add3A_599 = arith.constant 12288 : i32
      %add3A_600 = arith.addi %add3A_599, %mul3A_598 : i32
      %get3A_601 = arith.index_cast %add3A_600 : i32 to index
      %get3A_602 = tpu.vector_load %arg6[%get3A_601] {strides = array<i32>} : memref<16384xi32, #tpu.memory_space<vmem>>, vector<16xi32>,
      %mul3A_603 = arith.constant 8 : i32
      %mul3A_604 = arith.muli %scan3A_563, %mul3A_603 : i32
      %add3A_605 = arith.constant 4 : i32
      %add3A_606 = arith.addi %mul3A_604, %add3A_605 : i32
      %mul3A_607 = arith.constant 16 : i32
      %mul3A_608 = arith.muli %add3A_606, %mul3A_607 : i32
      %add3A_609 = arith.constant 12288 : i32
      %add3A_610 = arith.addi %add3A_609, %mul3A_608 : i32
      %get3A_611 = arith.index_cast %add3A_610 : i32 to index
      %get3A_612 = tpu.vector_load %arg6[%get3A_611] {strides = array<i32>} : memref<16384xi32, #tpu.memory_space<vmem>>, vector<16xi32>,
      %mul3A_613 = arith.constant 8 : i32
      %mul3A_614 = arith.muli %scan3A_563, %mul3A_613 : i32
      %add3A_615 = arith.constant 5 : i32
      %add3A_616 = arith.addi %mul3A_614, %add3A_615 : i32
      %mul3A_617 = arith.constant 16 : i32
      %mul3A_618 = arith.muli %add3A_616, %mul3A_617 : i32
      %add3A_619 = arith.constant 12288 : i32
      %add3A_620 = arith.addi %add3A_619, %mul3A_618 : i32
      %get3A_621 = arith.index_cast %add3A_620 : i32 to index
      %get3A_622 = tpu.vector_load %arg6[%get3A_621] {strides = array<i32>} : memref<16384xi32, #tpu.memory_space<vmem>>, vector<16xi32>,
      %mul3A_623 = arith.constant 8 : i32
      %mul3A_624 = arith.muli %scan3A_563, %mul3A_623 : i32
      %add3A_625 = arith.constant 6 : i32
      %add3A_626 = arith.addi %mul3A_624, %add3A_625 : i32
      %mul3A_627 = arith.constant 16 : i32
      %mul3A_628 = arith.muli %add3A_626, %mul3A_627 : i32
      %add3A_629 = arith.constant 12288 : i32
      %add3A_630 = arith.addi %add3A_629, %mul3A_628 : i32
      %get3A_631 = arith.index_cast %add3A_630 : i32 to index
      %get3A_632 = tpu.vector_load %arg6[%get3A_631] {strides = array<i32>} : memref<16384xi32, #tpu.memory_space<vmem>>, vector<16xi32>,
      %mul3A_633 = arith.constant 8 : i32
      %mul3A_634 = arith.muli %scan3A_563, %mul3A_633 : i32
      %add3A_635 = arith.constant 7 : i32
      %add3A_636 = arith.addi %mul3A_634, %add3A_635 : i32
      %mul3A_637 = arith.constant 16 : i32
      %mul3A_638 = arith.muli %add3A_636, %mul3A_637 : i32
      %add3A_639 = arith.constant 12288 : i32
      %add3A_640 = arith.addi %add3A_639, %mul3A_638 : i32
      %get3A_641 = arith.index_cast %add3A_640 : i32 to index
      %get3A_642 = tpu.vector_load %arg6[%get3A_641] {strides = array<i32>} : memref<16384xi32, #tpu.memory_space<vmem>>, vector<16xi32>,
      %gather3A = tpu.vector_load_idx %arg7[%broadcast_in_dim3A_1, %get3A_572] : memref<1x100096xf32, #tpu.memory_space<vmem>>[vector<16xi32>, vector<16xi32>], vector<16xf32>,
      %gather3A_643 = tpu.vector_load_idx %arg7[%broadcast_in_dim3A_1, %get3A_582] : memref<1x100096xf32, #tpu.memory_space<vmem>>[vector<16xi32>, vector<16xi32>], vector<16xf32>,
      %gather3A_644 = tpu.vector_load_idx %arg7[%broadcast_in_dim3A_1, %get3A_592] : memref<1x100096xf32, #tpu.memory_space<vmem>>[vector<16xi32>, vector<16xi32>], vector<16xf32>,
      %gather3A_645 = tpu.vector_load_idx %arg7[%broadcast_in_dim3A_1, %get3A_602] : memref<1x100096xf32, #tpu.memory_space<vmem>>[vector<16xi32>, vector<16xi32>], vector<16xf32>,
      %gather3A_646 = tpu.vector_load_idx %arg7[%broadcast_in_dim3A_1, %get3A_612] : memref<1x100096xf32, #tpu.memory_space<vmem>>[vector<16xi32>, vector<16xi32>], vector<16xf32>,
      %gather3A_647 = tpu.vector_load_idx %arg7[%broadcast_in_dim3A_1, %get3A_622] : memref<1x100096xf32, #tpu.memory_space<vmem>>[vector<16xi32>, vector<16xi32>], vector<16xf32>,
      %gather3A_648 = tpu.vector_load_idx %arg7[%broadcast_in_dim3A_1, %get3A_632] : memref<1x100096xf32, #tpu.memory_space<vmem>>[vector<16xi32>, vector<16xi32>], vector<16xf32>,
      %gather3A_649 = tpu.vector_load_idx %arg7[%broadcast_in_dim3A_1, %get3A_642] : memref<1x100096xf32, #tpu.memory_space<vmem>>[vector<16xi32>, vector<16xi32>], vector<16xf32>,
      %mul3A_650 = arith.constant 8 : i32
      %mul3A_651 = arith.muli %scan3A_563, %mul3A_650 : i32
      %add3A_652 = arith.constant 0 : i32
      %add3A_653 = arith.addi %mul3A_651, %add3A_652 : i32
      %mul3A_654 = arith.constant 16 : i32
      %mul3A_655 = arith.muli %add3A_653, %mul3A_654 : i32
      %swap3A = arith.constant 1 : i32
      %swap3A_656 = arith.index_cast %swap3A : i32 to index
      %swap3A_657 = arith.index_cast %mul3A_655 : i32 to index
      %swap3A_658 = tpu.vector_load %arg8[%swap3A_656, %swap3A_657] {strides = array<i32>} : memref<2x4096xf32, #tpu.memory_space<vmem>>, vector<16xf32>,
      tpu.vector_store %arg8[%swap3A_656, %swap3A_657], %gather3A {strides = array<i32>} : memref<2x4096xf32, #tpu.memory_space<vmem>>, vector<16xf32>,
      %mul3A_659 = arith.constant 8 : i32
      %mul3A_660 = arith.muli %scan3A_563, %mul3A_659 : i32
      %add3A_661 = arith.constant 1 : i32
      %add3A_662 = arith.addi %mul3A_660, %add3A_661 : i32
      %mul3A_663 = arith.constant 16 : i32
      %mul3A_664 = arith.muli %add3A_662, %mul3A_663 : i32
      %swap3A_665 = arith.constant 1 : i32
      %swap3A_666 = arith.index_cast %swap3A_665 : i32 to index
      %swap3A_667 = arith.index_cast %mul3A_664 : i32 to index
      %swap3A_668 = tpu.vector_load %arg8[%swap3A_666, %swap3A_667] {strides = array<i32>} : memref<2x4096xf32, #tpu.memory_space<vmem>>, vector<16xf32>,
      tpu.vector_store %arg8[%swap3A_666, %swap3A_667], %gather3A_643 {strides = array<i32>} : memref<2x4096xf32, #tpu.memory_space<vmem>>, vector<16xf32>,
      %mul3A_669 = arith.constant 8 : i32
      %mul3A_670 = arith.muli %scan3A_563, %mul3A_669 : i32
      %add3A_671 = arith.constant 2 : i32
      %add3A_672 = arith.addi %mul3A_670, %add3A_671 : i32
      %mul3A_673 = arith.constant 16 : i32
      %mul3A_674 = arith.muli %add3A_672, %mul3A_673 : i32
      %swap3A_675 = arith.constant 1 : i32
      %swap3A_676 = arith.index_cast %swap3A_675 : i32 to index
      %swap3A_677 = arith.index_cast %mul3A_674 : i32 to index
      %swap3A_678 = tpu.vector_load %arg8[%swap3A_676, %swap3A_677] {strides = array<i32>} : memref<2x4096xf32, #tpu.memory_space<vmem>>, vector<16xf32>,
      tpu.vector_store %arg8[%swap3A_676, %swap3A_677], %gather3A_644 {strides = array<i32>} : memref<2x4096xf32, #tpu.memory_space<vmem>>, vector<16xf32>,
      %mul3A_679 = arith.constant 8 : i32
      %mul3A_680 = arith.muli %scan3A_563, %mul3A_679 : i32
      %add3A_681 = arith.constant 3 : i32
      %add3A_682 = arith.addi %mul3A_680, %add3A_681 : i32
      %mul3A_683 = arith.constant 16 : i32
      %mul3A_684 = arith.muli %add3A_682, %mul3A_683 : i32
      %swap3A_685 = arith.constant 1 : i32
      %swap3A_686 = arith.index_cast %swap3A_685 : i32 to index
      %swap3A_687 = arith.index_cast %mul3A_684 : i32 to index
      %swap3A_688 = tpu.vector_load %arg8[%swap3A_686, %swap3A_687] {strides = array<i32>} : memref<2x4096xf32, #tpu.memory_space<vmem>>, vector<16xf32>,
      tpu.vector_store %arg8[%swap3A_686, %swap3A_687], %gather3A_645 {strides = array<i32>} : memref<2x4096xf32, #tpu.memory_space<vmem>>, vector<16xf32>,
      %mul3A_689 = arith.constant 8 : i32
      %mul3A_690 = arith.muli %scan3A_563, %mul3A_689 : i32
      %add3A_691 = arith.constant 4 : i32
      %add3A_692 = arith.addi %mul3A_690, %add3A_691 : i32
      %mul3A_693 = arith.constant 16 : i32
      %mul3A_694 = arith.muli %add3A_692, %mul3A_693 : i32
      %swap3A_695 = arith.constant 1 : i32
      %swap3A_696 = arith.index_cast %swap3A_695 : i32 to index
      %swap3A_697 = arith.index_cast %mul3A_694 : i32 to index
      %swap3A_698 = tpu.vector_load %arg8[%swap3A_696, %swap3A_697] {strides = array<i32>} : memref<2x4096xf32, #tpu.memory_space<vmem>>, vector<16xf32>,
      tpu.vector_store %arg8[%swap3A_696, %swap3A_697], %gather3A_646 {strides = array<i32>} : memref<2x4096xf32, #tpu.memory_space<vmem>>, vector<16xf32>,
      %mul3A_699 = arith.constant 8 : i32
      %mul3A_700 = arith.muli %scan3A_563, %mul3A_699 : i32
      %add3A_701 = arith.constant 5 : i32
      %add3A_702 = arith.addi %mul3A_700, %add3A_701 : i32
      %mul3A_703 = arith.constant 16 : i32
      %mul3A_704 = arith.muli %add3A_702, %mul3A_703 : i32
      %swap3A_705 = arith.constant 1 : i32
      %swap3A_706 = arith.index_cast %swap3A_705 : i32 to index
      %swap3A_707 = arith.index_cast %mul3A_704 : i32 to index
      %swap3A_708 = tpu.vector_load %arg8[%swap3A_706, %swap3A_707] {strides = array<i32>} : memref<2x4096xf32, #tpu.memory_space<vmem>>, vector<16xf32>,
      tpu.vector_store %arg8[%swap3A_706, %swap3A_707], %gather3A_647 {strides = array<i32>} : memref<2x4096xf32, #tpu.memory_space<vmem>>, vector<16xf32>,
      %mul3A_709 = arith.constant 8 : i32
      %mul3A_710 = arith.muli %scan3A_563, %mul3A_709 : i32
      %add3A_711 = arith.constant 6 : i32
      %add3A_712 = arith.addi %mul3A_710, %add3A_711 : i32
      %mul3A_713 = arith.constant 16 : i32
      %mul3A_714 = arith.muli %add3A_712, %mul3A_713 : i32
      %swap3A_715 = arith.constant 1 : i32
      %swap3A_716 = arith.index_cast %swap3A_715 : i32 to index
      %swap3A_717 = arith.index_cast %mul3A_714 : i32 to index
      %swap3A_718 = tpu.vector_load %arg8[%swap3A_716, %swap3A_717] {strides = array<i32>} : memref<2x4096xf32, #tpu.memory_space<vmem>>, vector<16xf32>,
      tpu.vector_store %arg8[%swap3A_716, %swap3A_717], %gather3A_648 {strides = array<i32>} : memref<2x4096xf32, #tpu.memory_space<vmem>>, vector<16xf32>,
      %mul3A_719 = arith.constant 8 : i32
      %mul3A_720 = arith.muli %scan3A_563, %mul3A_719 : i32
      %add3A_721 = arith.constant 7 : i32
      %add3A_722 = arith.addi %mul3A_720, %add3A_721 : i32
      %mul3A_723 = arith.constant 16 : i32
      %mul3A_724 = arith.muli %add3A_722, %mul3A_723 : i32
      %swap3A_725 = arith.constant 1 : i32
      %swap3A_726 = arith.index_cast %swap3A_725 : i32 to index
      %swap3A_727 = arith.index_cast %mul3A_724 : i32 to index
      %swap3A_728 = tpu.vector_load %arg8[%swap3A_726, %swap3A_727] {strides = array<i32>} : memref<2x4096xf32, #tpu.memory_space<vmem>>, vector<16xf32>,
      tpu.vector_store %arg8[%swap3A_726, %swap3A_727], %gather3A_649 {strides = array<i32>} : memref<2x4096xf32, #tpu.memory_space<vmem>>, vector<16xf32>,
    }
    %scan3A_335 = arith.constant 32 : i32
    %dma_start3A_336 = arith.constant 1 : i32
    %dma_start3A_337 = arith.constant 0 : i32
    %dma_start3A_338 = tpu.memref_slice %arg8[%dma_start3A_336, %dma_start3A_337] : memref<2x4096xf32, #tpu.memory_space<vmem>> -> memref<1x4096xf32, #tpu.memory_space<vmem>>
    %dma_start3A_339 = tpu.memref_squeeze %dma_start3A_338 : memref<1x4096xf32, #tpu.memory_space<vmem>> -> memref<4096xf32, #tpu.memory_space<vmem>>
    %dma_start3A_340 = arith.constant 12288 : i32
    %dma_start3A_341 = tpu.memref_slice %arg5[%add3A_240, %dma_start3A_340] : memref<96x16384xf32, #tpu.memory_space<hbm>> -> memref<1x4096xf32, #tpu.memory_space<hbm>>
    %dma_start3A_342 = tpu.memref_squeeze %dma_start3A_341 : memref<1x4096xf32, #tpu.memory_space<hbm>> -> memref<4096xf32, #tpu.memory_space<hbm>>
    %dma_start3A_343 = arith.constant 12288 : i32
    %dma_start3A_344 = tpu.memref_slice %arg5[%add3A_240, %dma_start3A_343] : memref<96x16384xf32, #tpu.memory_space<hbm>> -> memref<1x4096xf32, #tpu.memory_space<hbm>>
    %dma_start3A_345 = tpu.memref_squeeze %dma_start3A_344 : memref<1x4096xf32, #tpu.memory_space<hbm>> -> memref<4096xf32, #tpu.memory_space<hbm>>
    %dma_start3A_346 = arith.constant 0 : i32
    %dma_start3A_347 = tpu.memref_slice %arg8[%dma_start3A_336, %dma_start3A_346] : memref<2x4096xf32, #tpu.memory_space<vmem>> -> memref<1x4096xf32, #tpu.memory_space<vmem>>
    %dma_start3A_348 = tpu.memref_squeeze %dma_start3A_347 : memref<1x4096xf32, #tpu.memory_space<vmem>> -> memref<4096xf32, #tpu.memory_space<vmem>>
    tpu.enqueue_dma source(%dma_start3A_348 : memref<4096xf32, #tpu.memory_space<vmem>>) target(%dma_start3A_345 : memref<4096xf32, #tpu.memory_space<hbm>>) target_semaphore(%arg11 : memref<!tpu.dma_semaphore, #tpu.memory_space<semaphore_mem>>)
    %add3A_349 = arith.constant 1 : i32
    %add3A_350 = arith.addi %add3A_240, %add3A_349 : i32
    %dma_start3A_351 = arith.constant 0 : i32
    %dma_start3A_352 = arith.constant 0 : i32
    %dma_start3A_353 = tpu.memref_slice %arg7[%dma_start3A_351, %dma_start3A_352] : memref<1x100096xf32, #tpu.memory_space<vmem>> -> memref<1x25088xf32, #tpu.memory_space<vmem>>
    %dma_start3A_354 = arith.constant 0 : i32
    %dma_start3A_355 = tpu.memref_slice %arg3[%add3A_350, %dma_start3A_354] : memref<96x100001xf32, #tpu.memory_space<hbm>> -> memref<1x25088xf32, #tpu.memory_space<hbm>>
    %dma_start3A_356 = arith.constant 0 : i32
    %dma_start3A_357 = arith.constant 0 : i32
    %dma_start3A_358 = tpu.memref_slice %arg7[%dma_start3A_356, %dma_start3A_357] : memref<1x100096xf32, #tpu.memory_space<vmem>> -> memref<1x25088xf32, #tpu.memory_space<vmem>>
    %dma_start3A_359 = arith.constant 0 : i32
    %dma_start3A_360 = tpu.memref_slice %arg3[%add3A_350, %dma_start3A_359] : memref<96x100001xf32, #tpu.memory_space<hbm>> -> memref<1x25088xf32, #tpu.memory_space<hbm>>
    tpu.enqueue_dma source(%dma_start3A_360 : memref<1x25088xf32, #tpu.memory_space<hbm>>) target(%dma_start3A_358 : memref<1x25088xf32, #tpu.memory_space<vmem>>) target_semaphore(%arg9 : memref<!tpu.dma_semaphore, #tpu.memory_space<semaphore_mem>>)
    %dma_start3A_361 = arith.constant 0 : i32
    %dma_start3A_362 = arith.constant 25088 : i32
    %dma_start3A_363 = tpu.memref_slice %arg7[%dma_start3A_361, %dma_start3A_362] : memref<1x100096xf32, #tpu.memory_space<vmem>> -> memref<1x25088xf32, #tpu.memory_space<vmem>>
    %dma_start3A_364 = arith.constant 25088 : i32
    %dma_start3A_365 = tpu.memref_slice %arg3[%add3A_350, %dma_start3A_364] : memref<96x100001xf32, #tpu.memory_space<hbm>> -> memref<1x25088xf32, #tpu.memory_space<hbm>>
    %dma_start3A_366 = arith.constant 0 : i32
    %dma_start3A_367 = arith.constant 25088 : i32
    %dma_start3A_368 = tpu.memref_slice %arg7[%dma_start3A_366, %dma_start3A_367] : memref<1x100096xf32, #tpu.memory_space<vmem>> -> memref<1x25088xf32, #tpu.memory_space<vmem>>
    %dma_start3A_369 = arith.constant 25088 : i32
    %dma_start3A_370 = tpu.memref_slice %arg3[%add3A_350, %dma_start3A_369] : memref<96x100001xf32, #tpu.memory_space<hbm>> -> memref<1x25088xf32, #tpu.memory_space<hbm>>
    tpu.enqueue_dma source(%dma_start3A_370 : memref<1x25088xf32, #tpu.memory_space<hbm>>) target(%dma_start3A_368 : memref<1x25088xf32, #tpu.memory_space<vmem>>) target_semaphore(%arg9 : memref<!tpu.dma_semaphore, #tpu.memory_space<semaphore_mem>>)
    %dma_start3A_371 = arith.constant 0 : i32
    %dma_start3A_372 = arith.constant 50176 : i32
    %dma_start3A_373 = tpu.memref_slice %arg7[%dma_start3A_371, %dma_start3A_372] : memref<1x100096xf32, #tpu.memory_space<vmem>> -> memref<1x25088xf32, #tpu.memory_space<vmem>>
    %dma_start3A_374 = arith.constant 50176 : i32
    %dma_start3A_375 = tpu.memref_slice %arg3[%add3A_350, %dma_start3A_374] : memref<96x100001xf32, #tpu.memory_space<hbm>> -> memref<1x25088xf32, #tpu.memory_space<hbm>>
    %dma_start3A_376 = arith.constant 0 : i32
    %dma_start3A_377 = arith.constant 50176 : i32
    %dma_start3A_378 = tpu.memref_slice %arg7[%dma_start3A_376, %dma_start3A_377] : memref<1x100096xf32, #tpu.memory_space<vmem>> -> memref<1x25088xf32, #tpu.memory_space<vmem>>
    %dma_start3A_379 = arith.constant 50176 : i32
    %dma_start3A_380 = tpu.memref_slice %arg3[%add3A_350, %dma_start3A_379] : memref<96x100001xf32, #tpu.memory_space<hbm>> -> memref<1x25088xf32, #tpu.memory_space<hbm>>
    tpu.enqueue_dma source(%dma_start3A_380 : memref<1x25088xf32, #tpu.memory_space<hbm>>) target(%dma_start3A_378 : memref<1x25088xf32, #tpu.memory_space<vmem>>) target_semaphore(%arg9 : memref<!tpu.dma_semaphore, #tpu.memory_space<semaphore_mem>>)
    %dma_start3A_381 = arith.constant 0 : i32
    %dma_start3A_382 = arith.constant 75264 : i32
    %dma_start3A_383 = tpu.memref_slice %arg7[%dma_start3A_381, %dma_start3A_382] : memref<1x100096xf32, #tpu.memory_space<vmem>> -> memref<1x24704xf32, #tpu.memory_space<vmem>>
    %dma_start3A_384 = arith.constant 75264 : i32
    %dma_start3A_385 = tpu.memref_slice %arg3[%add3A_350, %dma_start3A_384] : memref<96x100001xf32, #tpu.memory_space<hbm>> -> memref<1x24704xf32, #tpu.memory_space<hbm>>
    %dma_start3A_386 = arith.constant 0 : i32
    %dma_start3A_387 = arith.constant 75264 : i32
    %dma_start3A_388 = tpu.memref_slice %arg7[%dma_start3A_386, %dma_start3A_387] : memref<1x100096xf32, #tpu.memory_space<vmem>> -> memref<1x24704xf32, #tpu.memory_space<vmem>>
    %dma_start3A_389 = arith.constant 75264 : i32
    %dma_start3A_390 = tpu.memref_slice %arg3[%add3A_350, %dma_start3A_389] : memref<96x100001xf32, #tpu.memory_space<hbm>> -> memref<1x24704xf32, #tpu.memory_space<hbm>>
    tpu.enqueue_dma source(%dma_start3A_390 : memref<1x24704xf32, #tpu.memory_space<hbm>>) target(%dma_start3A_388 : memref<1x24704xf32, #tpu.memory_space<vmem>>) target_semaphore(%arg9 : memref<!tpu.dma_semaphore, #tpu.memory_space<semaphore_mem>>)
    %dma_start3A_391 = arith.constant 0 : i32
    %dma_start3A_392 = arith.constant 99968 : i32
    %dma_start3A_393 = tpu.memref_slice %arg7[%dma_start3A_391, %dma_start3A_392] : memref<1x100096xf32, #tpu.memory_space<vmem>> -> memref<1x128xf32, #tpu.memory_space<vmem>>
    %dma_start3A_394 = arith.constant 0 : i32
    %dma_start3A_395 = tpu.memref_slice %arg4[%add3A_350, %dma_start3A_394] : memref<96x128xf32, #tpu.memory_space<hbm>> -> memref<1x128xf32, #tpu.memory_space<hbm>>
    %dma_start3A_396 = arith.constant 0 : i32
    %dma_start3A_397 = arith.constant 99968 : i32
    %dma_start3A_398 = tpu.memref_slice %arg7[%dma_start3A_396, %dma_start3A_397] : memref<1x100096xf32, #tpu.memory_space<vmem>> -> memref<1x128xf32, #tpu.memory_space<vmem>>
    %dma_start3A_399 = arith.constant 0 : i32
    %dma_start3A_400 = tpu.memref_slice %arg4[%add3A_350, %dma_start3A_399] : memref<96x128xf32, #tpu.memory_space<hbm>> -> memref<1x128xf32, #tpu.memory_space<hbm>>
    tpu.enqueue_dma source(%dma_start3A_400 : memref<1x128xf32, #tpu.memory_space<hbm>>) target(%dma_start3A_398 : memref<1x128xf32, #tpu.memory_space<vmem>>) target_semaphore(%arg9 : memref<!tpu.dma_semaphore, #tpu.memory_space<semaphore_mem>>)
    %dma_wait3A_401 = arith.constant 0 : i32
    %dma_wait3A_402 = arith.constant 0 : i32
    %dma_wait3A_403 = tpu.memref_slice %arg8[%dma_wait3A_401, %dma_wait3A_402] : memref<2x4096xf32, #tpu.memory_space<vmem>> -> memref<1x4096xf32, #tpu.memory_space<vmem>>
    %dma_wait3A_404 = tpu.memref_squeeze %dma_wait3A_403 : memref<1x4096xf32, #tpu.memory_space<vmem>> -> memref<4096xf32, #tpu.memory_space<vmem>>
    %dma_wait3A_405 = arith.constant 0 : i32
    %dma_wait3A_406 = tpu.memref_slice %arg5[%add3A_240, %dma_wait3A_405] : memref<96x16384xf32, #tpu.memory_space<hbm>> -> memref<1x4096xf32, #tpu.memory_space<hbm>>
    %dma_wait3A_407 = tpu.memref_squeeze %dma_wait3A_406 : memref<1x4096xf32, #tpu.memory_space<hbm>> -> memref<4096xf32, #tpu.memory_space<hbm>>
    %dma_wait3A_408 = arith.constant 0 : i32
    %dma_wait3A_409 = tpu.memref_slice %arg5[%add3A_240, %dma_wait3A_408] : memref<96x16384xf32, #tpu.memory_space<hbm>> -> memref<1x4096xf32, #tpu.memory_space<hbm>>
    %dma_wait3A_410 = tpu.memref_squeeze %dma_wait3A_409 : memref<1x4096xf32, #tpu.memory_space<hbm>> -> memref<4096xf32, #tpu.memory_space<hbm>>
    %dma_wait3A_411 = arith.constant 0 : i32
    %dma_wait3A_412 = tpu.memref_slice %arg8[%dma_wait3A_401, %dma_wait3A_411] : memref<2x4096xf32, #tpu.memory_space<vmem>> -> memref<1x4096xf32, #tpu.memory_space<vmem>>
    %dma_wait3A_413 = tpu.memref_squeeze %dma_wait3A_412 : memref<1x4096xf32, #tpu.memory_space<vmem>> -> memref<4096xf32, #tpu.memory_space<vmem>>
    tpu.wait_dma2 semaphore(%arg11 : memref<!tpu.dma_semaphore, #tpu.memory_space<semaphore_mem>>) src(%dma_wait3A_413 : memref<4096xf32, #tpu.memory_space<vmem>>) dst(%dma_wait3A_410 : memref<4096xf32, #tpu.memory_space<hbm>>)
    %dma_wait3A_414 = arith.constant 0 : i32
    %dma_wait3A_415 = arith.constant 0 : i32
    %dma_wait3A_416 = tpu.memref_slice %arg8[%dma_wait3A_414, %dma_wait3A_415] : memref<2x4096xf32, #tpu.memory_space<vmem>> -> memref<1x4096xf32, #tpu.memory_space<vmem>>
    %dma_wait3A_417 = tpu.memref_squeeze %dma_wait3A_416 : memref<1x4096xf32, #tpu.memory_space<vmem>> -> memref<4096xf32, #tpu.memory_space<vmem>>
    %dma_wait3A_418 = arith.constant 0 : i32
    %dma_wait3A_419 = tpu.memref_slice %arg5[%add3A_240, %dma_wait3A_418] : memref<96x16384xf32, #tpu.memory_space<hbm>> -> memref<1x4096xf32, #tpu.memory_space<hbm>>
    %dma_wait3A_420 = tpu.memref_squeeze %dma_wait3A_419 : memref<1x4096xf32, #tpu.memory_space<hbm>> -> memref<4096xf32, #tpu.memory_space<hbm>>
    %dma_wait3A_421 = arith.constant 0 : i32
    %dma_wait3A_422 = tpu.memref_slice %arg5[%add3A_240, %dma_wait3A_421] : memref<96x16384xf32, #tpu.memory_space<hbm>> -> memref<1x4096xf32, #tpu.memory_space<hbm>>
    %dma_wait3A_423 = tpu.memref_squeeze %dma_wait3A_422 : memref<1x4096xf32, #tpu.memory_space<hbm>> -> memref<4096xf32, #tpu.memory_space<hbm>>
    %dma_wait3A_424 = arith.constant 0 : i32
    %dma_wait3A_425 = tpu.memref_slice %arg8[%dma_wait3A_414, %dma_wait3A_424] : memref<2x4096xf32, #tpu.memory_space<vmem>> -> memref<1x4096xf32, #tpu.memory_space<vmem>>
    %dma_wait3A_426 = tpu.memref_squeeze %dma_wait3A_425 : memref<1x4096xf32, #tpu.memory_space<vmem>> -> memref<4096xf32, #tpu.memory_space<vmem>>
    tpu.wait_dma2 semaphore(%arg11 : memref<!tpu.dma_semaphore, #tpu.memory_space<semaphore_mem>>) src(%dma_wait3A_426 : memref<4096xf32, #tpu.memory_space<vmem>>) dst(%dma_wait3A_423 : memref<4096xf32, #tpu.memory_space<hbm>>)
    %add3A_427 = arith.constant 2 : i32
    %add3A_428 = arith.addi %mul3A_3, %add3A_427 : i32
    %dma_wait3A_429 = arith.constant 0 : i32
    %dma_wait3A_430 = arith.constant 0 : i32
    %dma_wait3A_431 = tpu.memref_slice %arg3[%dma_wait3A_429, %dma_wait3A_430] : memref<96x100001xf32, #tpu.memory_space<hbm>> -> memref<1x100096xf32, #tpu.memory_space<hbm>>
    %dma_wait3A_432 = arith.constant 0 : i32
    %dma_wait3A_433 = arith.constant 0 : i32
    %dma_wait3A_434 = tpu.memref_slice %arg3[%dma_wait3A_432, %dma_wait3A_433] : memref<96x100001xf32, #tpu.memory_space<hbm>> -> memref<1x100096xf32, #tpu.memory_space<hbm>>
    tpu.wait_dma2 semaphore(%arg9 : memref<!tpu.dma_semaphore, #tpu.memory_space<semaphore_mem>>) src(%dma_wait3A_434 : memref<1x100096xf32, #tpu.memory_space<hbm>>) dst(%arg7 : memref<1x100096xf32, #tpu.memory_space<vmem>>)
    %scan3A_435 = arith.constant 0 : i32
    %scan3A_436 = arith.constant 0 : i32
    %scan3A_437 = arith.constant 32 : i32
    %scan3A_438 = arith.addi %scan3A_436, %scan3A_437 : i32
    %scan3A_439 = arith.constant 1 : i32
    scf.for %scan3A_563 = %scan3A_436 to %scan3A_438 step %scan3A_439  : i32 {
      %mul3A_564 = arith.constant 8 : i32
      %mul3A_565 = arith.muli %scan3A_563, %mul3A_564 : i32
      %add3A_566 = arith.constant 0 : i32
      %add3A_567 = arith.addi %mul3A_565, %add3A_566 : i32
      %mul3A_568 = arith.constant 16 : i32
      %mul3A_569 = arith.muli %add3A_567, %mul3A_568 : i32
      %add3A_570 = arith.constant 0 : i32
      %add3A_571 = arith.addi %add3A_570, %mul3A_569 : i32
      %get3A = arith.index_cast %add3A_571 : i32 to index
      %get3A_572 = tpu.vector_load %arg6[%get3A] {strides = array<i32>} : memref<16384xi32, #tpu.memory_space<vmem>>, vector<16xi32>,
      %mul3A_573 = arith.constant 8 : i32
      %mul3A_574 = arith.muli %scan3A_563, %mul3A_573 : i32
      %add3A_575 = arith.constant 1 : i32
      %add3A_576 = arith.addi %mul3A_574, %add3A_575 : i32
      %mul3A_577 = arith.constant 16 : i32
      %mul3A_578 = arith.muli %add3A_576, %mul3A_577 : i32
      %add3A_579 = arith.constant 0 : i32
      %add3A_580 = arith.addi %add3A_579, %mul3A_578 : i32
      %get3A_581 = arith.index_cast %add3A_580 : i32 to index
      %get3A_582 = tpu.vector_load %arg6[%get3A_581] {strides = array<i32>} : memref<16384xi32, #tpu.memory_space<vmem>>, vector<16xi32>,
      %mul3A_583 = arith.constant 8 : i32
      %mul3A_584 = arith.muli %scan3A_563, %mul3A_583 : i32
      %add3A_585 = arith.constant 2 : i32
      %add3A_586 = arith.addi %mul3A_584, %add3A_585 : i32
      %mul3A_587 = arith.constant 16 : i32
      %mul3A_588 = arith.muli %add3A_586, %mul3A_587 : i32
      %add3A_589 = arith.constant 0 : i32
      %add3A_590 = arith.addi %add3A_589, %mul3A_588 : i32
      %get3A_591 = arith.index_cast %add3A_590 : i32 to index
      %get3A_592 = tpu.vector_load %arg6[%get3A_591] {strides = array<i32>} : memref<16384xi32, #tpu.memory_space<vmem>>, vector<16xi32>,
      %mul3A_593 = arith.constant 8 : i32
      %mul3A_594 = arith.muli %scan3A_563, %mul3A_593 : i32
      %add3A_595 = arith.constant 3 : i32
      %add3A_596 = arith.addi %mul3A_594, %add3A_595 : i32
      %mul3A_597 = arith.constant 16 : i32
      %mul3A_598 = arith.muli %add3A_596, %mul3A_597 : i32
      %add3A_599 = arith.constant 0 : i32
      %add3A_600 = arith.addi %add3A_599, %mul3A_598 : i32
      %get3A_601 = arith.index_cast %add3A_600 : i32 to index
      %get3A_602 = tpu.vector_load %arg6[%get3A_601] {strides = array<i32>} : memref<16384xi32, #tpu.memory_space<vmem>>, vector<16xi32>,
      %mul3A_603 = arith.constant 8 : i32
      %mul3A_604 = arith.muli %scan3A_563, %mul3A_603 : i32
      %add3A_605 = arith.constant 4 : i32
      %add3A_606 = arith.addi %mul3A_604, %add3A_605 : i32
      %mul3A_607 = arith.constant 16 : i32
      %mul3A_608 = arith.muli %add3A_606, %mul3A_607 : i32
      %add3A_609 = arith.constant 0 : i32
      %add3A_610 = arith.addi %add3A_609, %mul3A_608 : i32
      %get3A_611 = arith.index_cast %add3A_610 : i32 to index
      %get3A_612 = tpu.vector_load %arg6[%get3A_611] {strides = array<i32>} : memref<16384xi32, #tpu.memory_space<vmem>>, vector<16xi32>,
      %mul3A_613 = arith.constant 8 : i32
      %mul3A_614 = arith.muli %scan3A_563, %mul3A_613 : i32
      %add3A_615 = arith.constant 5 : i32
      %add3A_616 = arith.addi %mul3A_614, %add3A_615 : i32
      %mul3A_617 = arith.constant 16 : i32
      %mul3A_618 = arith.muli %add3A_616, %mul3A_617 : i32
      %add3A_619 = arith.constant 0 : i32
      %add3A_620 = arith.addi %add3A_619, %mul3A_618 : i32
      %get3A_621 = arith.index_cast %add3A_620 : i32 to index
      %get3A_622 = tpu.vector_load %arg6[%get3A_621] {strides = array<i32>} : memref<16384xi32, #tpu.memory_space<vmem>>, vector<16xi32>,
      %mul3A_623 = arith.constant 8 : i32
      %mul3A_624 = arith.muli %scan3A_563, %mul3A_623 : i32
      %add3A_625 = arith.constant 6 : i32
      %add3A_626 = arith.addi %mul3A_624, %add3A_625 : i32
      %mul3A_627 = arith.constant 16 : i32
      %mul3A_628 = arith.muli %add3A_626, %mul3A_627 : i32
      %add3A_629 = arith.constant 0 : i32
      %add3A_630 = arith.addi %add3A_629, %mul3A_628 : i32
      %get3A_631 = arith.index_cast %add3A_630 : i32 to index
      %get3A_632 = tpu.vector_load %arg6[%get3A_631] {strides = array<i32>} : memref<16384xi32, #tpu.memory_space<vmem>>, vector<16xi32>,
      %mul3A_633 = arith.constant 8 : i32
      %mul3A_634 = arith.muli %scan3A_563, %mul3A_633 : i32
      %add3A_635 = arith.constant 7 : i32
      %add3A_636 = arith.addi %mul3A_634, %add3A_635 : i32
      %mul3A_637 = arith.constant 16 : i32
      %mul3A_638 = arith.muli %add3A_636, %mul3A_637 : i32
      %add3A_639 = arith.constant 0 : i32
      %add3A_640 = arith.addi %add3A_639, %mul3A_638 : i32
      %get3A_641 = arith.index_cast %add3A_640 : i32 to index
      %get3A_642 = tpu.vector_load %arg6[%get3A_641] {strides = array<i32>} : memref<16384xi32, #tpu.memory_space<vmem>>, vector<16xi32>,
      %gather3A = tpu.vector_load_idx %arg7[%broadcast_in_dim3A_1, %get3A_572] : memref<1x100096xf32, #tpu.memory_space<vmem>>[vector<16xi32>, vector<16xi32>], vector<16xf32>,
      %gather3A_643 = tpu.vector_load_idx %arg7[%broadcast_in_dim3A_1, %get3A_582] : memref<1x100096xf32, #tpu.memory_space<vmem>>[vector<16xi32>, vector<16xi32>], vector<16xf32>,
      %gather3A_644 = tpu.vector_load_idx %arg7[%broadcast_in_dim3A_1, %get3A_592] : memref<1x100096xf32, #tpu.memory_space<vmem>>[vector<16xi32>, vector<16xi32>], vector<16xf32>,
      %gather3A_645 = tpu.vector_load_idx %arg7[%broadcast_in_dim3A_1, %get3A_602] : memref<1x100096xf32, #tpu.memory_space<vmem>>[vector<16xi32>, vector<16xi32>], vector<16xf32>,
      %gather3A_646 = tpu.vector_load_idx %arg7[%broadcast_in_dim3A_1, %get3A_612] : memref<1x100096xf32, #tpu.memory_space<vmem>>[vector<16xi32>, vector<16xi32>], vector<16xf32>,
      %gather3A_647 = tpu.vector_load_idx %arg7[%broadcast_in_dim3A_1, %get3A_622] : memref<1x100096xf32, #tpu.memory_space<vmem>>[vector<16xi32>, vector<16xi32>], vector<16xf32>,
      %gather3A_648 = tpu.vector_load_idx %arg7[%broadcast_in_dim3A_1, %get3A_632] : memref<1x100096xf32, #tpu.memory_space<vmem>>[vector<16xi32>, vector<16xi32>], vector<16xf32>,
      %gather3A_649 = tpu.vector_load_idx %arg7[%broadcast_in_dim3A_1, %get3A_642] : memref<1x100096xf32, #tpu.memory_space<vmem>>[vector<16xi32>, vector<16xi32>], vector<16xf32>,
      %mul3A_650 = arith.constant 8 : i32
      %mul3A_651 = arith.muli %scan3A_563, %mul3A_650 : i32
      %add3A_652 = arith.constant 0 : i32
      %add3A_653 = arith.addi %mul3A_651, %add3A_652 : i32
      %mul3A_654 = arith.constant 16 : i32
      %mul3A_655 = arith.muli %add3A_653, %mul3A_654 : i32
      %swap3A = arith.constant 0 : i32
      %swap3A_656 = arith.index_cast %swap3A : i32 to index
      %swap3A_657 = arith.index_cast %mul3A_655 : i32 to index
      %swap3A_658 = tpu.vector_load %arg8[%swap3A_656, %swap3A_657] {strides = array<i32>} : memref<2x4096xf32, #tpu.memory_space<vmem>>, vector<16xf32>,
      tpu.vector_store %arg8[%swap3A_656, %swap3A_657], %gather3A {strides = array<i32>} : memref<2x4096xf32, #tpu.memory_space<vmem>>, vector<16xf32>,
      %mul3A_659 = arith.constant 8 : i32
      %mul3A_660 = arith.muli %scan3A_563, %mul3A_659 : i32
      %add3A_661 = arith.constant 1 : i32
      %add3A_662 = arith.addi %mul3A_660, %add3A_661 : i32
      %mul3A_663 = arith.constant 16 : i32
      %mul3A_664 = arith.muli %add3A_662, %mul3A_663 : i32
      %swap3A_665 = arith.constant 0 : i32
      %swap3A_666 = arith.index_cast %swap3A_665 : i32 to index
      %swap3A_667 = arith.index_cast %mul3A_664 : i32 to index
      %swap3A_668 = tpu.vector_load %arg8[%swap3A_666, %swap3A_667] {strides = array<i32>} : memref<2x4096xf32, #tpu.memory_space<vmem>>, vector<16xf32>,
      tpu.vector_store %arg8[%swap3A_666, %swap3A_667], %gather3A_643 {strides = array<i32>} : memref<2x4096xf32, #tpu.memory_space<vmem>>, vector<16xf32>,
      %mul3A_669 = arith.constant 8 : i32
      %mul3A_670 = arith.muli %scan3A_563, %mul3A_669 : i32
      %add3A_671 = arith.constant 2 : i32
      %add3A_672 = arith.addi %mul3A_670, %add3A_671 : i32
      %mul3A_673 = arith.constant 16 : i32
      %mul3A_674 = arith.muli %add3A_672, %mul3A_673 : i32
      %swap3A_675 = arith.constant 0 : i32
      %swap3A_676 = arith.index_cast %swap3A_675 : i32 to index
      %swap3A_677 = arith.index_cast %mul3A_674 : i32 to index
      %swap3A_678 = tpu.vector_load %arg8[%swap3A_676, %swap3A_677] {strides = array<i32>} : memref<2x4096xf32, #tpu.memory_space<vmem>>, vector<16xf32>,
      tpu.vector_store %arg8[%swap3A_676, %swap3A_677], %gather3A_644 {strides = array<i32>} : memref<2x4096xf32, #tpu.memory_space<vmem>>, vector<16xf32>,
      %mul3A_679 = arith.constant 8 : i32
      %mul3A_680 = arith.muli %scan3A_563, %mul3A_679 : i32
      %add3A_681 = arith.constant 3 : i32
      %add3A_682 = arith.addi %mul3A_680, %add3A_681 : i32
      %mul3A_683 = arith.constant 16 : i32
      %mul3A_684 = arith.muli %add3A_682, %mul3A_683 : i32
      %swap3A_685 = arith.constant 0 : i32
      %swap3A_686 = arith.index_cast %swap3A_685 : i32 to index
      %swap3A_687 = arith.index_cast %mul3A_684 : i32 to index
      %swap3A_688 = tpu.vector_load %arg8[%swap3A_686, %swap3A_687] {strides = array<i32>} : memref<2x4096xf32, #tpu.memory_space<vmem>>, vector<16xf32>,
      tpu.vector_store %arg8[%swap3A_686, %swap3A_687], %gather3A_645 {strides = array<i32>} : memref<2x4096xf32, #tpu.memory_space<vmem>>, vector<16xf32>,
      %mul3A_689 = arith.constant 8 : i32
      %mul3A_690 = arith.muli %scan3A_563, %mul3A_689 : i32
      %add3A_691 = arith.constant 4 : i32
      %add3A_692 = arith.addi %mul3A_690, %add3A_691 : i32
      %mul3A_693 = arith.constant 16 : i32
      %mul3A_694 = arith.muli %add3A_692, %mul3A_693 : i32
      %swap3A_695 = arith.constant 0 : i32
      %swap3A_696 = arith.index_cast %swap3A_695 : i32 to index
      %swap3A_697 = arith.index_cast %mul3A_694 : i32 to index
      %swap3A_698 = tpu.vector_load %arg8[%swap3A_696, %swap3A_697] {strides = array<i32>} : memref<2x4096xf32, #tpu.memory_space<vmem>>, vector<16xf32>,
      tpu.vector_store %arg8[%swap3A_696, %swap3A_697], %gather3A_646 {strides = array<i32>} : memref<2x4096xf32, #tpu.memory_space<vmem>>, vector<16xf32>,
      %mul3A_699 = arith.constant 8 : i32
      %mul3A_700 = arith.muli %scan3A_563, %mul3A_699 : i32
      %add3A_701 = arith.constant 5 : i32
      %add3A_702 = arith.addi %mul3A_700, %add3A_701 : i32
      %mul3A_703 = arith.constant 16 : i32
      %mul3A_704 = arith.muli %add3A_702, %mul3A_703 : i32
      %swap3A_705 = arith.constant 0 : i32
      %swap3A_706 = arith.index_cast %swap3A_705 : i32 to index
      %swap3A_707 = arith.index_cast %mul3A_704 : i32 to index
      %swap3A_708 = tpu.vector_load %arg8[%swap3A_706, %swap3A_707] {strides = array<i32>} : memref<2x4096xf32, #tpu.memory_space<vmem>>, vector<16xf32>,
      tpu.vector_store %arg8[%swap3A_706, %swap3A_707], %gather3A_647 {strides = array<i32>} : memref<2x4096xf32, #tpu.memory_space<vmem>>, vector<16xf32>,
      %mul3A_709 = arith.constant 8 : i32
      %mul3A_710 = arith.muli %scan3A_563, %mul3A_709 : i32
      %add3A_711 = arith.constant 6 : i32
      %add3A_712 = arith.addi %mul3A_710, %add3A_711 : i32
      %mul3A_713 = arith.constant 16 : i32
      %mul3A_714 = arith.muli %add3A_712, %mul3A_713 : i32
      %swap3A_715 = arith.constant 0 : i32
      %swap3A_716 = arith.index_cast %swap3A_715 : i32 to index
      %swap3A_717 = arith.index_cast %mul3A_714 : i32 to index
      %swap3A_718 = tpu.vector_load %arg8[%swap3A_716, %swap3A_717] {strides = array<i32>} : memref<2x4096xf32, #tpu.memory_space<vmem>>, vector<16xf32>,
      tpu.vector_store %arg8[%swap3A_716, %swap3A_717], %gather3A_648 {strides = array<i32>} : memref<2x4096xf32, #tpu.memory_space<vmem>>, vector<16xf32>,
      %mul3A_719 = arith.constant 8 : i32
      %mul3A_720 = arith.muli %scan3A_563, %mul3A_719 : i32
      %add3A_721 = arith.constant 7 : i32
      %add3A_722 = arith.addi %mul3A_720, %add3A_721 : i32
      %mul3A_723 = arith.constant 16 : i32
      %mul3A_724 = arith.muli %add3A_722, %mul3A_723 : i32
      %swap3A_725 = arith.constant 0 : i32
      %swap3A_726 = arith.index_cast %swap3A_725 : i32 to index
      %swap3A_727 = arith.index_cast %mul3A_724 : i32 to index
      %swap3A_728 = tpu.vector_load %arg8[%swap3A_726, %swap3A_727] {strides = array<i32>} : memref<2x4096xf32, #tpu.memory_space<vmem>>, vector<16xf32>,
      tpu.vector_store %arg8[%swap3A_726, %swap3A_727], %gather3A_649 {strides = array<i32>} : memref<2x4096xf32, #tpu.memory_space<vmem>>, vector<16xf32>,
    }
    %scan3A_440 = arith.constant 32 : i32
    %dma_start3A_441 = arith.constant 0 : i32
    %dma_start3A_442 = arith.constant 0 : i32
    %dma_start3A_443 = tpu.memref_slice %arg8[%dma_start3A_441, %dma_start3A_442] : memref<2x4096xf32, #tpu.memory_space<vmem>> -> memref<1x4096xf32, #tpu.memory_space<vmem>>
    %dma_start3A_444 = tpu.memref_squeeze %dma_start3A_443 : memref<1x4096xf32, #tpu.memory_space<vmem>> -> memref<4096xf32, #tpu.memory_space<vmem>>
    %dma_start3A_445 = arith.constant 0 : i32
    %dma_start3A_446 = tpu.memref_slice %arg5[%add3A_428, %dma_start3A_445] : memref<96x16384xf32, #tpu.memory_space<hbm>> -> memref<1x4096xf32, #tpu.memory_space<hbm>>
    %dma_start3A_447 = tpu.memref_squeeze %dma_start3A_446 : memref<1x4096xf32, #tpu.memory_space<hbm>> -> memref<4096xf32, #tpu.memory_space<hbm>>
    %dma_start3A_448 = arith.constant 0 : i32
    %dma_start3A_449 = tpu.memref_slice %arg5[%add3A_428, %dma_start3A_448] : memref<96x16384xf32, #tpu.memory_space<hbm>> -> memref<1x4096xf32, #tpu.memory_space<hbm>>
    %dma_start3A_450 = tpu.memref_squeeze %dma_start3A_449 : memref<1x4096xf32, #tpu.memory_space<hbm>> -> memref<4096xf32, #tpu.memory_space<hbm>>
    %dma_start3A_451 = arith.constant 0 : i32
    %dma_start3A_452 = tpu.memref_slice %arg8[%dma_start3A_441, %dma_start3A_451] : memref<2x4096xf32, #tpu.memory_space<vmem>> -> memref<1x4096xf32, #tpu.memory_space<vmem>>
    %dma_start3A_453 = tpu.memref_squeeze %dma_start3A_452 : memref<1x4096xf32, #tpu.memory_space<vmem>> -> memref<4096xf32, #tpu.memory_space<vmem>>
    tpu.enqueue_dma source(%dma_start3A_453 : memref<4096xf32, #tpu.memory_space<vmem>>) target(%dma_start3A_450 : memref<4096xf32, #tpu.memory_space<hbm>>) target_semaphore(%arg11 : memref<!tpu.dma_semaphore, #tpu.memory_space<semaphore_mem>>)
    %scan3A_454 = arith.constant 0 : i32
    %scan3A_455 = arith.constant 0 : i32
    %scan3A_456 = arith.constant 32 : i32
    %scan3A_457 = arith.addi %scan3A_455, %scan3A_456 : i32
    %scan3A_458 = arith.constant 1 : i32
    scf.for %scan3A_563 = %scan3A_455 to %scan3A_457 step %scan3A_458  : i32 {
      %mul3A_564 = arith.constant 8 : i32
      %mul3A_565 = arith.muli %scan3A_563, %mul3A_564 : i32
      %add3A_566 = arith.constant 0 : i32
      %add3A_567 = arith.addi %mul3A_565, %add3A_566 : i32
      %mul3A_568 = arith.constant 16 : i32
      %mul3A_569 = arith.muli %add3A_567, %mul3A_568 : i32
      %add3A_570 = arith.constant 4096 : i32
      %add3A_571 = arith.addi %add3A_570, %mul3A_569 : i32
      %get3A = arith.index_cast %add3A_571 : i32 to index
      %get3A_572 = tpu.vector_load %arg6[%get3A] {strides = array<i32>} : memref<16384xi32, #tpu.memory_space<vmem>>, vector<16xi32>,
      %mul3A_573 = arith.constant 8 : i32
      %mul3A_574 = arith.muli %scan3A_563, %mul3A_573 : i32
      %add3A_575 = arith.constant 1 : i32
      %add3A_576 = arith.addi %mul3A_574, %add3A_575 : i32
      %mul3A_577 = arith.constant 16 : i32
      %mul3A_578 = arith.muli %add3A_576, %mul3A_577 : i32
      %add3A_579 = arith.constant 4096 : i32
      %add3A_580 = arith.addi %add3A_579, %mul3A_578 : i32
      %get3A_581 = arith.index_cast %add3A_580 : i32 to index
      %get3A_582 = tpu.vector_load %arg6[%get3A_581] {strides = array<i32>} : memref<16384xi32, #tpu.memory_space<vmem>>, vector<16xi32>,
      %mul3A_583 = arith.constant 8 : i32
      %mul3A_584 = arith.muli %scan3A_563, %mul3A_583 : i32
      %add3A_585 = arith.constant 2 : i32
      %add3A_586 = arith.addi %mul3A_584, %add3A_585 : i32
      %mul3A_587 = arith.constant 16 : i32
      %mul3A_588 = arith.muli %add3A_586, %mul3A_587 : i32
      %add3A_589 = arith.constant 4096 : i32
      %add3A_590 = arith.addi %add3A_589, %mul3A_588 : i32
      %get3A_591 = arith.index_cast %add3A_590 : i32 to index
      %get3A_592 = tpu.vector_load %arg6[%get3A_591] {strides = array<i32>} : memref<16384xi32, #tpu.memory_space<vmem>>, vector<16xi32>,
      %mul3A_593 = arith.constant 8 : i32
      %mul3A_594 = arith.muli %scan3A_563, %mul3A_593 : i32
      %add3A_595 = arith.constant 3 : i32
      %add3A_596 = arith.addi %mul3A_594, %add3A_595 : i32
      %mul3A_597 = arith.constant 16 : i32
      %mul3A_598 = arith.muli %add3A_596, %mul3A_597 : i32
      %add3A_599 = arith.constant 4096 : i32
      %add3A_600 = arith.addi %add3A_599, %mul3A_598 : i32
      %get3A_601 = arith.index_cast %add3A_600 : i32 to index
      %get3A_602 = tpu.vector_load %arg6[%get3A_601] {strides = array<i32>} : memref<16384xi32, #tpu.memory_space<vmem>>, vector<16xi32>,
      %mul3A_603 = arith.constant 8 : i32
      %mul3A_604 = arith.muli %scan3A_563, %mul3A_603 : i32
      %add3A_605 = arith.constant 4 : i32
      %add3A_606 = arith.addi %mul3A_604, %add3A_605 : i32
      %mul3A_607 = arith.constant 16 : i32
      %mul3A_608 = arith.muli %add3A_606, %mul3A_607 : i32
      %add3A_609 = arith.constant 4096 : i32
      %add3A_610 = arith.addi %add3A_609, %mul3A_608 : i32
      %get3A_611 = arith.index_cast %add3A_610 : i32 to index
      %get3A_612 = tpu.vector_load %arg6[%get3A_611] {strides = array<i32>} : memref<16384xi32, #tpu.memory_space<vmem>>, vector<16xi32>,
      %mul3A_613 = arith.constant 8 : i32
      %mul3A_614 = arith.muli %scan3A_563, %mul3A_613 : i32
      %add3A_615 = arith.constant 5 : i32
      %add3A_616 = arith.addi %mul3A_614, %add3A_615 : i32
      %mul3A_617 = arith.constant 16 : i32
      %mul3A_618 = arith.muli %add3A_616, %mul3A_617 : i32
      %add3A_619 = arith.constant 4096 : i32
      %add3A_620 = arith.addi %add3A_619, %mul3A_618 : i32
      %get3A_621 = arith.index_cast %add3A_620 : i32 to index
      %get3A_622 = tpu.vector_load %arg6[%get3A_621] {strides = array<i32>} : memref<16384xi32, #tpu.memory_space<vmem>>, vector<16xi32>,
      %mul3A_623 = arith.constant 8 : i32
      %mul3A_624 = arith.muli %scan3A_563, %mul3A_623 : i32
      %add3A_625 = arith.constant 6 : i32
      %add3A_626 = arith.addi %mul3A_624, %add3A_625 : i32
      %mul3A_627 = arith.constant 16 : i32
      %mul3A_628 = arith.muli %add3A_626, %mul3A_627 : i32
      %add3A_629 = arith.constant 4096 : i32
      %add3A_630 = arith.addi %add3A_629, %mul3A_628 : i32
      %get3A_631 = arith.index_cast %add3A_630 : i32 to index
      %get3A_632 = tpu.vector_load %arg6[%get3A_631] {strides = array<i32>} : memref<16384xi32, #tpu.memory_space<vmem>>, vector<16xi32>,
      %mul3A_633 = arith.constant 8 : i32
      %mul3A_634 = arith.muli %scan3A_563, %mul3A_633 : i32
      %add3A_635 = arith.constant 7 : i32
      %add3A_636 = arith.addi %mul3A_634, %add3A_635 : i32
      %mul3A_637 = arith.constant 16 : i32
      %mul3A_638 = arith.muli %add3A_636, %mul3A_637 : i32
      %add3A_639 = arith.constant 4096 : i32
      %add3A_640 = arith.addi %add3A_639, %mul3A_638 : i32
      %get3A_641 = arith.index_cast %add3A_640 : i32 to index
      %get3A_642 = tpu.vector_load %arg6[%get3A_641] {strides = array<i32>} : memref<16384xi32, #tpu.memory_space<vmem>>, vector<16xi32>,
      %gather3A = tpu.vector_load_idx %arg7[%broadcast_in_dim3A_1, %get3A_572] : memref<1x100096xf32, #tpu.memory_space<vmem>>[vector<16xi32>, vector<16xi32>], vector<16xf32>,
      %gather3A_643 = tpu.vector_load_idx %arg7[%broadcast_in_dim3A_1, %get3A_582] : memref<1x100096xf32, #tpu.memory_space<vmem>>[vector<16xi32>, vector<16xi32>], vector<16xf32>,
      %gather3A_644 = tpu.vector_load_idx %arg7[%broadcast_in_dim3A_1, %get3A_592] : memref<1x100096xf32, #tpu.memory_space<vmem>>[vector<16xi32>, vector<16xi32>], vector<16xf32>,
      %gather3A_645 = tpu.vector_load_idx %arg7[%broadcast_in_dim3A_1, %get3A_602] : memref<1x100096xf32, #tpu.memory_space<vmem>>[vector<16xi32>, vector<16xi32>], vector<16xf32>,
      %gather3A_646 = tpu.vector_load_idx %arg7[%broadcast_in_dim3A_1, %get3A_612] : memref<1x100096xf32, #tpu.memory_space<vmem>>[vector<16xi32>, vector<16xi32>], vector<16xf32>,
      %gather3A_647 = tpu.vector_load_idx %arg7[%broadcast_in_dim3A_1, %get3A_622] : memref<1x100096xf32, #tpu.memory_space<vmem>>[vector<16xi32>, vector<16xi32>], vector<16xf32>,
      %gather3A_648 = tpu.vector_load_idx %arg7[%broadcast_in_dim3A_1, %get3A_632] : memref<1x100096xf32, #tpu.memory_space<vmem>>[vector<16xi32>, vector<16xi32>], vector<16xf32>,
      %gather3A_649 = tpu.vector_load_idx %arg7[%broadcast_in_dim3A_1, %get3A_642] : memref<1x100096xf32, #tpu.memory_space<vmem>>[vector<16xi32>, vector<16xi32>], vector<16xf32>,
      %mul3A_650 = arith.constant 8 : i32
      %mul3A_651 = arith.muli %scan3A_563, %mul3A_650 : i32
      %add3A_652 = arith.constant 0 : i32
      %add3A_653 = arith.addi %mul3A_651, %add3A_652 : i32
      %mul3A_654 = arith.constant 16 : i32
      %mul3A_655 = arith.muli %add3A_653, %mul3A_654 : i32
      %swap3A = arith.constant 1 : i32
      %swap3A_656 = arith.index_cast %swap3A : i32 to index
      %swap3A_657 = arith.index_cast %mul3A_655 : i32 to index
      %swap3A_658 = tpu.vector_load %arg8[%swap3A_656, %swap3A_657] {strides = array<i32>} : memref<2x4096xf32, #tpu.memory_space<vmem>>, vector<16xf32>,
      tpu.vector_store %arg8[%swap3A_656, %swap3A_657], %gather3A {strides = array<i32>} : memref<2x4096xf32, #tpu.memory_space<vmem>>, vector<16xf32>,
      %mul3A_659 = arith.constant 8 : i32
      %mul3A_660 = arith.muli %scan3A_563, %mul3A_659 : i32
      %add3A_661 = arith.constant 1 : i32
      %add3A_662 = arith.addi %mul3A_660, %add3A_661 : i32
      %mul3A_663 = arith.constant 16 : i32
      %mul3A_664 = arith.muli %add3A_662, %mul3A_663 : i32
      %swap3A_665 = arith.constant 1 : i32
      %swap3A_666 = arith.index_cast %swap3A_665 : i32 to index
      %swap3A_667 = arith.index_cast %mul3A_664 : i32 to index
      %swap3A_668 = tpu.vector_load %arg8[%swap3A_666, %swap3A_667] {strides = array<i32>} : memref<2x4096xf32, #tpu.memory_space<vmem>>, vector<16xf32>,
      tpu.vector_store %arg8[%swap3A_666, %swap3A_667], %gather3A_643 {strides = array<i32>} : memref<2x4096xf32, #tpu.memory_space<vmem>>, vector<16xf32>,
      %mul3A_669 = arith.constant 8 : i32
      %mul3A_670 = arith.muli %scan3A_563, %mul3A_669 : i32
      %add3A_671 = arith.constant 2 : i32
      %add3A_672 = arith.addi %mul3A_670, %add3A_671 : i32
      %mul3A_673 = arith.constant 16 : i32
      %mul3A_674 = arith.muli %add3A_672, %mul3A_673 : i32
      %swap3A_675 = arith.constant 1 : i32
      %swap3A_676 = arith.index_cast %swap3A_675 : i32 to index
      %swap3A_677 = arith.index_cast %mul3A_674 : i32 to index
      %swap3A_678 = tpu.vector_load %arg8[%swap3A_676, %swap3A_677] {strides = array<i32>} : memref<2x4096xf32, #tpu.memory_space<vmem>>, vector<16xf32>,
      tpu.vector_store %arg8[%swap3A_676, %swap3A_677], %gather3A_644 {strides = array<i32>} : memref<2x4096xf32, #tpu.memory_space<vmem>>, vector<16xf32>,
      %mul3A_679 = arith.constant 8 : i32
      %mul3A_680 = arith.muli %scan3A_563, %mul3A_679 : i32
      %add3A_681 = arith.constant 3 : i32
      %add3A_682 = arith.addi %mul3A_680, %add3A_681 : i32
      %mul3A_683 = arith.constant 16 : i32
      %mul3A_684 = arith.muli %add3A_682, %mul3A_683 : i32
      %swap3A_685 = arith.constant 1 : i32
      %swap3A_686 = arith.index_cast %swap3A_685 : i32 to index
      %swap3A_687 = arith.index_cast %mul3A_684 : i32 to index
      %swap3A_688 = tpu.vector_load %arg8[%swap3A_686, %swap3A_687] {strides = array<i32>} : memref<2x4096xf32, #tpu.memory_space<vmem>>, vector<16xf32>,
      tpu.vector_store %arg8[%swap3A_686, %swap3A_687], %gather3A_645 {strides = array<i32>} : memref<2x4096xf32, #tpu.memory_space<vmem>>, vector<16xf32>,
      %mul3A_689 = arith.constant 8 : i32
      %mul3A_690 = arith.muli %scan3A_563, %mul3A_689 : i32
      %add3A_691 = arith.constant 4 : i32
      %add3A_692 = arith.addi %mul3A_690, %add3A_691 : i32
      %mul3A_693 = arith.constant 16 : i32
      %mul3A_694 = arith.muli %add3A_692, %mul3A_693 : i32
      %swap3A_695 = arith.constant 1 : i32
      %swap3A_696 = arith.index_cast %swap3A_695 : i32 to index
      %swap3A_697 = arith.index_cast %mul3A_694 : i32 to index
      %swap3A_698 = tpu.vector_load %arg8[%swap3A_696, %swap3A_697] {strides = array<i32>} : memref<2x4096xf32, #tpu.memory_space<vmem>>, vector<16xf32>,
      tpu.vector_store %arg8[%swap3A_696, %swap3A_697], %gather3A_646 {strides = array<i32>} : memref<2x4096xf32, #tpu.memory_space<vmem>>, vector<16xf32>,
      %mul3A_699 = arith.constant 8 : i32
      %mul3A_700 = arith.muli %scan3A_563, %mul3A_699 : i32
      %add3A_701 = arith.constant 5 : i32
      %add3A_702 = arith.addi %mul3A_700, %add3A_701 : i32
      %mul3A_703 = arith.constant 16 : i32
      %mul3A_704 = arith.muli %add3A_702, %mul3A_703 : i32
      %swap3A_705 = arith.constant 1 : i32
      %swap3A_706 = arith.index_cast %swap3A_705 : i32 to index
      %swap3A_707 = arith.index_cast %mul3A_704 : i32 to index
      %swap3A_708 = tpu.vector_load %arg8[%swap3A_706, %swap3A_707] {strides = array<i32>} : memref<2x4096xf32, #tpu.memory_space<vmem>>, vector<16xf32>,
      tpu.vector_store %arg8[%swap3A_706, %swap3A_707], %gather3A_647 {strides = array<i32>} : memref<2x4096xf32, #tpu.memory_space<vmem>>, vector<16xf32>,
      %mul3A_709 = arith.constant 8 : i32
      %mul3A_710 = arith.muli %scan3A_563, %mul3A_709 : i32
      %add3A_711 = arith.constant 6 : i32
      %add3A_712 = arith.addi %mul3A_710, %add3A_711 : i32
      %mul3A_713 = arith.constant 16 : i32
      %mul3A_714 = arith.muli %add3A_712, %mul3A_713 : i32
      %swap3A_715 = arith.constant 1 : i32
      %swap3A_716 = arith.index_cast %swap3A_715 : i32 to index
      %swap3A_717 = arith.index_cast %mul3A_714 : i32 to index
      %swap3A_718 = tpu.vector_load %arg8[%swap3A_716, %swap3A_717] {strides = array<i32>} : memref<2x4096xf32, #tpu.memory_space<vmem>>, vector<16xf32>,
      tpu.vector_store %arg8[%swap3A_716, %swap3A_717], %gather3A_648 {strides = array<i32>} : memref<2x4096xf32, #tpu.memory_space<vmem>>, vector<16xf32>,
      %mul3A_719 = arith.constant 8 : i32
      %mul3A_720 = arith.muli %scan3A_563, %mul3A_719 : i32
      %add3A_721 = arith.constant 7 : i32
      %add3A_722 = arith.addi %mul3A_720, %add3A_721 : i32
      %mul3A_723 = arith.constant 16 : i32
      %mul3A_724 = arith.muli %add3A_722, %mul3A_723 : i32
      %swap3A_725 = arith.constant 1 : i32
      %swap3A_726 = arith.index_cast %swap3A_725 : i32 to index
      %swap3A_727 = arith.index_cast %mul3A_724 : i32 to index
      %swap3A_728 = tpu.vector_load %arg8[%swap3A_726, %swap3A_727] {strides = array<i32>} : memref<2x4096xf32, #tpu.memory_space<vmem>>, vector<16xf32>,
      tpu.vector_store %arg8[%swap3A_726, %swap3A_727], %gather3A_649 {strides = array<i32>} : memref<2x4096xf32, #tpu.memory_space<vmem>>, vector<16xf32>,
    }
    %scan3A_459 = arith.constant 32 : i32
    %dma_start3A_460 = arith.constant 1 : i32
    %dma_start3A_461 = arith.constant 0 : i32
    %dma_start3A_462 = tpu.memref_slice %arg8[%dma_start3A_460, %dma_start3A_461] : memref<2x4096xf32, #tpu.memory_space<vmem>> -> memref<1x4096xf32, #tpu.memory_space<vmem>>
    %dma_start3A_463 = tpu.memref_squeeze %dma_start3A_462 : memref<1x4096xf32, #tpu.memory_space<vmem>> -> memref<4096xf32, #tpu.memory_space<vmem>>
    %dma_start3A_464 = arith.constant 4096 : i32
    %dma_start3A_465 = tpu.memref_slice %arg5[%add3A_428, %dma_start3A_464] : memref<96x16384xf32, #tpu.memory_space<hbm>> -> memref<1x4096xf32, #tpu.memory_space<hbm>>
    %dma_start3A_466 = tpu.memref_squeeze %dma_start3A_465 : memref<1x4096xf32, #tpu.memory_space<hbm>> -> memref<4096xf32, #tpu.memory_space<hbm>>
    %dma_start3A_467 = arith.constant 4096 : i32
    %dma_start3A_468 = tpu.memref_slice %arg5[%add3A_428, %dma_start3A_467] : memref<96x16384xf32, #tpu.memory_space<hbm>> -> memref<1x4096xf32, #tpu.memory_space<hbm>>
    %dma_start3A_469 = tpu.memref_squeeze %dma_start3A_468 : memref<1x4096xf32, #tpu.memory_space<hbm>> -> memref<4096xf32, #tpu.memory_space<hbm>>
    %dma_start3A_470 = arith.constant 0 : i32
    %dma_start3A_471 = tpu.memref_slice %arg8[%dma_start3A_460, %dma_start3A_470] : memref<2x4096xf32, #tpu.memory_space<vmem>> -> memref<1x4096xf32, #tpu.memory_space<vmem>>
    %dma_start3A_472 = tpu.memref_squeeze %dma_start3A_471 : memref<1x4096xf32, #tpu.memory_space<vmem>> -> memref<4096xf32, #tpu.memory_space<vmem>>
    tpu.enqueue_dma source(%dma_start3A_472 : memref<4096xf32, #tpu.memory_space<vmem>>) target(%dma_start3A_469 : memref<4096xf32, #tpu.memory_space<hbm>>) target_semaphore(%arg11 : memref<!tpu.dma_semaphore, #tpu.memory_space<semaphore_mem>>)
    %dma_wait3A_473 = arith.constant 0 : i32
    %dma_wait3A_474 = arith.constant 0 : i32
    %dma_wait3A_475 = tpu.memref_slice %arg8[%dma_wait3A_473, %dma_wait3A_474] : memref<2x4096xf32, #tpu.memory_space<vmem>> -> memref<1x4096xf32, #tpu.memory_space<vmem>>
    %dma_wait3A_476 = tpu.memref_squeeze %dma_wait3A_475 : memref<1x4096xf32, #tpu.memory_space<vmem>> -> memref<4096xf32, #tpu.memory_space<vmem>>
    %dma_wait3A_477 = arith.constant 0 : i32
    %dma_wait3A_478 = tpu.memref_slice %arg5[%add3A_428, %dma_wait3A_477] : memref<96x16384xf32, #tpu.memory_space<hbm>> -> memref<1x4096xf32, #tpu.memory_space<hbm>>
    %dma_wait3A_479 = tpu.memref_squeeze %dma_wait3A_478 : memref<1x4096xf32, #tpu.memory_space<hbm>> -> memref<4096xf32, #tpu.memory_space<hbm>>
    %dma_wait3A_480 = arith.constant 0 : i32
    %dma_wait3A_481 = tpu.memref_slice %arg5[%add3A_428, %dma_wait3A_480] : memref<96x16384xf32, #tpu.memory_space<hbm>> -> memref<1x4096xf32, #tpu.memory_space<hbm>>
    %dma_wait3A_482 = tpu.memref_squeeze %dma_wait3A_481 : memref<1x4096xf32, #tpu.memory_space<hbm>> -> memref<4096xf32, #tpu.memory_space<hbm>>
    %dma_wait3A_483 = arith.constant 0 : i32
    %dma_wait3A_484 = tpu.memref_slice %arg8[%dma_wait3A_473, %dma_wait3A_483] : memref<2x4096xf32, #tpu.memory_space<vmem>> -> memref<1x4096xf32, #tpu.memory_space<vmem>>
    %dma_wait3A_485 = tpu.memref_squeeze %dma_wait3A_484 : memref<1x4096xf32, #tpu.memory_space<vmem>> -> memref<4096xf32, #tpu.memory_space<vmem>>
    tpu.wait_dma2 semaphore(%arg11 : memref<!tpu.dma_semaphore, #tpu.memory_space<semaphore_mem>>) src(%dma_wait3A_485 : memref<4096xf32, #tpu.memory_space<vmem>>) dst(%dma_wait3A_482 : memref<4096xf32, #tpu.memory_space<hbm>>)
    %scan3A_486 = arith.constant 0 : i32
    %scan3A_487 = arith.constant 0 : i32
    %scan3A_488 = arith.constant 32 : i32
    %scan3A_489 = arith.addi %scan3A_487, %scan3A_488 : i32
    %scan3A_490 = arith.constant 1 : i32
    scf.for %scan3A_563 = %scan3A_487 to %scan3A_489 step %scan3A_490  : i32 {
      %mul3A_564 = arith.constant 8 : i32
      %mul3A_565 = arith.muli %scan3A_563, %mul3A_564 : i32
      %add3A_566 = arith.constant 0 : i32
      %add3A_567 = arith.addi %mul3A_565, %add3A_566 : i32
      %mul3A_568 = arith.constant 16 : i32
      %mul3A_569 = arith.muli %add3A_567, %mul3A_568 : i32
      %add3A_570 = arith.constant 8192 : i32
      %add3A_571 = arith.addi %add3A_570, %mul3A_569 : i32
      %get3A = arith.index_cast %add3A_571 : i32 to index
      %get3A_572 = tpu.vector_load %arg6[%get3A] {strides = array<i32>} : memref<16384xi32, #tpu.memory_space<vmem>>, vector<16xi32>,
      %mul3A_573 = arith.constant 8 : i32
      %mul3A_574 = arith.muli %scan3A_563, %mul3A_573 : i32
      %add3A_575 = arith.constant 1 : i32
      %add3A_576 = arith.addi %mul3A_574, %add3A_575 : i32
      %mul3A_577 = arith.constant 16 : i32
      %mul3A_578 = arith.muli %add3A_576, %mul3A_577 : i32
      %add3A_579 = arith.constant 8192 : i32
      %add3A_580 = arith.addi %add3A_579, %mul3A_578 : i32
      %get3A_581 = arith.index_cast %add3A_580 : i32 to index
      %get3A_582 = tpu.vector_load %arg6[%get3A_581] {strides = array<i32>} : memref<16384xi32, #tpu.memory_space<vmem>>, vector<16xi32>,
      %mul3A_583 = arith.constant 8 : i32
      %mul3A_584 = arith.muli %scan3A_563, %mul3A_583 : i32
      %add3A_585 = arith.constant 2 : i32
      %add3A_586 = arith.addi %mul3A_584, %add3A_585 : i32
      %mul3A_587 = arith.constant 16 : i32
      %mul3A_588 = arith.muli %add3A_586, %mul3A_587 : i32
      %add3A_589 = arith.constant 8192 : i32
      %add3A_590 = arith.addi %add3A_589, %mul3A_588 : i32
      %get3A_591 = arith.index_cast %add3A_590 : i32 to index
      %get3A_592 = tpu.vector_load %arg6[%get3A_591] {strides = array<i32>} : memref<16384xi32, #tpu.memory_space<vmem>>, vector<16xi32>,
      %mul3A_593 = arith.constant 8 : i32
      %mul3A_594 = arith.muli %scan3A_563, %mul3A_593 : i32
      %add3A_595 = arith.constant 3 : i32
      %add3A_596 = arith.addi %mul3A_594, %add3A_595 : i32
      %mul3A_597 = arith.constant 16 : i32
      %mul3A_598 = arith.muli %add3A_596, %mul3A_597 : i32
      %add3A_599 = arith.constant 8192 : i32
      %add3A_600 = arith.addi %add3A_599, %mul3A_598 : i32
      %get3A_601 = arith.index_cast %add3A_600 : i32 to index
      %get3A_602 = tpu.vector_load %arg6[%get3A_601] {strides = array<i32>} : memref<16384xi32, #tpu.memory_space<vmem>>, vector<16xi32>,
      %mul3A_603 = arith.constant 8 : i32
      %mul3A_604 = arith.muli %scan3A_563, %mul3A_603 : i32
      %add3A_605 = arith.constant 4 : i32
      %add3A_606 = arith.addi %mul3A_604, %add3A_605 : i32
      %mul3A_607 = arith.constant 16 : i32
      %mul3A_608 = arith.muli %add3A_606, %mul3A_607 : i32
      %add3A_609 = arith.constant 8192 : i32
      %add3A_610 = arith.addi %add3A_609, %mul3A_608 : i32
      %get3A_611 = arith.index_cast %add3A_610 : i32 to index
      %get3A_612 = tpu.vector_load %arg6[%get3A_611] {strides = array<i32>} : memref<16384xi32, #tpu.memory_space<vmem>>, vector<16xi32>,
      %mul3A_613 = arith.constant 8 : i32
      %mul3A_614 = arith.muli %scan3A_563, %mul3A_613 : i32
      %add3A_615 = arith.constant 5 : i32
      %add3A_616 = arith.addi %mul3A_614, %add3A_615 : i32
      %mul3A_617 = arith.constant 16 : i32
      %mul3A_618 = arith.muli %add3A_616, %mul3A_617 : i32
      %add3A_619 = arith.constant 8192 : i32
      %add3A_620 = arith.addi %add3A_619, %mul3A_618 : i32
      %get3A_621 = arith.index_cast %add3A_620 : i32 to index
      %get3A_622 = tpu.vector_load %arg6[%get3A_621] {strides = array<i32>} : memref<16384xi32, #tpu.memory_space<vmem>>, vector<16xi32>,
      %mul3A_623 = arith.constant 8 : i32
      %mul3A_624 = arith.muli %scan3A_563, %mul3A_623 : i32
      %add3A_625 = arith.constant 6 : i32
      %add3A_626 = arith.addi %mul3A_624, %add3A_625 : i32
      %mul3A_627 = arith.constant 16 : i32
      %mul3A_628 = arith.muli %add3A_626, %mul3A_627 : i32
      %add3A_629 = arith.constant 8192 : i32
      %add3A_630 = arith.addi %add3A_629, %mul3A_628 : i32
      %get3A_631 = arith.index_cast %add3A_630 : i32 to index
      %get3A_632 = tpu.vector_load %arg6[%get3A_631] {strides = array<i32>} : memref<16384xi32, #tpu.memory_space<vmem>>, vector<16xi32>,
      %mul3A_633 = arith.constant 8 : i32
      %mul3A_634 = arith.muli %scan3A_563, %mul3A_633 : i32
      %add3A_635 = arith.constant 7 : i32
      %add3A_636 = arith.addi %mul3A_634, %add3A_635 : i32
      %mul3A_637 = arith.constant 16 : i32
      %mul3A_638 = arith.muli %add3A_636, %mul3A_637 : i32
      %add3A_639 = arith.constant 8192 : i32
      %add3A_640 = arith.addi %add3A_639, %mul3A_638 : i32
      %get3A_641 = arith.index_cast %add3A_640 : i32 to index
      %get3A_642 = tpu.vector_load %arg6[%get3A_641] {strides = array<i32>} : memref<16384xi32, #tpu.memory_space<vmem>>, vector<16xi32>,
      %gather3A = tpu.vector_load_idx %arg7[%broadcast_in_dim3A_1, %get3A_572] : memref<1x100096xf32, #tpu.memory_space<vmem>>[vector<16xi32>, vector<16xi32>], vector<16xf32>,
      %gather3A_643 = tpu.vector_load_idx %arg7[%broadcast_in_dim3A_1, %get3A_582] : memref<1x100096xf32, #tpu.memory_space<vmem>>[vector<16xi32>, vector<16xi32>], vector<16xf32>,
      %gather3A_644 = tpu.vector_load_idx %arg7[%broadcast_in_dim3A_1, %get3A_592] : memref<1x100096xf32, #tpu.memory_space<vmem>>[vector<16xi32>, vector<16xi32>], vector<16xf32>,
      %gather3A_645 = tpu.vector_load_idx %arg7[%broadcast_in_dim3A_1, %get3A_602] : memref<1x100096xf32, #tpu.memory_space<vmem>>[vector<16xi32>, vector<16xi32>], vector<16xf32>,
      %gather3A_646 = tpu.vector_load_idx %arg7[%broadcast_in_dim3A_1, %get3A_612] : memref<1x100096xf32, #tpu.memory_space<vmem>>[vector<16xi32>, vector<16xi32>], vector<16xf32>,
      %gather3A_647 = tpu.vector_load_idx %arg7[%broadcast_in_dim3A_1, %get3A_622] : memref<1x100096xf32, #tpu.memory_space<vmem>>[vector<16xi32>, vector<16xi32>], vector<16xf32>,
      %gather3A_648 = tpu.vector_load_idx %arg7[%broadcast_in_dim3A_1, %get3A_632] : memref<1x100096xf32, #tpu.memory_space<vmem>>[vector<16xi32>, vector<16xi32>], vector<16xf32>,
      %gather3A_649 = tpu.vector_load_idx %arg7[%broadcast_in_dim3A_1, %get3A_642] : memref<1x100096xf32, #tpu.memory_space<vmem>>[vector<16xi32>, vector<16xi32>], vector<16xf32>,
      %mul3A_650 = arith.constant 8 : i32
      %mul3A_651 = arith.muli %scan3A_563, %mul3A_650 : i32
      %add3A_652 = arith.constant 0 : i32
      %add3A_653 = arith.addi %mul3A_651, %add3A_652 : i32
      %mul3A_654 = arith.constant 16 : i32
      %mul3A_655 = arith.muli %add3A_653, %mul3A_654 : i32
      %swap3A = arith.constant 0 : i32
      %swap3A_656 = arith.index_cast %swap3A : i32 to index
      %swap3A_657 = arith.index_cast %mul3A_655 : i32 to index
      %swap3A_658 = tpu.vector_load %arg8[%swap3A_656, %swap3A_657] {strides = array<i32>} : memref<2x4096xf32, #tpu.memory_space<vmem>>, vector<16xf32>,
      tpu.vector_store %arg8[%swap3A_656, %swap3A_657], %gather3A {strides = array<i32>} : memref<2x4096xf32, #tpu.memory_space<vmem>>, vector<16xf32>,
      %mul3A_659 = arith.constant 8 : i32
      %mul3A_660 = arith.muli %scan3A_563, %mul3A_659 : i32
      %add3A_661 = arith.constant 1 : i32
      %add3A_662 = arith.addi %mul3A_660, %add3A_661 : i32
      %mul3A_663 = arith.constant 16 : i32
      %mul3A_664 = arith.muli %add3A_662, %mul3A_663 : i32
      %swap3A_665 = arith.constant 0 : i32
      %swap3A_666 = arith.index_cast %swap3A_665 : i32 to index
      %swap3A_667 = arith.index_cast %mul3A_664 : i32 to index
      %swap3A_668 = tpu.vector_load %arg8[%swap3A_666, %swap3A_667] {strides = array<i32>} : memref<2x4096xf32, #tpu.memory_space<vmem>>, vector<16xf32>,
      tpu.vector_store %arg8[%swap3A_666, %swap3A_667], %gather3A_643 {strides = array<i32>} : memref<2x4096xf32, #tpu.memory_space<vmem>>, vector<16xf32>,
      %mul3A_669 = arith.constant 8 : i32
      %mul3A_670 = arith.muli %scan3A_563, %mul3A_669 : i32
      %add3A_671 = arith.constant 2 : i32
      %add3A_672 = arith.addi %mul3A_670, %add3A_671 : i32
      %mul3A_673 = arith.constant 16 : i32
      %mul3A_674 = arith.muli %add3A_672, %mul3A_673 : i32
      %swap3A_675 = arith.constant 0 : i32
      %swap3A_676 = arith.index_cast %swap3A_675 : i32 to index
      %swap3A_677 = arith.index_cast %mul3A_674 : i32 to index
      %swap3A_678 = tpu.vector_load %arg8[%swap3A_676, %swap3A_677] {strides = array<i32>} : memref<2x4096xf32, #tpu.memory_space<vmem>>, vector<16xf32>,
      tpu.vector_store %arg8[%swap3A_676, %swap3A_677], %gather3A_644 {strides = array<i32>} : memref<2x4096xf32, #tpu.memory_space<vmem>>, vector<16xf32>,
      %mul3A_679 = arith.constant 8 : i32
      %mul3A_680 = arith.muli %scan3A_563, %mul3A_679 : i32
      %add3A_681 = arith.constant 3 : i32
      %add3A_682 = arith.addi %mul3A_680, %add3A_681 : i32
      %mul3A_683 = arith.constant 16 : i32
      %mul3A_684 = arith.muli %add3A_682, %mul3A_683 : i32
      %swap3A_685 = arith.constant 0 : i32
      %swap3A_686 = arith.index_cast %swap3A_685 : i32 to index
      %swap3A_687 = arith.index_cast %mul3A_684 : i32 to index
      %swap3A_688 = tpu.vector_load %arg8[%swap3A_686, %swap3A_687] {strides = array<i32>} : memref<2x4096xf32, #tpu.memory_space<vmem>>, vector<16xf32>,
      tpu.vector_store %arg8[%swap3A_686, %swap3A_687], %gather3A_645 {strides = array<i32>} : memref<2x4096xf32, #tpu.memory_space<vmem>>, vector<16xf32>,
      %mul3A_689 = arith.constant 8 : i32
      %mul3A_690 = arith.muli %scan3A_563, %mul3A_689 : i32
      %add3A_691 = arith.constant 4 : i32
      %add3A_692 = arith.addi %mul3A_690, %add3A_691 : i32
      %mul3A_693 = arith.constant 16 : i32
      %mul3A_694 = arith.muli %add3A_692, %mul3A_693 : i32
      %swap3A_695 = arith.constant 0 : i32
      %swap3A_696 = arith.index_cast %swap3A_695 : i32 to index
      %swap3A_697 = arith.index_cast %mul3A_694 : i32 to index
      %swap3A_698 = tpu.vector_load %arg8[%swap3A_696, %swap3A_697] {strides = array<i32>} : memref<2x4096xf32, #tpu.memory_space<vmem>>, vector<16xf32>,
      tpu.vector_store %arg8[%swap3A_696, %swap3A_697], %gather3A_646 {strides = array<i32>} : memref<2x4096xf32, #tpu.memory_space<vmem>>, vector<16xf32>,
      %mul3A_699 = arith.constant 8 : i32
      %mul3A_700 = arith.muli %scan3A_563, %mul3A_699 : i32
      %add3A_701 = arith.constant 5 : i32
      %add3A_702 = arith.addi %mul3A_700, %add3A_701 : i32
      %mul3A_703 = arith.constant 16 : i32
      %mul3A_704 = arith.muli %add3A_702, %mul3A_703 : i32
      %swap3A_705 = arith.constant 0 : i32
      %swap3A_706 = arith.index_cast %swap3A_705 : i32 to index
      %swap3A_707 = arith.index_cast %mul3A_704 : i32 to index
      %swap3A_708 = tpu.vector_load %arg8[%swap3A_706, %swap3A_707] {strides = array<i32>} : memref<2x4096xf32, #tpu.memory_space<vmem>>, vector<16xf32>,
      tpu.vector_store %arg8[%swap3A_706, %swap3A_707], %gather3A_647 {strides = array<i32>} : memref<2x4096xf32, #tpu.memory_space<vmem>>, vector<16xf32>,
      %mul3A_709 = arith.constant 8 : i32
      %mul3A_710 = arith.muli %scan3A_563, %mul3A_709 : i32
      %add3A_711 = arith.constant 6 : i32
      %add3A_712 = arith.addi %mul3A_710, %add3A_711 : i32
      %mul3A_713 = arith.constant 16 : i32
      %mul3A_714 = arith.muli %add3A_712, %mul3A_713 : i32
      %swap3A_715 = arith.constant 0 : i32
      %swap3A_716 = arith.index_cast %swap3A_715 : i32 to index
      %swap3A_717 = arith.index_cast %mul3A_714 : i32 to index
      %swap3A_718 = tpu.vector_load %arg8[%swap3A_716, %swap3A_717] {strides = array<i32>} : memref<2x4096xf32, #tpu.memory_space<vmem>>, vector<16xf32>,
      tpu.vector_store %arg8[%swap3A_716, %swap3A_717], %gather3A_648 {strides = array<i32>} : memref<2x4096xf32, #tpu.memory_space<vmem>>, vector<16xf32>,
      %mul3A_719 = arith.constant 8 : i32
      %mul3A_720 = arith.muli %scan3A_563, %mul3A_719 : i32
      %add3A_721 = arith.constant 7 : i32
      %add3A_722 = arith.addi %mul3A_720, %add3A_721 : i32
      %mul3A_723 = arith.constant 16 : i32
      %mul3A_724 = arith.muli %add3A_722, %mul3A_723 : i32
      %swap3A_725 = arith.constant 0 : i32
      %swap3A_726 = arith.index_cast %swap3A_725 : i32 to index
      %swap3A_727 = arith.index_cast %mul3A_724 : i32 to index
      %swap3A_728 = tpu.vector_load %arg8[%swap3A_726, %swap3A_727] {strides = array<i32>} : memref<2x4096xf32, #tpu.memory_space<vmem>>, vector<16xf32>,
      tpu.vector_store %arg8[%swap3A_726, %swap3A_727], %gather3A_649 {strides = array<i32>} : memref<2x4096xf32, #tpu.memory_space<vmem>>, vector<16xf32>,
    }
    %scan3A_491 = arith.constant 32 : i32
    %dma_start3A_492 = arith.constant 0 : i32
    %dma_start3A_493 = arith.constant 0 : i32
    %dma_start3A_494 = tpu.memref_slice %arg8[%dma_start3A_492, %dma_start3A_493] : memref<2x4096xf32, #tpu.memory_space<vmem>> -> memref<1x4096xf32, #tpu.memory_space<vmem>>
    %dma_start3A_495 = tpu.memref_squeeze %dma_start3A_494 : memref<1x4096xf32, #tpu.memory_space<vmem>> -> memref<4096xf32, #tpu.memory_space<vmem>>
    %dma_start3A_496 = arith.constant 8192 : i32
    %dma_start3A_497 = tpu.memref_slice %arg5[%add3A_428, %dma_start3A_496] : memref<96x16384xf32, #tpu.memory_space<hbm>> -> memref<1x4096xf32, #tpu.memory_space<hbm>>
    %dma_start3A_498 = tpu.memref_squeeze %dma_start3A_497 : memref<1x4096xf32, #tpu.memory_space<hbm>> -> memref<4096xf32, #tpu.memory_space<hbm>>
    %dma_start3A_499 = arith.constant 8192 : i32
    %dma_start3A_500 = tpu.memref_slice %arg5[%add3A_428, %dma_start3A_499] : memref<96x16384xf32, #tpu.memory_space<hbm>> -> memref<1x4096xf32, #tpu.memory_space<hbm>>
    %dma_start3A_501 = tpu.memref_squeeze %dma_start3A_500 : memref<1x4096xf32, #tpu.memory_space<hbm>> -> memref<4096xf32, #tpu.memory_space<hbm>>
    %dma_start3A_502 = arith.constant 0 : i32
    %dma_start3A_503 = tpu.memref_slice %arg8[%dma_start3A_492, %dma_start3A_502] : memref<2x4096xf32, #tpu.memory_space<vmem>> -> memref<1x4096xf32, #tpu.memory_space<vmem>>
    %dma_start3A_504 = tpu.memref_squeeze %dma_start3A_503 : memref<1x4096xf32, #tpu.memory_space<vmem>> -> memref<4096xf32, #tpu.memory_space<vmem>>
    tpu.enqueue_dma source(%dma_start3A_504 : memref<4096xf32, #tpu.memory_space<vmem>>) target(%dma_start3A_501 : memref<4096xf32, #tpu.memory_space<hbm>>) target_semaphore(%arg11 : memref<!tpu.dma_semaphore, #tpu.memory_space<semaphore_mem>>)
    %dma_wait3A_505 = arith.constant 1 : i32
    %dma_wait3A_506 = arith.constant 0 : i32
    %dma_wait3A_507 = tpu.memref_slice %arg8[%dma_wait3A_505, %dma_wait3A_506] : memref<2x4096xf32, #tpu.memory_space<vmem>> -> memref<1x4096xf32, #tpu.memory_space<vmem>>
    %dma_wait3A_508 = tpu.memref_squeeze %dma_wait3A_507 : memref<1x4096xf32, #tpu.memory_space<vmem>> -> memref<4096xf32, #tpu.memory_space<vmem>>
    %dma_wait3A_509 = arith.constant 0 : i32
    %dma_wait3A_510 = tpu.memref_slice %arg5[%add3A_428, %dma_wait3A_509] : memref<96x16384xf32, #tpu.memory_space<hbm>> -> memref<1x4096xf32, #tpu.memory_space<hbm>>
    %dma_wait3A_511 = tpu.memref_squeeze %dma_wait3A_510 : memref<1x4096xf32, #tpu.memory_space<hbm>> -> memref<4096xf32, #tpu.memory_space<hbm>>
    %dma_wait3A_512 = arith.constant 0 : i32
    %dma_wait3A_513 = tpu.memref_slice %arg5[%add3A_428, %dma_wait3A_512] : memref<96x16384xf32, #tpu.memory_space<hbm>> -> memref<1x4096xf32, #tpu.memory_space<hbm>>
    %dma_wait3A_514 = tpu.memref_squeeze %dma_wait3A_513 : memref<1x4096xf32, #tpu.memory_space<hbm>> -> memref<4096xf32, #tpu.memory_space<hbm>>
    %dma_wait3A_515 = arith.constant 0 : i32
    %dma_wait3A_516 = tpu.memref_slice %arg8[%dma_wait3A_505, %dma_wait3A_515] : memref<2x4096xf32, #tpu.memory_space<vmem>> -> memref<1x4096xf32, #tpu.memory_space<vmem>>
    %dma_wait3A_517 = tpu.memref_squeeze %dma_wait3A_516 : memref<1x4096xf32, #tpu.memory_space<vmem>> -> memref<4096xf32, #tpu.memory_space<vmem>>
    tpu.wait_dma2 semaphore(%arg11 : memref<!tpu.dma_semaphore, #tpu.memory_space<semaphore_mem>>) src(%dma_wait3A_517 : memref<4096xf32, #tpu.memory_space<vmem>>) dst(%dma_wait3A_514 : memref<4096xf32, #tpu.memory_space<hbm>>)
    %scan3A_518 = arith.constant 0 : i32
    %scan3A_519 = arith.constant 0 : i32
    %scan3A_520 = arith.constant 32 : i32
    %scan3A_521 = arith.addi %scan3A_519, %scan3A_520 : i32
    %scan3A_522 = arith.constant 1 : i32
    scf.for %scan3A_563 = %scan3A_519 to %scan3A_521 step %scan3A_522  : i32 {
      %mul3A_564 = arith.constant 8 : i32
      %mul3A_565 = arith.muli %scan3A_563, %mul3A_564 : i32
      %add3A_566 = arith.constant 0 : i32
      %add3A_567 = arith.addi %mul3A_565, %add3A_566 : i32
      %mul3A_568 = arith.constant 16 : i32
      %mul3A_569 = arith.muli %add3A_567, %mul3A_568 : i32
      %add3A_570 = arith.constant 12288 : i32
      %add3A_571 = arith.addi %add3A_570, %mul3A_569 : i32
      %get3A = arith.index_cast %add3A_571 : i32 to index
      %get3A_572 = tpu.vector_load %arg6[%get3A] {strides = array<i32>} : memref<16384xi32, #tpu.memory_space<vmem>>, vector<16xi32>,
      %mul3A_573 = arith.constant 8 : i32
      %mul3A_574 = arith.muli %scan3A_563, %mul3A_573 : i32
      %add3A_575 = arith.constant 1 : i32
      %add3A_576 = arith.addi %mul3A_574, %add3A_575 : i32
      %mul3A_577 = arith.constant 16 : i32
      %mul3A_578 = arith.muli %add3A_576, %mul3A_577 : i32
      %add3A_579 = arith.constant 12288 : i32
      %add3A_580 = arith.addi %add3A_579, %mul3A_578 : i32
      %get3A_581 = arith.index_cast %add3A_580 : i32 to index
      %get3A_582 = tpu.vector_load %arg6[%get3A_581] {strides = array<i32>} : memref<16384xi32, #tpu.memory_space<vmem>>, vector<16xi32>,
      %mul3A_583 = arith.constant 8 : i32
      %mul3A_584 = arith.muli %scan3A_563, %mul3A_583 : i32
      %add3A_585 = arith.constant 2 : i32
      %add3A_586 = arith.addi %mul3A_584, %add3A_585 : i32
      %mul3A_587 = arith.constant 16 : i32
      %mul3A_588 = arith.muli %add3A_586, %mul3A_587 : i32
      %add3A_589 = arith.constant 12288 : i32
      %add3A_590 = arith.addi %add3A_589, %mul3A_588 : i32
      %get3A_591 = arith.index_cast %add3A_590 : i32 to index
      %get3A_592 = tpu.vector_load %arg6[%get3A_591] {strides = array<i32>} : memref<16384xi32, #tpu.memory_space<vmem>>, vector<16xi32>,
      %mul3A_593 = arith.constant 8 : i32
      %mul3A_594 = arith.muli %scan3A_563, %mul3A_593 : i32
      %add3A_595 = arith.constant 3 : i32
      %add3A_596 = arith.addi %mul3A_594, %add3A_595 : i32
      %mul3A_597 = arith.constant 16 : i32
      %mul3A_598 = arith.muli %add3A_596, %mul3A_597 : i32
      %add3A_599 = arith.constant 12288 : i32
      %add3A_600 = arith.addi %add3A_599, %mul3A_598 : i32
      %get3A_601 = arith.index_cast %add3A_600 : i32 to index
      %get3A_602 = tpu.vector_load %arg6[%get3A_601] {strides = array<i32>} : memref<16384xi32, #tpu.memory_space<vmem>>, vector<16xi32>,
      %mul3A_603 = arith.constant 8 : i32
      %mul3A_604 = arith.muli %scan3A_563, %mul3A_603 : i32
      %add3A_605 = arith.constant 4 : i32
      %add3A_606 = arith.addi %mul3A_604, %add3A_605 : i32
      %mul3A_607 = arith.constant 16 : i32
      %mul3A_608 = arith.muli %add3A_606, %mul3A_607 : i32
      %add3A_609 = arith.constant 12288 : i32
      %add3A_610 = arith.addi %add3A_609, %mul3A_608 : i32
      %get3A_611 = arith.index_cast %add3A_610 : i32 to index
      %get3A_612 = tpu.vector_load %arg6[%get3A_611] {strides = array<i32>} : memref<16384xi32, #tpu.memory_space<vmem>>, vector<16xi32>,
      %mul3A_613 = arith.constant 8 : i32
      %mul3A_614 = arith.muli %scan3A_563, %mul3A_613 : i32
      %add3A_615 = arith.constant 5 : i32
      %add3A_616 = arith.addi %mul3A_614, %add3A_615 : i32
      %mul3A_617 = arith.constant 16 : i32
      %mul3A_618 = arith.muli %add3A_616, %mul3A_617 : i32
      %add3A_619 = arith.constant 12288 : i32
      %add3A_620 = arith.addi %add3A_619, %mul3A_618 : i32
      %get3A_621 = arith.index_cast %add3A_620 : i32 to index
      %get3A_622 = tpu.vector_load %arg6[%get3A_621] {strides = array<i32>} : memref<16384xi32, #tpu.memory_space<vmem>>, vector<16xi32>,
      %mul3A_623 = arith.constant 8 : i32
      %mul3A_624 = arith.muli %scan3A_563, %mul3A_623 : i32
      %add3A_625 = arith.constant 6 : i32
      %add3A_626 = arith.addi %mul3A_624, %add3A_625 : i32
      %mul3A_627 = arith.constant 16 : i32
      %mul3A_628 = arith.muli %add3A_626, %mul3A_627 : i32
      %add3A_629 = arith.constant 12288 : i32
      %add3A_630 = arith.addi %add3A_629, %mul3A_628 : i32
      %get3A_631 = arith.index_cast %add3A_630 : i32 to index
      %get3A_632 = tpu.vector_load %arg6[%get3A_631] {strides = array<i32>} : memref<16384xi32, #tpu.memory_space<vmem>>, vector<16xi32>,
      %mul3A_633 = arith.constant 8 : i32
      %mul3A_634 = arith.muli %scan3A_563, %mul3A_633 : i32
      %add3A_635 = arith.constant 7 : i32
      %add3A_636 = arith.addi %mul3A_634, %add3A_635 : i32
      %mul3A_637 = arith.constant 16 : i32
      %mul3A_638 = arith.muli %add3A_636, %mul3A_637 : i32
      %add3A_639 = arith.constant 12288 : i32
      %add3A_640 = arith.addi %add3A_639, %mul3A_638 : i32
      %get3A_641 = arith.index_cast %add3A_640 : i32 to index
      %get3A_642 = tpu.vector_load %arg6[%get3A_641] {strides = array<i32>} : memref<16384xi32, #tpu.memory_space<vmem>>, vector<16xi32>,
      %gather3A = tpu.vector_load_idx %arg7[%broadcast_in_dim3A_1, %get3A_572] : memref<1x100096xf32, #tpu.memory_space<vmem>>[vector<16xi32>, vector<16xi32>], vector<16xf32>,
      %gather3A_643 = tpu.vector_load_idx %arg7[%broadcast_in_dim3A_1, %get3A_582] : memref<1x100096xf32, #tpu.memory_space<vmem>>[vector<16xi32>, vector<16xi32>], vector<16xf32>,
      %gather3A_644 = tpu.vector_load_idx %arg7[%broadcast_in_dim3A_1, %get3A_592] : memref<1x100096xf32, #tpu.memory_space<vmem>>[vector<16xi32>, vector<16xi32>], vector<16xf32>,
      %gather3A_645 = tpu.vector_load_idx %arg7[%broadcast_in_dim3A_1, %get3A_602] : memref<1x100096xf32, #tpu.memory_space<vmem>>[vector<16xi32>, vector<16xi32>], vector<16xf32>,
      %gather3A_646 = tpu.vector_load_idx %arg7[%broadcast_in_dim3A_1, %get3A_612] : memref<1x100096xf32, #tpu.memory_space<vmem>>[vector<16xi32>, vector<16xi32>], vector<16xf32>,
      %gather3A_647 = tpu.vector_load_idx %arg7[%broadcast_in_dim3A_1, %get3A_622] : memref<1x100096xf32, #tpu.memory_space<vmem>>[vector<16xi32>, vector<16xi32>], vector<16xf32>,
      %gather3A_648 = tpu.vector_load_idx %arg7[%broadcast_in_dim3A_1, %get3A_632] : memref<1x100096xf32, #tpu.memory_space<vmem>>[vector<16xi32>, vector<16xi32>], vector<16xf32>,
      %gather3A_649 = tpu.vector_load_idx %arg7[%broadcast_in_dim3A_1, %get3A_642] : memref<1x100096xf32, #tpu.memory_space<vmem>>[vector<16xi32>, vector<16xi32>], vector<16xf32>,
      %mul3A_650 = arith.constant 8 : i32
      %mul3A_651 = arith.muli %scan3A_563, %mul3A_650 : i32
      %add3A_652 = arith.constant 0 : i32
      %add3A_653 = arith.addi %mul3A_651, %add3A_652 : i32
      %mul3A_654 = arith.constant 16 : i32
      %mul3A_655 = arith.muli %add3A_653, %mul3A_654 : i32
      %swap3A = arith.constant 1 : i32
      %swap3A_656 = arith.index_cast %swap3A : i32 to index
      %swap3A_657 = arith.index_cast %mul3A_655 : i32 to index
      %swap3A_658 = tpu.vector_load %arg8[%swap3A_656, %swap3A_657] {strides = array<i32>} : memref<2x4096xf32, #tpu.memory_space<vmem>>, vector<16xf32>,
      tpu.vector_store %arg8[%swap3A_656, %swap3A_657], %gather3A {strides = array<i32>} : memref<2x4096xf32, #tpu.memory_space<vmem>>, vector<16xf32>,
      %mul3A_659 = arith.constant 8 : i32
      %mul3A_660 = arith.muli %scan3A_563, %mul3A_659 : i32
      %add3A_661 = arith.constant 1 : i32
      %add3A_662 = arith.addi %mul3A_660, %add3A_661 : i32
      %mul3A_663 = arith.constant 16 : i32
      %mul3A_664 = arith.muli %add3A_662, %mul3A_663 : i32
      %swap3A_665 = arith.constant 1 : i32
      %swap3A_666 = arith.index_cast %swap3A_665 : i32 to index
      %swap3A_667 = arith.index_cast %mul3A_664 : i32 to index
      %swap3A_668 = tpu.vector_load %arg8[%swap3A_666, %swap3A_667] {strides = array<i32>} : memref<2x4096xf32, #tpu.memory_space<vmem>>, vector<16xf32>,
      tpu.vector_store %arg8[%swap3A_666, %swap3A_667], %gather3A_643 {strides = array<i32>} : memref<2x4096xf32, #tpu.memory_space<vmem>>, vector<16xf32>,
      %mul3A_669 = arith.constant 8 : i32
      %mul3A_670 = arith.muli %scan3A_563, %mul3A_669 : i32
      %add3A_671 = arith.constant 2 : i32
      %add3A_672 = arith.addi %mul3A_670, %add3A_671 : i32
      %mul3A_673 = arith.constant 16 : i32
      %mul3A_674 = arith.muli %add3A_672, %mul3A_673 : i32
      %swap3A_675 = arith.constant 1 : i32
      %swap3A_676 = arith.index_cast %swap3A_675 : i32 to index
      %swap3A_677 = arith.index_cast %mul3A_674 : i32 to index
      %swap3A_678 = tpu.vector_load %arg8[%swap3A_676, %swap3A_677] {strides = array<i32>} : memref<2x4096xf32, #tpu.memory_space<vmem>>, vector<16xf32>,
      tpu.vector_store %arg8[%swap3A_676, %swap3A_677], %gather3A_644 {strides = array<i32>} : memref<2x4096xf32, #tpu.memory_space<vmem>>, vector<16xf32>,
      %mul3A_679 = arith.constant 8 : i32
      %mul3A_680 = arith.muli %scan3A_563, %mul3A_679 : i32
      %add3A_681 = arith.constant 3 : i32
      %add3A_682 = arith.addi %mul3A_680, %add3A_681 : i32
      %mul3A_683 = arith.constant 16 : i32
      %mul3A_684 = arith.muli %add3A_682, %mul3A_683 : i32
      %swap3A_685 = arith.constant 1 : i32
      %swap3A_686 = arith.index_cast %swap3A_685 : i32 to index
      %swap3A_687 = arith.index_cast %mul3A_684 : i32 to index
      %swap3A_688 = tpu.vector_load %arg8[%swap3A_686, %swap3A_687] {strides = array<i32>} : memref<2x4096xf32, #tpu.memory_space<vmem>>, vector<16xf32>,
      tpu.vector_store %arg8[%swap3A_686, %swap3A_687], %gather3A_645 {strides = array<i32>} : memref<2x4096xf32, #tpu.memory_space<vmem>>, vector<16xf32>,
      %mul3A_689 = arith.constant 8 : i32
      %mul3A_690 = arith.muli %scan3A_563, %mul3A_689 : i32
      %add3A_691 = arith.constant 4 : i32
      %add3A_692 = arith.addi %mul3A_690, %add3A_691 : i32
      %mul3A_693 = arith.constant 16 : i32
      %mul3A_694 = arith.muli %add3A_692, %mul3A_693 : i32
      %swap3A_695 = arith.constant 1 : i32
      %swap3A_696 = arith.index_cast %swap3A_695 : i32 to index
      %swap3A_697 = arith.index_cast %mul3A_694 : i32 to index
      %swap3A_698 = tpu.vector_load %arg8[%swap3A_696, %swap3A_697] {strides = array<i32>} : memref<2x4096xf32, #tpu.memory_space<vmem>>, vector<16xf32>,
      tpu.vector_store %arg8[%swap3A_696, %swap3A_697], %gather3A_646 {strides = array<i32>} : memref<2x4096xf32, #tpu.memory_space<vmem>>, vector<16xf32>,
      %mul3A_699 = arith.constant 8 : i32
      %mul3A_700 = arith.muli %scan3A_563, %mul3A_699 : i32
      %add3A_701 = arith.constant 5 : i32
      %add3A_702 = arith.addi %mul3A_700, %add3A_701 : i32
      %mul3A_703 = arith.constant 16 : i32
      %mul3A_704 = arith.muli %add3A_702, %mul3A_703 : i32
      %swap3A_705 = arith.constant 1 : i32
      %swap3A_706 = arith.index_cast %swap3A_705 : i32 to index
      %swap3A_707 = arith.index_cast %mul3A_704 : i32 to index
      %swap3A_708 = tpu.vector_load %arg8[%swap3A_706, %swap3A_707] {strides = array<i32>} : memref<2x4096xf32, #tpu.memory_space<vmem>>, vector<16xf32>,
      tpu.vector_store %arg8[%swap3A_706, %swap3A_707], %gather3A_647 {strides = array<i32>} : memref<2x4096xf32, #tpu.memory_space<vmem>>, vector<16xf32>,
      %mul3A_709 = arith.constant 8 : i32
      %mul3A_710 = arith.muli %scan3A_563, %mul3A_709 : i32
      %add3A_711 = arith.constant 6 : i32
      %add3A_712 = arith.addi %mul3A_710, %add3A_711 : i32
      %mul3A_713 = arith.constant 16 : i32
      %mul3A_714 = arith.muli %add3A_712, %mul3A_713 : i32
      %swap3A_715 = arith.constant 1 : i32
      %swap3A_716 = arith.index_cast %swap3A_715 : i32 to index
      %swap3A_717 = arith.index_cast %mul3A_714 : i32 to index
      %swap3A_718 = tpu.vector_load %arg8[%swap3A_716, %swap3A_717] {strides = array<i32>} : memref<2x4096xf32, #tpu.memory_space<vmem>>, vector<16xf32>,
      tpu.vector_store %arg8[%swap3A_716, %swap3A_717], %gather3A_648 {strides = array<i32>} : memref<2x4096xf32, #tpu.memory_space<vmem>>, vector<16xf32>,
      %mul3A_719 = arith.constant 8 : i32
      %mul3A_720 = arith.muli %scan3A_563, %mul3A_719 : i32
      %add3A_721 = arith.constant 7 : i32
      %add3A_722 = arith.addi %mul3A_720, %add3A_721 : i32
      %mul3A_723 = arith.constant 16 : i32
      %mul3A_724 = arith.muli %add3A_722, %mul3A_723 : i32
      %swap3A_725 = arith.constant 1 : i32
      %swap3A_726 = arith.index_cast %swap3A_725 : i32 to index
      %swap3A_727 = arith.index_cast %mul3A_724 : i32 to index
      %swap3A_728 = tpu.vector_load %arg8[%swap3A_726, %swap3A_727] {strides = array<i32>} : memref<2x4096xf32, #tpu.memory_space<vmem>>, vector<16xf32>,
      tpu.vector_store %arg8[%swap3A_726, %swap3A_727], %gather3A_649 {strides = array<i32>} : memref<2x4096xf32, #tpu.memory_space<vmem>>, vector<16xf32>,
    }
    %scan3A_523 = arith.constant 32 : i32
    %dma_start3A_524 = arith.constant 1 : i32
    %dma_start3A_525 = arith.constant 0 : i32
    %dma_start3A_526 = tpu.memref_slice %arg8[%dma_start3A_524, %dma_start3A_525] : memref<2x4096xf32, #tpu.memory_space<vmem>> -> memref<1x4096xf32, #tpu.memory_space<vmem>>
    %dma_start3A_527 = tpu.memref_squeeze %dma_start3A_526 : memref<1x4096xf32, #tpu.memory_space<vmem>> -> memref<4096xf32, #tpu.memory_space<vmem>>
    %dma_start3A_528 = arith.constant 12288 : i32
    %dma_start3A_529 = tpu.memref_slice %arg5[%add3A_428, %dma_start3A_528] : memref<96x16384xf32, #tpu.memory_space<hbm>> -> memref<1x4096xf32, #tpu.memory_space<hbm>>
    %dma_start3A_530 = tpu.memref_squeeze %dma_start3A_529 : memref<1x4096xf32, #tpu.memory_space<hbm>> -> memref<4096xf32, #tpu.memory_space<hbm>>
    %dma_start3A_531 = arith.constant 12288 : i32
    %dma_start3A_532 = tpu.memref_slice %arg5[%add3A_428, %dma_start3A_531] : memref<96x16384xf32, #tpu.memory_space<hbm>> -> memref<1x4096xf32, #tpu.memory_space<hbm>>
    %dma_start3A_533 = tpu.memref_squeeze %dma_start3A_532 : memref<1x4096xf32, #tpu.memory_space<hbm>> -> memref<4096xf32, #tpu.memory_space<hbm>>
    %dma_start3A_534 = arith.constant 0 : i32
    %dma_start3A_535 = tpu.memref_slice %arg8[%dma_start3A_524, %dma_start3A_534] : memref<2x4096xf32, #tpu.memory_space<vmem>> -> memref<1x4096xf32, #tpu.memory_space<vmem>>
    %dma_start3A_536 = tpu.memref_squeeze %dma_start3A_535 : memref<1x4096xf32, #tpu.memory_space<vmem>> -> memref<4096xf32, #tpu.memory_space<vmem>>
    tpu.enqueue_dma source(%dma_start3A_536 : memref<4096xf32, #tpu.memory_space<vmem>>) target(%dma_start3A_533 : memref<4096xf32, #tpu.memory_space<hbm>>) target_semaphore(%arg11 : memref<!tpu.dma_semaphore, #tpu.memory_space<semaphore_mem>>)
    %dma_wait3A_537 = arith.constant 0 : i32
    %dma_wait3A_538 = arith.constant 0 : i32
    %dma_wait3A_539 = tpu.memref_slice %arg8[%dma_wait3A_537, %dma_wait3A_538] : memref<2x4096xf32, #tpu.memory_space<vmem>> -> memref<1x4096xf32, #tpu.memory_space<vmem>>
    %dma_wait3A_540 = tpu.memref_squeeze %dma_wait3A_539 : memref<1x4096xf32, #tpu.memory_space<vmem>> -> memref<4096xf32, #tpu.memory_space<vmem>>
    %dma_wait3A_541 = arith.constant 0 : i32
    %dma_wait3A_542 = tpu.memref_slice %arg5[%add3A_428, %dma_wait3A_541] : memref<96x16384xf32, #tpu.memory_space<hbm>> -> memref<1x4096xf32, #tpu.memory_space<hbm>>
    %dma_wait3A_543 = tpu.memref_squeeze %dma_wait3A_542 : memref<1x4096xf32, #tpu.memory_space<hbm>> -> memref<4096xf32, #tpu.memory_space<hbm>>
    %dma_wait3A_544 = arith.constant 0 : i32
    %dma_wait3A_545 = tpu.memref_slice %arg5[%add3A_428, %dma_wait3A_544] : memref<96x16384xf32, #tpu.memory_space<hbm>> -> memref<1x4096xf32, #tpu.memory_space<hbm>>
    %dma_wait3A_546 = tpu.memref_squeeze %dma_wait3A_545 : memref<1x4096xf32, #tpu.memory_space<hbm>> -> memref<4096xf32, #tpu.memory_space<hbm>>
    %dma_wait3A_547 = arith.constant 0 : i32
    %dma_wait3A_548 = tpu.memref_slice %arg8[%dma_wait3A_537, %dma_wait3A_547] : memref<2x4096xf32, #tpu.memory_space<vmem>> -> memref<1x4096xf32, #tpu.memory_space<vmem>>
    %dma_wait3A_549 = tpu.memref_squeeze %dma_wait3A_548 : memref<1x4096xf32, #tpu.memory_space<vmem>> -> memref<4096xf32, #tpu.memory_space<vmem>>
    tpu.wait_dma2 semaphore(%arg11 : memref<!tpu.dma_semaphore, #tpu.memory_space<semaphore_mem>>) src(%dma_wait3A_549 : memref<4096xf32, #tpu.memory_space<vmem>>) dst(%dma_wait3A_546 : memref<4096xf32, #tpu.memory_space<hbm>>)
    %dma_wait3A_550 = arith.constant 0 : i32
    %dma_wait3A_551 = arith.constant 0 : i32
    %dma_wait3A_552 = tpu.memref_slice %arg8[%dma_wait3A_550, %dma_wait3A_551] : memref<2x4096xf32, #tpu.memory_space<vmem>> -> memref<1x4096xf32, #tpu.memory_space<vmem>>
    %dma_wait3A_553 = tpu.memref_squeeze %dma_wait3A_552 : memref<1x4096xf32, #tpu.memory_space<vmem>> -> memref<4096xf32, #tpu.memory_space<vmem>>
    %dma_wait3A_554 = arith.constant 0 : i32
    %dma_wait3A_555 = tpu.memref_slice %arg5[%add3A_428, %dma_wait3A_554] : memref<96x16384xf32, #tpu.memory_space<hbm>> -> memref<1x4096xf32, #tpu.memory_space<hbm>>
    %dma_wait3A_556 = tpu.memref_squeeze %dma_wait3A_555 : memref<1x4096xf32, #tpu.memory_space<hbm>> -> memref<4096xf32, #tpu.memory_space<hbm>>
    %dma_wait3A_557 = arith.constant 0 : i32
    %dma_wait3A_558 = tpu.memref_slice %arg5[%add3A_428, %dma_wait3A_557] : memref<96x16384xf32, #tpu.memory_space<hbm>> -> memref<1x4096xf32, #tpu.memory_space<hbm>>
    %dma_wait3A_559 = tpu.memref_squeeze %dma_wait3A_558 : memref<1x4096xf32, #tpu.memory_space<hbm>> -> memref<4096xf32, #tpu.memory_space<hbm>>
    %dma_wait3A_560 = arith.constant 0 : i32
    %dma_wait3A_561 = tpu.memref_slice %arg8[%dma_wait3A_550, %dma_wait3A_560] : memref<2x4096xf32, #tpu.memory_space<vmem>> -> memref<1x4096xf32, #tpu.memory_space<vmem>>
    %dma_wait3A_562 = tpu.memref_squeeze %dma_wait3A_561 : memref<1x4096xf32, #tpu.memory_space<vmem>> -> memref<4096xf32, #tpu.memory_space<vmem>>
    tpu.wait_dma2 semaphore(%arg11 : memref<!tpu.dma_semaphore, #tpu.memory_space<semaphore_mem>>) src(%dma_wait3A_562 : memref<4096xf32, #tpu.memory_space<vmem>>) dst(%dma_wait3A_559 : memref<4096xf32, #tpu.memory_space<hbm>>)
    return
  }
}

</mosaic_0001>

<sc_bundles>
// kernel: kernel.3.cloned.1.call-start
scs
__scs_entry_jumppad:
0x0: {  	(pc) =	sbr.rel $0x88, $3  }
0x1: {  	(tag) =	ssettag $0x0;
	lr =	simm.s32 $0x1  }
0x2: {  	[smem:$0x3F9F] =	sst lr;
	_ =	strace $0xD0000000  }
0x3: {  	_ = 	snop  }
0x4: {  	_ = 	snop  }
0x5: {  	_ = 	snop  }
0x6: {  	_ = 	snop  }
0x7: {  	_ = 	snop  }
__scs_overlays_trampoline_lowered:
0x8: {  	[smem:$0x3FAE] =	sst s0  }
0x9: {  	[smem:$0x3FAF] =	sst s1  }
0xa: {  	[smem:$0x3FB0] =	sst s2  }
0xb: {  	[smem:$0x3FB1] =	sst s3  }
0xc: {  	[smem:$0x3FB2] =	sst s4  }
0xd: {  	[smem:$0x3FB3] =	sst s5  }
0xe: {  	[smem:$0x3FB4] =	sst s6  }
0xf: {  	[smem:$0x3FB5] =	sst s7  }
0x10: {  	[smem:$0x3FB6] =	sst s8  }
0x11: {  	[smem:$0x3FB7] =	sst s9;
	s0 =	simm.s32 @!p0 $0x0  }
0x12: {  	s1 =	sld [smem:$0x3F9D];
	s0 =	simm.s32 @p0 $0x1  }
0x13: {  	[smem:$0x3FB8] =	sst s0;
	s0 =	simm.s32 @!p1 $0x0  }
0x14: {  	s2 =	sld [smem:$0x3F9C];
	s0 =	simm.s32 @p1 $0x1  }
0x15: {  	[smem:$0x3FB9] =	sst s0;
	s0 =	simm.s32 @!p2 $0x0  }
0x16: {  	s3 =	sld [smem:$0x3FDB];
	s0 =	simm.s32 @p2 $0x1  }
0x17: {  	s4 =	simm.s32 $0x1BF5;
	[smem:$0x3FBB] =	sst s0  }
0x18: {  	s0 =	sld [smem:$0x3F9E];
	_ =	swait.ge [sflag:s4], $0x0  }
0x19: {  	s7 =	sld [smem:$0x3F9F]  }
0x1a: {  	s8 =	sadd.s32 $0xFFFFE003, lr  }
0x1b: {  	s9 =	sadd.s32 $0xFFFFFEF7, lr;
	s5 =	simm.s32 $0xFFFFFFFF;
	p2 =	slt.u32 s8, $0xFFFFF086  }
0x1c: {  	p1 =	slt.u32 s9, $0xF7A;
	s5 =	simm.s32 @!p2 $0x0  }
0x1d: {  	s5 =	simm.s32 @p1 $0x1;
	p0 =	seq.s32 s7, s2  }
0x1e: {  	s7 =	smul.u32 @!p0 $0xF7A, s2;
	p2 =	seq.s32 @!p0 s5, $0x0  }
0x1f: {  	s9 =	smul.u32 $0xF7A, s1;
	s8 =	simm.s32 @!p0 $0x1BF5;
	p2 =	por !p2, p0  }
0x20: {  	[sflag:s8] =	ssyncset.s32 @!p0 $0xFFFFF086;
	s6 =	sadd.s32 @!p0 s3, s7;
	s7 =	simm.s32 @!p0 $0x108  }
0x21: {  	s3 =	sadd.s32 s3, s9;
	s6 =	sadd.s32 @!p0 $0x88, s6;
	s7 =	simm.s32 @p2 $0x1082  }
0x22: {  	[simem:s7], [sflag:s8] =	dma.local @!p0 [hbm:s6], $0xF7A  }
0x23: {  	s9 =	sor.u32 $0xD0000000, s2;
	s6 =	simm.s32 $0x108;
	_ =	swait.ge @!p0 [sflag:s8], $0x0  }
0x24: {  	s3 =	sadd.s32 $0x88, s3;
	s6 =	simm.s32 @!p1 $0x1082;
	[sflag:s4] =	ssyncset.s32 $0xFFFFF086  }
0x25: {  	[simem:s6], [sflag:s4] =	dma.local [hbm:s3], $0xF7A  }
0x26: {  	[smem:$0x3F9F] =	sst s1;
	(tag) =	ssettag s2;
	_ =	strace s9  }
0x27: {  	s1 =	sld [smem:$0x3FAF]  }
0x28: {  	s2 =	sld [smem:$0x3FB0]  }
0x29: {  	s4 =	sld [smem:$0x3FB2]  }
0x2a: {  	p0 =	seq.s32 s5, $0x0;
	s5 =	sld [smem:$0x3FB3]  }
0x2b: {  	s6 =	sld [smem:$0x3FB4]  }
0x2c: {  	s7 =	sld [smem:$0x3FB5]  }
0x2d: {  	s3 =	simm.s32 $0x108;
	s8 =	sld [smem:$0x3FB6]  }
0x2e: {  	s3 =	simm.s32 @!p0 $0x1082;
	s9 =	sld [smem:$0x3FB7]  }
0x2f: {  	lr =	sadd.s32 s0, s3;
	s0 =	sld [smem:$0x3FAE]  }
0x30: {  	s3 =	sld [smem:$0x3FB1]  }
0x31: {  	[smem:$0x3FBA] =	sst s10  }
0x32: {  	s10 =	sld [smem:$0x3FB8];
	_ =	sdelay $0x3  }
0x33: {  	p0 =	seq.s32 s10, $0x1;
	s10 =	sld [smem:$0x3FBA];
	_ =	sdelay $0x3  }
0x34: {  	[smem:$0x3FBA] =	sst s10  }
0x35: {  	s10 =	sld [smem:$0x3FB9];
	_ =	sdelay $0x3  }
0x36: {  	p1 =	seq.s32 s10, $0x1;
	s10 =	sld [smem:$0x3FBA];
	_ =	sdelay $0x3  }
0x37: {  	[smem:$0x3FBA] =	sst s10  }
0x38: {  	s10 =	sld [smem:$0x3FBB]  }
0x39: {  	_ = 	snop;
	(pc) =	sbr.ind lr, $3  }
0x3a: {  	_ = 	snop  }
0x3b: {  	_ = 	snop  }
0x3c: {  	p2 =	seq.s32 s10, $0x1;
	s10 =	sld [smem:$0x3FBA]  }
0x3d: {  	_ =	shalt  }
0x3e: {  	_ =	shalt  }
0x3f: {  	_ =	shalt  }
0x40: {  	_ =	shalt  }
0x41: {  	_ =	shalt  }
0x42: {  	_ =	shalt  }
0x43: {  	_ =	shalt  }
0x44: {  	_ =	shalt  }
0x45: {  	_ =	shalt  }
0x46: {  	_ =	shalt  }
0x47: {  	_ =	shalt  }
0x48: {  	_ =	shalt  }
0x49: {  	_ =	shalt  }
0x4a: {  	_ =	shalt  }
0x4b: {  	_ =	shalt  }
0x4c: {  	_ =	shalt  }
0x4d: {  	_ =	shalt  }
0x4e: {  	_ =	shalt  }
0x4f: {  	_ =	shalt  }
0x50: {  	_ =	shalt  }
0x51: {  	_ =	shalt  }
0x52: {  	_ =	shalt  }
0x53: {  	_ =	shalt  }
0x54: {  	_ =	shalt  }
0x55: {  	_ =	shalt  }
0x56: {  	_ =	shalt  }
0x57: {  	_ =	shalt  }
0x58: {  	_ =	shalt  }
0x59: {  	_ =	shalt  }
0x5a: {  	_ =	shalt  }
0x5b: {  	_ =	shalt  }
0x5c: {  	_ =	shalt  }
0x5d: {  	_ =	shalt  }
0x5e: {  	_ =	shalt  }
0x5f: {  	_ =	shalt  }
0x60: {  	_ =	shalt  }
0x61: {  	_ =	shalt  }
0x62: {  	_ =	shalt  }
0x63: {  	_ =	shalt  }
0x64: {  	_ =	shalt  }
0x65: {  	_ =	shalt  }
0x66: {  	_ =	shalt  }
0x67: {  	_ =	shalt  }
0x68: {  	_ =	shalt  }
0x69: {  	_ =	shalt  }
0x6a: {  	_ =	shalt  }
0x6b: {  	_ =	shalt  }
0x6c: {  	_ =	shalt  }
0x6d: {  	_ =	shalt  }
0x6e: {  	_ =	shalt  }
0x6f: {  	_ =	shalt  }
0x70: {  	_ =	shalt  }
0x71: {  	_ =	shalt  }
0x72: {  	_ =	shalt  }
0x73: {  	_ =	shalt  }
0x74: {  	_ =	shalt  }
0x75: {  	_ =	shalt  }
0x76: {  	_ =	shalt  }
0x77: {  	_ =	shalt  }
0x78: {  	_ =	shalt  }
0x79: {  	_ =	shalt  }
0x7a: {  	_ =	shalt  }
0x7b: {  	_ =	shalt  }
0x7c: {  	_ =	shalt  }
0x7d: {  	_ =	shalt  }
0x7e: {  	_ =	shalt  }
0x7f: {  	_ =	shalt  }
0x80: {  	_ =	shalt  }
0x81: {  	_ =	shalt  }
0x82: {  	_ =	shalt  }
0x83: {  	_ =	shalt  }
0x84: {  	_ =	shalt  }
0x85: {  	_ =	shalt  }
0x86: {  	_ =	shalt  }
0x87: {  	_ =	shalt  }
.Lfunc_end0:
.L_simem_size_0:
called_computation_lowered:
.L_overlay_start_0:
0x88: {  	s2 =	sld [smem:$0x3FD9]  }
0x89: {  	s3 =	sld [smem:$0x3FFE];
	_ =	sdelay $0x1  }
0x8a: {  	s1 =	srdreg.scid  }
0x8b: {  	s0 =	sand.u32 $0x1, s1  }
0x8c: {  	s17 =	sshll.u32 s0, $0xA;
	s2 =	sadd.s32 s3, s2  }
0x8d: {  	s2 =	sadd.s32 s2, s17  }
0x8e: {  	[smem:$0x3FC6] =	sst s2  }
0x8f: {  	_ = 	snop  }
0x90: {  	s2 =	sld [smem:$0x3FC9]  }
0x91: {  	s18 =	sld [smem:$0x3FC8]  }
0x92: {  	s4 =	sld [smem:$0x3FD0];
	(tm) =	ssettm $0x1  }
0x93: {  	s5 =	sld [smem:$0x3FFB];
	_ =	sdelay $0x3  }
0x94: {  	_ =	strace s5  }
0x95: {  	s5 =	sld [smem:$0x3FFC];
	_ =	sdelay $0x3  }
0x96: {  	_ =	strace s5  }
0x97: {  	s5 =	sld [smem:$0x3FFD];
	_ =	sdelay $0x3  }
0x98: {  	_ =	strace s5  }
0x99: {  	_ =	strace $0x8FFFFFFF  }
0x9a: {  	s19 =	sld [smem:$0x3FDB];
	_ =	sdelay $0x1  }
0x9b: {  	s6 =	simm.s32 $_scs_section_size  }
0x9c: {  	s7 =	simm.s32 $_size__tile_overlayer_lowered;
	s8 =	simm.s32 $_tile_overlayer_lowered  }
0x9d: {  	s22 =	simm.s32 $0x1BFF;
	s21 =	sshll.u32 s8, $0x1;
	s5 =	sadd.s32 s6, s19  }
0x9e: {  	s9 =	simm.s32 $0x0;
	s20 =	sshll.u32 s7, $0x1;
	s7 =	sadd.s32 s21, s5  }
0x9f: {  	[timem:s9], [sflag:s22] =	dma.local [hbm:s7], s20  }
0xa0: {  	_ =	swait.ge [sflag:s22], s20  }
0xa1: {  	s6 =	ssub.s32 $0x0, s20;
	[sflag:s22] =	ssyncset.done $0x0  }
0xa2: {  	[sflag:s22] =	ssyncadd.s32 s6;
	_ =	sdelay $0x1  }
0xa3: {  	s23 =	simm.s32 $0x1B8B  }
0xa4: {  	_ =	swait.ge [sflag:s23], $0x1  }
0xa5: {  	[sflag:s23] =	ssyncset.done $0x0  }
0xa6: {  	s25 =	simm.s32 $0x1B8E;
	s24 =	sld [smem:$0x3FFE];
	[sflag:s23] =	ssyncadd.s32 $0xFFFFFFFF  }
0xa7: {  	s26 =	simm.s32 $execute0_lowered;
	[smem:$0x3FD2] =	sst s25  }
0xa8: {  	s7 =	sshll.u32 s26, $0x1;
	_ =	strace $0x80000046;
	[dreg:$0x1] =	wrdreg $0xFFFFFFFF  }
0xa9: {  	s28 =	simm.s32 $_size_execute0_lowered;
	s5 =	sadd.s32 s5, s7;
	[dreg:$0x0] =	wrdreg $0x0  }
0xaa: {  	s7 =	sshll.u32 s28, $0x1;
	[dreg:$0x2] =	wrdreg s5  }
0xab: {  	[dreg:$0x3] =	wrdreg s7  }
0xac: {  	[dreg:$0x4] =	wrdreg $0xC0  }
0xad: {  	_ =	task [dreg:s9], $0x5FFFF  }
0xae: {  	[dreg:$0x1] =	wrdreg $0xFFFFFFFF  }
0xaf: {  	[dreg:$0x0] =	wrdreg $0x60  }
0xb0: {  	[dreg:$0x2] =	wrdreg s2  }
0xb1: {  	[dreg:$0x3] =	wrdreg s18  }
0xb2: {  	[dreg:$0x4] =	wrdreg s24  }
0xb3: {  	[dreg:$0x5] =	wrdreg s4  }
0xb4: {  	[dreg:$0x6] =	wrdreg $0x9  }
0xb5: {  	_ =	task.clear_ibuf [dreg:s9], $0x7FFFF;
	_ =	strace $0x90000046  }
0xb6: {  	s29 =	simm.s32 $0x9;
	_ =	strace $0x80000048  }
0xb7: {  	_ =	swait.ge [sflag:s29], $0x1  }
0xb8: {  	[sflag:s29] =	ssyncadd.s32 $0xFFFFFFFF  }
0xb9: {  	_ =	strace $0x90000048  }
0xba: {  	_ =	sfence  }
0xbb: {  	s30 =	sld [smem:$0x0];
	_ =	sdelay $0x2  }
0xbc: {  	s31 =	sshll.u32 s1, $0xD;
	s1 =	sshrl.u32 s1, $0x2  }
0xbd: {  	s3 =	sand.u32 $0x4000, s31;
	s1 =	sadd.s32 s1, s30  }
0xbe: {  	s0 =	sor.u32 s3, s0;
	s1 =	sshll.u32 s1, $0x11  }
0xbf: {  	s0 =	sor.u32 s1, s0  }
0xc0: {  	s0 =	sadd.s32 $0x8F2B, s0  }
0xc1: {  	[sflag:s0] =	ssyncadd.remote.s32 $0x1  }
0xc2: {  	_ =	sfence.sel $0xFFFF  }
0xc3: {  	[dreg:$0x0] =	wrdreg $0xFFFFFFFF;
	(pc) =	sbr.abs _section_cstart, $3  }
0xc4: {  	[dreg:$0x1] =	wrdreg $0xFFFFFFFF  }
0xc5: {  	_ =	task.clear_ibuf [dreg:s9], $0x2FFFF;
	_ =	strace $0x9FFFFFFF  }
0xc6: {  	(tm) =	ssettm $0x7FFFFFFF  }
0xc7: {  	_ =	shalt  }
tec
execute0_lowered:
.L_overlay_start_1:
0x0: {  	(tag) =	ssettag $0x1  }
0x1: {  	s0 =	srdreg.scid;
	s1 =	stileid.u32  }
0x2: {  	s3 =	rddreg [dreg:$0x1];
	s2 =	sand.u32 $0x1, s0;
	s18 =	sshll.u32 s1, $0x1  }
0x3: {  	s4 =	rddreg [dreg:$0x2];
	s1 =	sor.u32 s2, s18  }
0x4: {  	s0 =	rddreg [dreg:$0x3];
	s2 =	ssub.s32 $0x2, s2;
	s5 =	smul.u32 $0x3, s1  }
0x5: {  	s7 =	smul.u32 $0x180, s1;
	s1 =	simm.s32 $0x0;
	s9 =	sshrl.u32 s2, $0x1  }
0x6: {  	s4 =	sadd.s32 $0x400, s4;
	[smem:$0x7FF] =	sst s1;
	s2 =	ssub.s32 s2, s9  }
0x7: {  	s6 =	sshrl.u32 s5, $0x3;
	s7 =	sand.u32 $0x380, s7;
	s24 =	sadd.s32 $0x1, s5  }
0x8: {  	s5 =	sadd.s32 $0x2, s5;
	s8 =	smul.u32 $0xC3800, s6;
	s23 =	sshll.u32 s6, $0xA  }
0x9: {  	s26 =	sshrl.u32 s24, $0x3;
	s6 =	sshll.u32 s6, $0x11;
	s25 =	sor.u32 s7, s23  }
0xa: {  	s13 =	smul.u32 $0xC3800, s26;
	s6 =	sor.u32 s7, s6;
	s8 =	sor.u32 s7, s8  }
0xb: {  	s6 =	sshrl.u32 s6, $0x3;
	s19 =	sshrl.u32 s8, $0x3;
	s10 =	sadd.s32 $0x31000, s8  }
0xc: {  	s11 =	sadd.s32 $0x62000, s8;
	s8 =	sadd.s32 $0x93000, s8;
	s7 =	sadd.s32 s0, s6  }
0xd: {  	s9 =	sadd.s32 s3, s19;
	s20 =	sshrl.u32 s10, $0x3;
	s21 =	sshrl.u32 s11, $0x3  }
0xe: {  	s8 =	sshrl.u32 s8, $0x3;
	s10 =	sshll.u32 s24, $0x7;
	s19 =	sshrl.u32 s5, $0x3  }
0xf: {  	s5 =	sshll.u32 s5, $0x7;
	[dreg:$0x5] =	wrdreg s9;
	s9 =	sadd.s32 s3, s20  }
0x10: {  	s22 =	sadd.s32 s3, s21;
	s8 =	sadd.s32 s3, s8;
	[dreg:$0x6] =	wrdreg s9  }
0x11: {  	s10 =	sand.u32 $0x380, s10;
	s20 =	sshll.u32 s26, $0xA;
	[dreg:$0x7] =	wrdreg s22  }
0x12: {  	s5 =	sand.u32 $0x380, s5;
	[dreg:$0x8] =	wrdreg s8;
	s8 =	sshrl.u32 s25, $0x3  }
0x13: {  	s15 =	sor.u32 s10, s13;
	s13 =	smul.u32 $0xC3800, s19;
	s9 =	sshll.u32 s26, $0x11  }
0x14: {  	s26 =	sshll.u32 s19, $0xA;
	s14 =	sadd.s32 s4, s8;
	s11 =	sshrl.u32 s15, $0x3  }
0x15: {  	s12 =	sadd.s32 $0x31000, s15;
	s17 =	sadd.s32 $0x62000, s15;
	s8 =	sadd.s32 $0x93000, s15  }
0x16: {  	s9 =	sor.u32 s10, s9;
	s15 =	sadd.s32 $0x2000, s0;
	[dreg:$0x9] =	wrdreg s14  }
0x17: {  	s11 =	sadd.s32 s3, s11;
	s16 =	sshrl.u32 s12, $0x3;
	s18 =	sshrl.u32 s17, $0x3  }
0x18: {  	s8 =	sshrl.u32 s8, $0x3;
	s12 =	sor.u32 s10, s20;
	s22 =	sor.u32 s5, s13  }
0x19: {  	[dreg:$0xa] =	wrdreg s11;
	s11 =	sadd.s32 s3, s16;
	s8 =	sadd.s32 s3, s8  }
0x1a: {  	s21 =	sshrl.u32 s12, $0x3;
	s13 =	sshrl.u32 s22, $0x3;
	s14 =	sadd.s32 $0x31000, s22  }
0x1b: {  	s25 =	sadd.s32 $0x62000, s22;
	s12 =	sadd.s32 $0x93000, s22;
	[dreg:$0xb] =	wrdreg s11  }
0x1c: {  	s11 =	sadd.s32 s3, s18;
	[dreg:$0xd] =	wrdreg s8;
	s23 =	sadd.s32 s3, s13  }
0x1d: {  	s24 =	sshrl.u32 s14, $0x3;
	s12 =	sshrl.u32 s12, $0x3;
	s13 =	sadd.s32 $0x1000, s0  }
0x1e: {  	s16 =	sadd.s32 s4, s21;
	s14 =	sshll.u32 s19, $0x11;
	[dreg:$0xc] =	wrdreg s11  }
0x1f: {  	s19 =	sadd.s32 s6, s15;
	s8 =	simm.s32 $0x2;
	[dreg:$0xe] =	wrdreg s23  }
0x20: {  	s10 =	sadd.s32 s3, s24;
	s18 =	sadd.s32 s6, s13;
	s23 =	sadd.s32 $0x3000, s0  }
0x21: {  	s11 =	simm.s32 $0x0;
	[dreg:$0xf] =	wrdreg s10;
	s10 =	sshrl.u32 s25, $0x3  }
0x22: {  	s20 =	sadd.s32 s6, s23;
	s6 =	simm.s32 $0x1C680;
	s10 =	sadd.s32 s3, s10  }
0x23: {  	s3 =	sadd.s32 s3, s12;
	s12 =	sor.u32 s5, s26;
	[dreg:$0x10] =	wrdreg s10  }
0x24: {  	s26 =	sshrl.u32 s9, $0x3;
	s9 =	simm.s32 $0x1;
	[dreg:$0x11] =	wrdreg s3  }
0x25: {  	s3 =	sshrl.u32 s12, $0x3;
	s21 =	sadd.s32 s0, s26;
	s22 =	sadd.s32 s26, s13  }
0x26: {  	s24 =	sadd.s32 s26, s15;
	s25 =	sadd.s32 s26, s23;
	s26 =	simm.s32 $0x400  }
0x27: {  	s10 =	simm.s32 $0x3;
	s17 =	sadd.s32 s4, s3;
	s3 =	sor.u32 s5, s14  }
0x28: {  	_ =	strace $0x80000047;
	s4 =	simm.s32 $0x10400;
	s3 =	sshrl.u32 s3, $0x3  }
0x29: {  	s5 =	simm.s32 $0x16600;
	s28 =	sadd.s32 s0, s3;
	s29 =	sadd.s32 s3, s13  }
0x2a: {  	s30 =	sadd.s32 s3, s15;
	s31 =	sadd.s32 s3, s23;
	s23 =	smax.u32 s2, $0x1  }
0x2b: {  	s0 =	simm.s32 $0x80;
	s2 =	simm.s32 $0x4000;
	s3 =	simm.s32 $0xA200  }
.LBB2_1:
0x2c: {  	s12 =	rddreg [dreg:$0x5]  }
0x2d: {  	[tilespmem:s2], [sflag:$0x1] =	stream.strided.gather [hbm4b:s12+s0], $0x6200, s26, s0, $0x38;
	[tilespmem:$0x1E700] =	vst v63  }
0x2e: {  	s14 =	rddreg [dreg:$0x6]  }
0x2f: {  	[tilespmem:s3], [sflag:$0x1] =	stream.strided.gather [hbm4b:s14+s0], $0x6200, s26, s0, $0x38;
	[tilespmem:$0x1E700] =	vst v63  }
0x30: {  	s15 =	rddreg [dreg:$0x7]  }
0x31: {  	[tilespmem:s4], [sflag:$0x1] =	stream.strided.gather [hbm4b:s15+s0], $0x6200, s26, s0, $0x38;
	[tilespmem:$0x1E700] =	vst v63  }
0x32: {  	s13 =	rddreg [dreg:$0x8]  }
0x33: {  	[tilespmem:s5], [sflag:$0x1] =	stream.strided.gather [hbm4b:s13+s0], $0x6080, s26, s0, $0x38;
	[tilespmem:$0x1E700] =	vst v63  }
0x34: {  	s14 =	rddreg [dreg:$0x9]  }
0x35: {  	[tilespmem:s6], [sflag:$0x1] =	stream.linear.gather [hbm4b:s14+s1], $0x80, $0x38;
	[tilespmem:$0x1E700] =	vst v63  }
0x36: {  	s15 =	rddreg [dreg:$0x0]  }
0x37: {  	[tilespmem:s1], [sflag:$0x2] =	stream.linear.gather [hbm4b:s15+s1], $0x4000, $0x38;
	[tilespmem:$0x1E700] =	vst v63  }
0x38: {  	_ =	swait.ge [sflag:s8], $0x4000  }
0x39: {  	[sflag:s8] =	ssyncset.done $0x0  }
0x3a: {  	[sflag:s8] =	ssyncadd.s32 $0xFFFFC000  }
0x3b: {  	_ =	swait.ge [sflag:s9], $0x18700  }
0x3c: {  	[sflag:s9] =	ssyncset.done $0x0  }
0x3d: {  	s13 =	simm.s32 $0x40;
	[sflag:s9] =	ssyncadd.s32 $0xFFFE7900  }
0x3e: {  	v0 =	vld [tilespmem:s13+$0xFFFFFFC0]  }
0x3f: {  	s12 =	simm.s32 $0x0;
	s14 =	simm.s32 $0x400;
	v1 =	vld [tilespmem:s13+$0x30]  }
.LBB2_2:
0x40: {  	p0 =	sne.s32 s14, $0x7C00;
	v2 =	vld [tilespmem:s13+$0xFFFFFFD0]  }
0x41: {  	v3 =	vld [tilespmem:s13+$0xFFFFFFE0]  }
0x42: {  	v4 =	vld [tilespmem:s13+$0xFFFFFFF0]  }
0x43: {  	v5 =	vld [tilespmem:s13+$0x0]  }
0x44: {  	v6 =	vld [tilespmem:s13+$0x10]  }
0x45: {  	v7 =	vld [tilespmem:s13+$0x20]  }
0x46: {  	v0 =	vld.idx.msk [tilespmem:v0+s2+$0x0], $0xffff  }
0x47: {  	v1 =	vld.idx.msk [tilespmem:v1+s2+$0x0], $0xffff  }
0x48: {  	v2 =	vld.idx.msk [tilespmem:v2+s2+$0x0], $0xffff  }
0x49: {  	v3 =	vld.idx.msk [tilespmem:v3+s2+$0x0], $0xffff  }
0x4a: {  	v4 =	vld.idx.msk [tilespmem:v4+s2+$0x0], $0xffff  }
0x4b: {  	v5 =	vld.idx.msk [tilespmem:v5+s2+$0x0], $0xffff  }
0x4c: {  	s15 =	sshra.s32 s12, $0x2;
	s12 =	smov.u32 s14;
	v6 =	vld.idx.msk [tilespmem:v6+s2+$0x0], $0xffff  }
0x4d: {  	v7 =	vld.idx.msk [tilespmem:v7+s2+$0x0], $0xffff;
	[tilespmem:s15+$0x1C770] =	vst v1  }
0x4e: {  	[tilespmem:s15+$0x1C700] =	vst v0  }
0x4f: {  	[tilespmem:s15+$0x1C710] =	vst v2  }
0x50: {  	[tilespmem:s15+$0x1C720] =	vst v3  }
0x51: {  	[tilespmem:s15+$0x1C730] =	vst v4  }
.Ltmp0:
0x52: {  	[tilespmem:s15+$0x1C740] =	vst v5;
	(pc) =	sbr.rel @p0 .LBB2_2-.Ltmp0, $4  }
0x53: {  	[tilespmem:s15+$0x1C750] =	vst v6  }
0x54: {  	s13 =	sadd.s32 $0x80, s13;
	[tilespmem:s15+$0x1C760] =	vst v7  }
0x55: {  	v0 =	vld [tilespmem:s13+$0xFFFFFFC0]  }
0x56: {  	s14 =	sadd.s32 $0x400, s14;
	v1 =	vld [tilespmem:s13+$0x30]  }
0x57: {  	_ = 	snop  }
0x58: {  	v2 =	vld [tilespmem:s13+$0xFFFFFFD0]  }
0x59: {  	v3 =	vld [tilespmem:s13+$0xFFFFFFE0]  }
0x5a: {  	v4 =	vld [tilespmem:s13+$0xFFFFFFF0]  }
0x5b: {  	v5 =	vld [tilespmem:s13+$0x0]  }
0x5c: {  	v6 =	vld [tilespmem:s13+$0x10]  }
0x5d: {  	v7 =	vld [tilespmem:s13+$0x20]  }
0x5e: {  	v0 =	vld.idx.msk [tilespmem:v0+s2+$0x0], $0xffff  }
0x5f: {  	v1 =	vld.idx.msk [tilespmem:v1+s2+$0x0], $0xffff  }
0x60: {  	v2 =	vld.idx.msk [tilespmem:v2+s2+$0x0], $0xffff  }
0x61: {  	v3 =	vld.idx.msk [tilespmem:v3+s2+$0x0], $0xffff  }
0x62: {  	v4 =	vld.idx.msk [tilespmem:v4+s2+$0x0], $0xffff  }
0x63: {  	v5 =	vld.idx.msk [tilespmem:v5+s2+$0x0], $0xffff  }
0x64: {  	s12 =	sshra.s32 s12, $0x2;
	v6 =	vld.idx.msk [tilespmem:v6+s2+$0x0], $0xffff  }
0x65: {  	v7 =	vld.idx.msk [tilespmem:v7+s2+$0x0], $0xffff;
	[tilespmem:s12+$0x1C700] =	vst v0  }
0x66: {  	[tilespmem:s12+$0x1C770] =	vst v1  }
0x67: {  	[tilespmem:s12+$0x1C710] =	vst v2  }
0x68: {  	[tilespmem:s12+$0x1C720] =	vst v3  }
0x69: {  	[tilespmem:s12+$0x1C730] =	vst v4  }
0x6a: {  	[tilespmem:s12+$0x1C740] =	vst v5  }
0x6b: {  	[tilespmem:s12+$0x1C750] =	vst v6  }
0x6c: {  	s13 =	simm.s32 $0x1C700;
	s14 =	simm.s32 $0x0;
	[tilespmem:s12+$0x1C760] =	vst v7;
	s12 =	simm.s32 $0x0  }
.LBB2_4:
0x6d: {  	p0 =	sne.s32 s14, $0xF80  }
.Ltmp1:
0x6e: {  	_ = 	snop;
	(pc) =	sbr.rel @p0 .LBB2_4-.Ltmp1, $4  }
0x6f: {  	_ = 	snop  }
0x70: {  	s15 =	sadd.s32 s14, s7  }
0x71: {  	[hbm4b:s15+s12] =	stream.linear.scatter [tilespmem:s13], [sflag:$0x3], $0x80, $0x38;
	[tilespmem:$0x1E700] =	vst v63  }
0x72: {  	s14 =	sadd.s32 $0x80, s14;
	s13 =	sadd.s32 $0x100, s13  }
0x73: {  	s12 =	simm.s32 $0x0  }
0x74: {  	v0 =	vld [tilespmem:s12+$0x1000]  }
0x75: {  	v1 =	vld [tilespmem:s12+$0x1070]  }
0x76: {  	v2 =	vld [tilespmem:s12+$0x1010]  }
0x77: {  	v3 =	vld [tilespmem:s12+$0x1020]  }
0x78: {  	v4 =	vld [tilespmem:s12+$0x1030]  }
0x79: {  	v5 =	vld [tilespmem:s12+$0x1040]  }
0x7a: {  	v6 =	vld [tilespmem:s12+$0x1050]  }
0x7b: {  	v7 =	vld [tilespmem:s12+$0x1060]  }
0x7c: {  	v0 =	vld.idx.msk [tilespmem:v0+s2+$0x0], $0xffff  }
0x7d: {  	v1 =	vld.idx.msk [tilespmem:v1+s2+$0x0], $0xffff  }
0x7e: {  	v2 =	vld.idx.msk [tilespmem:v2+s2+$0x0], $0xffff  }
0x7f: {  	v3 =	vld.idx.msk [tilespmem:v3+s2+$0x0], $0xffff  }
0x80: {  	v4 =	vld.idx.msk [tilespmem:v4+s2+$0x0], $0xffff  }
0x81: {  	v5 =	vld.idx.msk [tilespmem:v5+s2+$0x0], $0xffff  }
0x82: {  	s12 =	simm.s32 $0x1C7F0;
	v6 =	vld.idx.msk [tilespmem:v6+s2+$0x0], $0xffff  }
0x83: {  	v7 =	vld.idx.msk [tilespmem:v7+s2+$0x0], $0xffff;
	[tilespmem:s12+$0x0] =	vst v1  }
0x84: {  	[tilespmem:s12+$0xFFFFFF90] =	vst v0  }
0x85: {  	[tilespmem:s12+$0xFFFFFFA0] =	vst v2  }
0x86: {  	[tilespmem:s12+$0xFFFFFFB0] =	vst v3  }
0x87: {  	[tilespmem:s12+$0xFFFFFFC0] =	vst v4  }
0x88: {  	[tilespmem:s12+$0xFFFFFFD0] =	vst v5  }
0x89: {  	[tilespmem:s12+$0xFFFFFFE0] =	vst v6  }
0x8a: {  	s14 =	simm.s32 $0x80;
	[tilespmem:s12+$0xFFFFFFF0] =	vst v7  }
0x8b: {  	s13 =	simm.s32 $0x400;
	v0 =	vld [tilespmem:s14+$0x1000]  }
.LBB2_6:
0x8c: {  	p0 =	sne.s32 s13, $0x3E00;
	v1 =	vld [tilespmem:s14+$0x1070]  }
0x8d: {  	v2 =	vld [tilespmem:s14+$0x1010]  }
0x8e: {  	v3 =	vld [tilespmem:s14+$0x1020]  }
0x8f: {  	v4 =	vld [tilespmem:s14+$0x1030]  }
0x90: {  	v5 =	vld [tilespmem:s14+$0x1040]  }
0x91: {  	v6 =	vld [tilespmem:s14+$0x1050]  }
0x92: {  	v7 =	vld [tilespmem:s14+$0x1060]  }
0x93: {  	v0 =	vld.idx.msk [tilespmem:v0+s2+$0x0], $0xffff  }
0x94: {  	v1 =	vld.idx.msk [tilespmem:v1+s2+$0x0], $0xffff  }
0x95: {  	v2 =	vld.idx.msk [tilespmem:v2+s2+$0x0], $0xffff  }
0x96: {  	v3 =	vld.idx.msk [tilespmem:v3+s2+$0x0], $0xffff  }
0x97: {  	v4 =	vld.idx.msk [tilespmem:v4+s2+$0x0], $0xffff  }
0x98: {  	v5 =	vld.idx.msk [tilespmem:v5+s2+$0x0], $0xffff  }
0x99: {  	s12 =	sadd.s32 $0x100, s12;
	v6 =	vld.idx.msk [tilespmem:v6+s2+$0x0], $0xffff  }
0x9a: {  	v7 =	vld.idx.msk [tilespmem:v7+s2+$0x0], $0xffff;
	[tilespmem:s12+$0x0] =	vst v1  }
0x9b: {  	[tilespmem:s12+$0xFFFFFF90] =	vst v0  }
0x9c: {  	[tilespmem:s12+$0xFFFFFFA0] =	vst v2  }
0x9d: {  	[tilespmem:s12+$0xFFFFFFB0] =	vst v3  }
.Ltmp2:
0x9e: {  	[tilespmem:s12+$0xFFFFFFC0] =	vst v4;
	(pc) =	sbr.rel @p0 .LBB2_6-.Ltmp2, $4  }
0x9f: {  	[tilespmem:s12+$0xFFFFFFD0] =	vst v5  }
0xa0: {  	[tilespmem:s12+$0xFFFFFFE0] =	vst v6  }
0xa1: {  	s14 =	sshra.s32 s13, $0x2;
	[tilespmem:s12+$0xFFFFFFF0] =	vst v7  }
0xa2: {  	s13 =	sadd.s32 $0x200, s13;
	v0 =	vld [tilespmem:s14+$0x1000]  }
0xa3: {  	_ = 	snop  }
0xa4: {  	v1 =	vld [tilespmem:s14+$0x1070]  }
0xa5: {  	v2 =	vld [tilespmem:s14+$0x1010]  }
0xa6: {  	v3 =	vld [tilespmem:s14+$0x1020]  }
0xa7: {  	v4 =	vld [tilespmem:s14+$0x1030]  }
0xa8: {  	v5 =	vld [tilespmem:s14+$0x1040]  }
0xa9: {  	v6 =	vld [tilespmem:s14+$0x1050]  }
0xaa: {  	v7 =	vld [tilespmem:s14+$0x1060]  }
0xab: {  	v0 =	vld.idx.msk [tilespmem:v0+s2+$0x0], $0xffff  }
0xac: {  	v1 =	vld.idx.msk [tilespmem:v1+s2+$0x0], $0xffff  }
0xad: {  	v2 =	vld.idx.msk [tilespmem:v2+s2+$0x0], $0xffff  }
0xae: {  	v3 =	vld.idx.msk [tilespmem:v3+s2+$0x0], $0xffff  }
0xaf: {  	v4 =	vld.idx.msk [tilespmem:v4+s2+$0x0], $0xffff  }
0xb0: {  	v5 =	vld.idx.msk [tilespmem:v5+s2+$0x0], $0xffff  }
0xb1: {  	s13 =	sadd.s32 $0x100, s12;
	v6 =	vld.idx.msk [tilespmem:v6+s2+$0x0], $0xffff  }
0xb2: {  	v7 =	vld.idx.msk [tilespmem:v7+s2+$0x0], $0xffff;
	[tilespmem:s13+$0xFFFFFF90] =	vst v0  }
0xb3: {  	[tilespmem:s13+$0x0] =	vst v1  }
0xb4: {  	[tilespmem:s13+$0xFFFFFFA0] =	vst v2  }
0xb5: {  	[tilespmem:s13+$0xFFFFFFB0] =	vst v3  }
0xb6: {  	[tilespmem:s13+$0xFFFFFFC0] =	vst v4  }
0xb7: {  	[tilespmem:s13+$0xFFFFFFD0] =	vst v5  }
0xb8: {  	s12 =	simm.s32 $0x1C780;
	[tilespmem:s13+$0xFFFFFFE0] =	vst v6  }
0xb9: {  	s15 =	sadd.s32 $0x0, s18;
	s14 =	simm.s32 $0x1C880;
	[tilespmem:s13+$0xFFFFFFF0] =	vst v7;
	s13 =	simm.s32 $0x80  }
.LBB2_8:
0xba: {  	[hbm4b:s15+s1] =	stream.linear.scatter [tilespmem:s12], [sflag:$0x3], $0x80, $0x38;
	[tilespmem:$0x1E700] =	vst v63  }
0xbb: {  	s15 =	smov.u32 s13;
	s12 =	smov.u32 s14;
	p0 =	sne.s32 s13, $0xF80  }
.Ltmp3:
0xbc: {  	s13 =	sadd.s32 $0x80, s13;
	(pc) =	sbr.rel @p0 .LBB2_8-.Ltmp3, $2  }
0xbd: {  	_ =	sdelay $0x2  }
0xbe: {  	s14 =	sadd.s32 $0x100, s14;
	s15 =	sadd.s32 s15, s18  }
0xbf: {  	[hbm4b:s15+s1] =	stream.linear.scatter [tilespmem:s12], [sflag:$0x3], $0x80, $0x38;
	[tilespmem:$0x1E700] =	vst v63  }
0xc0: {  	_ =	swait.ge [sflag:s10], $0x1000  }
0xc1: {  	[sflag:s10] =	ssyncset.done $0x0  }
0xc2: {  	s15 =	simm.s32 $0x0;
	[sflag:s10] =	ssyncadd.s32 $0xFFFFF000  }
0xc3: {  	v0 =	vld [tilespmem:s15+$0x2000]  }
0xc4: {  	v1 =	vld [tilespmem:s15+$0x2070]  }
0xc5: {  	v2 =	vld [tilespmem:s15+$0x2010]  }
0xc6: {  	v3 =	vld [tilespmem:s15+$0x2020]  }
0xc7: {  	v4 =	vld [tilespmem:s15+$0x2030]  }
0xc8: {  	v5 =	vld [tilespmem:s15+$0x2040]  }
0xc9: {  	v6 =	vld [tilespmem:s15+$0x2050]  }
0xca: {  	v7 =	vld [tilespmem:s15+$0x2060]  }
0xcb: {  	v0 =	vld.idx.msk [tilespmem:v0+s2+$0x0], $0xffff  }
0xcc: {  	v1 =	vld.idx.msk [tilespmem:v1+s2+$0x0], $0xffff  }
0xcd: {  	v2 =	vld.idx.msk [tilespmem:v2+s2+$0x0], $0xffff  }
0xce: {  	v3 =	vld.idx.msk [tilespmem:v3+s2+$0x0], $0xffff  }
0xcf: {  	v4 =	vld.idx.msk [tilespmem:v4+s2+$0x0], $0xffff  }
0xd0: {  	v5 =	vld.idx.msk [tilespmem:v5+s2+$0x0], $0xffff  }
0xd1: {  	s12 =	simm.s32 $0x1C740;
	v6 =	vld.idx.msk [tilespmem:v6+s2+$0x0], $0xffff  }
0xd2: {  	v7 =	vld.idx.msk [tilespmem:v7+s2+$0x0], $0xffff;
	[tilespmem:s12+$0x30] =	vst v1  }
0xd3: {  	[tilespmem:s12+$0xFFFFFFC0] =	vst v0  }
0xd4: {  	[tilespmem:s12+$0xFFFFFFD0] =	vst v2  }
0xd5: {  	[tilespmem:s12+$0xFFFFFFE0] =	vst v3  }
0xd6: {  	[tilespmem:s12+$0xFFFFFFF0] =	vst v4  }
0xd7: {  	[tilespmem:s12+$0x0] =	vst v5  }
0xd8: {  	[tilespmem:s12+$0x10] =	vst v6  }
0xd9: {  	s14 =	simm.s32 $0x80;
	[tilespmem:s12+$0x20] =	vst v7  }
0xda: {  	s13 =	simm.s32 $0x400;
	v0 =	vld [tilespmem:s14+$0x2000]  }
.LBB2_10:
0xdb: {  	p0 =	sne.s32 s13, $0x3E00;
	v1 =	vld [tilespmem:s14+$0x2070]  }
0xdc: {  	v2 =	vld [tilespmem:s14+$0x2010]  }
0xdd: {  	v3 =	vld [tilespmem:s14+$0x2020]  }
0xde: {  	v4 =	vld [tilespmem:s14+$0x2030]  }
0xdf: {  	v5 =	vld [tilespmem:s14+$0x2040]  }
0xe0: {  	v6 =	vld [tilespmem:s14+$0x2050]  }
0xe1: {  	v7 =	vld [tilespmem:s14+$0x2060]  }
0xe2: {  	v0 =	vld.idx.msk [tilespmem:v0+s2+$0x0], $0xffff  }
0xe3: {  	v1 =	vld.idx.msk [tilespmem:v1+s2+$0x0], $0xffff  }
0xe4: {  	v2 =	vld.idx.msk [tilespmem:v2+s2+$0x0], $0xffff  }
0xe5: {  	v3 =	vld.idx.msk [tilespmem:v3+s2+$0x0], $0xffff  }
0xe6: {  	v4 =	vld.idx.msk [tilespmem:v4+s2+$0x0], $0xffff  }
0xe7: {  	v5 =	vld.idx.msk [tilespmem:v5+s2+$0x0], $0xffff  }
0xe8: {  	s12 =	sadd.s32 $0x100, s12;
	v6 =	vld.idx.msk [tilespmem:v6+s2+$0x0], $0xffff  }
0xe9: {  	v7 =	vld.idx.msk [tilespmem:v7+s2+$0x0], $0xffff;
	[tilespmem:s12+$0x30] =	vst v1  }
0xea: {  	[tilespmem:s12+$0xFFFFFFC0] =	vst v0  }
0xeb: {  	[tilespmem:s12+$0xFFFFFFD0] =	vst v2  }
0xec: {  	[tilespmem:s12+$0xFFFFFFE0] =	vst v3  }
.Ltmp4:
0xed: {  	[tilespmem:s12+$0xFFFFFFF0] =	vst v4;
	(pc) =	sbr.rel @p0 .LBB2_10-.Ltmp4, $4  }
0xee: {  	[tilespmem:s12+$0x0] =	vst v5  }
0xef: {  	[tilespmem:s12+$0x10] =	vst v6  }
0xf0: {  	s14 =	sshra.s32 s13, $0x2;
	[tilespmem:s12+$0x20] =	vst v7  }
0xf1: {  	s13 =	sadd.s32 $0x200, s13;
	v0 =	vld [tilespmem:s14+$0x2000]  }
0xf2: {  	_ = 	snop  }
0xf3: {  	v1 =	vld [tilespmem:s14+$0x2070]  }
0xf4: {  	v2 =	vld [tilespmem:s14+$0x2010]  }
0xf5: {  	v3 =	vld [tilespmem:s14+$0x2020]  }
0xf6: {  	v4 =	vld [tilespmem:s14+$0x2030]  }
0xf7: {  	v5 =	vld [tilespmem:s14+$0x2040]  }
0xf8: {  	v6 =	vld [tilespmem:s14+$0x2050]  }
0xf9: {  	v7 =	vld [tilespmem:s14+$0x2060]  }
0xfa: {  	v0 =	vld.idx.msk [tilespmem:v0+s2+$0x0], $0xffff  }
0xfb: {  	v1 =	vld.idx.msk [tilespmem:v1+s2+$0x0], $0xffff  }
0xfc: {  	v2 =	vld.idx.msk [tilespmem:v2+s2+$0x0], $0xffff  }
0xfd: {  	v3 =	vld.idx.msk [tilespmem:v3+s2+$0x0], $0xffff  }
0xfe: {  	v4 =	vld.idx.msk [tilespmem:v4+s2+$0x0], $0xffff  }
0xff: {  	v5 =	vld.idx.msk [tilespmem:v5+s2+$0x0], $0xffff  }
0x100: {  	s13 =	sadd.s32 $0x100, s12;
	v6 =	vld.idx.msk [tilespmem:v6+s2+$0x0], $0xffff  }
0x101: {  	v7 =	vld.idx.msk [tilespmem:v7+s2+$0x0], $0xffff;
	[tilespmem:s13+$0xFFFFFFC0] =	vst v0  }
0x102: {  	[tilespmem:s13+$0x30] =	vst v1  }
0x103: {  	[tilespmem:s13+$0xFFFFFFD0] =	vst v2  }
0x104: {  	[tilespmem:s13+$0xFFFFFFE0] =	vst v3  }
0x105: {  	[tilespmem:s13+$0xFFFFFFF0] =	vst v4  }
0x106: {  	[tilespmem:s13+$0x0] =	vst v5  }
0x107: {  	s12 =	simm.s32 $0x1C700;
	[tilespmem:s13+$0x10] =	vst v6  }
0x108: {  	s15 =	sadd.s32 $0x0, s19;
	s14 =	simm.s32 $0x1C800;
	[tilespmem:s13+$0x20] =	vst v7;
	s13 =	simm.s32 $0x80  }
.LBB2_12:
0x109: {  	[hbm4b:s15+s1] =	stream.linear.scatter [tilespmem:s12], [sflag:$0x3], $0x80, $0x38;
	[tilespmem:$0x1E700] =	vst v63  }
0x10a: {  	s15 =	smov.u32 s13;
	s12 =	smov.u32 s14;
	p0 =	sne.s32 s13, $0xF80  }
.Ltmp5:
0x10b: {  	s13 =	sadd.s32 $0x80, s13;
	(pc) =	sbr.rel @p0 .LBB2_12-.Ltmp5, $2  }
0x10c: {  	_ =	sdelay $0x2  }
0x10d: {  	s14 =	sadd.s32 $0x100, s14;
	s15 =	sadd.s32 s15, s19  }
0x10e: {  	[hbm4b:s15+s1] =	stream.linear.scatter [tilespmem:s12], [sflag:$0x3], $0x80, $0x38;
	[tilespmem:$0x1E700] =	vst v63  }
0x10f: {  	_ =	swait.ge [sflag:s10], $0x1000  }
0x110: {  	[sflag:s10] =	ssyncset.done $0x0  }
0x111: {  	s15 =	simm.s32 $0x0;
	[sflag:s10] =	ssyncadd.s32 $0xFFFFF000  }
0x112: {  	v0 =	vld [tilespmem:s15+$0x3000]  }
0x113: {  	v1 =	vld [tilespmem:s15+$0x3070]  }
0x114: {  	v2 =	vld [tilespmem:s15+$0x3010]  }
0x115: {  	v3 =	vld [tilespmem:s15+$0x3020]  }
0x116: {  	v4 =	vld [tilespmem:s15+$0x3030]  }
0x117: {  	v5 =	vld [tilespmem:s15+$0x3040]  }
0x118: {  	v6 =	vld [tilespmem:s15+$0x3050]  }
0x119: {  	v7 =	vld [tilespmem:s15+$0x3060]  }
0x11a: {  	v0 =	vld.idx.msk [tilespmem:v0+s2+$0x0], $0xffff  }
0x11b: {  	v1 =	vld.idx.msk [tilespmem:v1+s2+$0x0], $0xffff  }
0x11c: {  	v2 =	vld.idx.msk [tilespmem:v2+s2+$0x0], $0xffff  }
0x11d: {  	v3 =	vld.idx.msk [tilespmem:v3+s2+$0x0], $0xffff  }
0x11e: {  	v4 =	vld.idx.msk [tilespmem:v4+s2+$0x0], $0xffff  }
0x11f: {  	v5 =	vld.idx.msk [tilespmem:v5+s2+$0x0], $0xffff  }
0x120: {  	s12 =	simm.s32 $0x1C7F0;
	v6 =	vld.idx.msk [tilespmem:v6+s2+$0x0], $0xffff  }
0x121: {  	v7 =	vld.idx.msk [tilespmem:v7+s2+$0x0], $0xffff;
	[tilespmem:s12+$0x0] =	vst v1  }
0x122: {  	[tilespmem:s12+$0xFFFFFF90] =	vst v0  }
0x123: {  	[tilespmem:s12+$0xFFFFFFA0] =	vst v2  }
0x124: {  	[tilespmem:s12+$0xFFFFFFB0] =	vst v3  }
0x125: {  	[tilespmem:s12+$0xFFFFFFC0] =	vst v4  }
0x126: {  	[tilespmem:s12+$0xFFFFFFD0] =	vst v5  }
0x127: {  	[tilespmem:s12+$0xFFFFFFE0] =	vst v6  }
0x128: {  	s14 =	simm.s32 $0x80;
	[tilespmem:s12+$0xFFFFFFF0] =	vst v7  }
0x129: {  	s13 =	simm.s32 $0x400;
	v0 =	vld [tilespmem:s14+$0x3000]  }
.LBB2_14:
0x12a: {  	p0 =	sne.s32 s13, $0x3E00;
	v1 =	vld [tilespmem:s14+$0x3070]  }
0x12b: {  	v2 =	vld [tilespmem:s14+$0x3010]  }
0x12c: {  	v3 =	vld [tilespmem:s14+$0x3020]  }
0x12d: {  	v4 =	vld [tilespmem:s14+$0x3030]  }
0x12e: {  	v5 =	vld [tilespmem:s14+$0x3040]  }
0x12f: {  	v6 =	vld [tilespmem:s14+$0x3050]  }
0x130: {  	v7 =	vld [tilespmem:s14+$0x3060]  }
0x131: {  	v0 =	vld.idx.msk [tilespmem:v0+s2+$0x0], $0xffff  }
0x132: {  	v1 =	vld.idx.msk [tilespmem:v1+s2+$0x0], $0xffff  }
0x133: {  	v2 =	vld.idx.msk [tilespmem:v2+s2+$0x0], $0xffff  }
0x134: {  	v3 =	vld.idx.msk [tilespmem:v3+s2+$0x0], $0xffff  }
0x135: {  	v4 =	vld.idx.msk [tilespmem:v4+s2+$0x0], $0xffff  }
0x136: {  	v5 =	vld.idx.msk [tilespmem:v5+s2+$0x0], $0xffff  }
0x137: {  	s12 =	sadd.s32 $0x100, s12;
	v6 =	vld.idx.msk [tilespmem:v6+s2+$0x0], $0xffff  }
0x138: {  	v7 =	vld.idx.msk [tilespmem:v7+s2+$0x0], $0xffff;
	[tilespmem:s12+$0x0] =	vst v1  }
0x139: {  	[tilespmem:s12+$0xFFFFFF90] =	vst v0  }
0x13a: {  	[tilespmem:s12+$0xFFFFFFA0] =	vst v2  }
0x13b: {  	[tilespmem:s12+$0xFFFFFFB0] =	vst v3  }
.Ltmp6:
0x13c: {  	[tilespmem:s12+$0xFFFFFFC0] =	vst v4;
	(pc) =	sbr.rel @p0 .LBB2_14-.Ltmp6, $4  }
0x13d: {  	[tilespmem:s12+$0xFFFFFFD0] =	vst v5  }
0x13e: {  	[tilespmem:s12+$0xFFFFFFE0] =	vst v6  }
0x13f: {  	s14 =	sshra.s32 s13, $0x2;
	[tilespmem:s12+$0xFFFFFFF0] =	vst v7  }
0x140: {  	s13 =	sadd.s32 $0x200, s13;
	v0 =	vld [tilespmem:s14+$0x3000]  }
0x141: {  	_ = 	snop  }
0x142: {  	v1 =	vld [tilespmem:s14+$0x3070]  }
0x143: {  	v2 =	vld [tilespmem:s14+$0x3010]  }
0x144: {  	v3 =	vld [tilespmem:s14+$0x3020]  }
0x145: {  	v4 =	vld [tilespmem:s14+$0x3030]  }
0x146: {  	v5 =	vld [tilespmem:s14+$0x3040]  }
0x147: {  	v6 =	vld [tilespmem:s14+$0x3050]  }
0x148: {  	v7 =	vld [tilespmem:s14+$0x3060]  }
0x149: {  	v0 =	vld.idx.msk [tilespmem:v0+s2+$0x0], $0xffff  }
0x14a: {  	v1 =	vld.idx.msk [tilespmem:v1+s2+$0x0], $0xffff  }
0x14b: {  	v2 =	vld.idx.msk [tilespmem:v2+s2+$0x0], $0xffff  }
0x14c: {  	v3 =	vld.idx.msk [tilespmem:v3+s2+$0x0], $0xffff  }
0x14d: {  	v4 =	vld.idx.msk [tilespmem:v4+s2+$0x0], $0xffff  }
0x14e: {  	v5 =	vld.idx.msk [tilespmem:v5+s2+$0x0], $0xffff  }
0x14f: {  	s13 =	sadd.s32 $0x100, s12;
	v6 =	vld.idx.msk [tilespmem:v6+s2+$0x0], $0xffff  }
0x150: {  	v7 =	vld.idx.msk [tilespmem:v7+s2+$0x0], $0xffff;
	[tilespmem:s13+$0xFFFFFF90] =	vst v0  }
0x151: {  	[tilespmem:s13+$0x0] =	vst v1  }
0x152: {  	[tilespmem:s13+$0xFFFFFFA0] =	vst v2  }
0x153: {  	[tilespmem:s13+$0xFFFFFFB0] =	vst v3  }
0x154: {  	[tilespmem:s13+$0xFFFFFFC0] =	vst v4  }
0x155: {  	[tilespmem:s13+$0xFFFFFFD0] =	vst v5  }
0x156: {  	s12 =	simm.s32 $0x1C780;
	[tilespmem:s13+$0xFFFFFFE0] =	vst v6  }
0x157: {  	s15 =	sadd.s32 $0x0, s20;
	s14 =	simm.s32 $0x1C880;
	[tilespmem:s13+$0xFFFFFFF0] =	vst v7;
	s13 =	simm.s32 $0x80  }
.LBB2_16:
0x158: {  	[hbm4b:s15+s1] =	stream.linear.scatter [tilespmem:s12], [sflag:$0x3], $0x80, $0x38;
	[tilespmem:$0x1E700] =	vst v63  }
0x159: {  	s15 =	smov.u32 s13;
	s12 =	smov.u32 s14;
	p0 =	sne.s32 s13, $0xF80  }
.Ltmp7:
0x15a: {  	s13 =	sadd.s32 $0x80, s13;
	(pc) =	sbr.rel @p0 .LBB2_16-.Ltmp7, $2  }
0x15b: {  	_ =	sdelay $0x2  }
0x15c: {  	s14 =	sadd.s32 $0x100, s14;
	s15 =	sadd.s32 s15, s20  }
0x15d: {  	[hbm4b:s15+s1] =	stream.linear.scatter [tilespmem:s12], [sflag:$0x3], $0x80, $0x38;
	[tilespmem:$0x1E700] =	vst v63  }
0x15e: {  	s15 =	rddreg [dreg:$0xa]  }
0x15f: {  	[tilespmem:s2], [sflag:$0x1] =	stream.strided.gather [hbm4b:s15+s0], $0x6200, s26, s0, $0x38;
	[tilespmem:$0x1E700] =	vst v63  }
0x160: {  	s13 =	rddreg [dreg:$0xb]  }
0x161: {  	[tilespmem:s3], [sflag:$0x1] =	stream.strided.gather [hbm4b:s13+s0], $0x6200, s26, s0, $0x38;
	[tilespmem:$0x1E700] =	vst v63  }
0x162: {  	s14 =	rddreg [dreg:$0xc]  }
0x163: {  	[tilespmem:s4], [sflag:$0x1] =	stream.strided.gather [hbm4b:s14+s0], $0x6200, s26, s0, $0x38;
	[tilespmem:$0x1E700] =	vst v63  }
0x164: {  	s15 =	rddreg [dreg:$0xd]  }
0x165: {  	[tilespmem:s5], [sflag:$0x1] =	stream.strided.gather [hbm4b:s15+s0], $0x6080, s26, s0, $0x38;
	[tilespmem:$0x1E700] =	vst v63  }
0x166: {  	s12 =	simm.s32 $0x0  }
0x167: {  	[tilespmem:s6], [sflag:$0x1] =	stream.linear.gather [hbm4b:s16+s12], $0x80, $0x38;
	[tilespmem:$0x1E700] =	vst v63  }
0x168: {  	_ =	swait.ge [sflag:s10], $0x1000  }
0x169: {  	[sflag:s10] =	ssyncset.done $0x0  }
0x16a: {  	[sflag:s10] =	ssyncadd.s32 $0xFFFFF000  }
0x16b: {  	_ =	swait.ge [sflag:s10], $0x1000  }
0x16c: {  	[sflag:s10] =	ssyncset.done $0x0  }
0x16d: {  	[sflag:s10] =	ssyncadd.s32 $0xFFFFF000  }
0x16e: {  	_ =	swait.ge [sflag:s9], $0x18700  }
0x16f: {  	[sflag:s9] =	ssyncset.done $0x0  }
0x170: {  	s13 =	simm.s32 $0x40;
	[sflag:s9] =	ssyncadd.s32 $0xFFFE7900  }
0x171: {  	v0 =	vld [tilespmem:s13+$0xFFFFFFC0]  }
0x172: {  	s14 =	simm.s32 $0x400;
	v1 =	vld [tilespmem:s13+$0x30]  }
.LBB2_18:
0x173: {  	p0 =	sne.s32 s14, $0x7C00;
	v2 =	vld [tilespmem:s13+$0xFFFFFFD0]  }
0x174: {  	v3 =	vld [tilespmem:s13+$0xFFFFFFE0]  }
0x175: {  	v4 =	vld [tilespmem:s13+$0xFFFFFFF0]  }
0x176: {  	v5 =	vld [tilespmem:s13+$0x0]  }
0x177: {  	v6 =	vld [tilespmem:s13+$0x10]  }
0x178: {  	v7 =	vld [tilespmem:s13+$0x20]  }
0x179: {  	v0 =	vld.idx.msk [tilespmem:v0+s2+$0x0], $0xffff  }
0x17a: {  	v1 =	vld.idx.msk [tilespmem:v1+s2+$0x0], $0xffff  }
0x17b: {  	v2 =	vld.idx.msk [tilespmem:v2+s2+$0x0], $0xffff  }
0x17c: {  	v3 =	vld.idx.msk [tilespmem:v3+s2+$0x0], $0xffff  }
0x17d: {  	v4 =	vld.idx.msk [tilespmem:v4+s2+$0x0], $0xffff  }
0x17e: {  	v5 =	vld.idx.msk [tilespmem:v5+s2+$0x0], $0xffff  }
0x17f: {  	s15 =	sshra.s32 s12, $0x2;
	s12 =	smov.u32 s14;
	v6 =	vld.idx.msk [tilespmem:v6+s2+$0x0], $0xffff  }
0x180: {  	v7 =	vld.idx.msk [tilespmem:v7+s2+$0x0], $0xffff;
	[tilespmem:s15+$0x1C770] =	vst v1  }
0x181: {  	[tilespmem:s15+$0x1C700] =	vst v0  }
0x182: {  	[tilespmem:s15+$0x1C710] =	vst v2  }
0x183: {  	[tilespmem:s15+$0x1C720] =	vst v3  }
0x184: {  	[tilespmem:s15+$0x1C730] =	vst v4  }
.Ltmp8:
0x185: {  	[tilespmem:s15+$0x1C740] =	vst v5;
	(pc) =	sbr.rel @p0 .LBB2_18-.Ltmp8, $4  }
0x186: {  	[tilespmem:s15+$0x1C750] =	vst v6  }
0x187: {  	s13 =	sadd.s32 $0x80, s13;
	[tilespmem:s15+$0x1C760] =	vst v7  }
0x188: {  	v0 =	vld [tilespmem:s13+$0xFFFFFFC0]  }
0x189: {  	s14 =	sadd.s32 $0x400, s14;
	v1 =	vld [tilespmem:s13+$0x30]  }
0x18a: {  	_ = 	snop  }
0x18b: {  	v2 =	vld [tilespmem:s13+$0xFFFFFFD0]  }
0x18c: {  	v3 =	vld [tilespmem:s13+$0xFFFFFFE0]  }
0x18d: {  	v4 =	vld [tilespmem:s13+$0xFFFFFFF0]  }
0x18e: {  	v5 =	vld [tilespmem:s13+$0x0]  }
0x18f: {  	v6 =	vld [tilespmem:s13+$0x10]  }
0x190: {  	v7 =	vld [tilespmem:s13+$0x20]  }
0x191: {  	v0 =	vld.idx.msk [tilespmem:v0+s2+$0x0], $0xffff  }
0x192: {  	v1 =	vld.idx.msk [tilespmem:v1+s2+$0x0], $0xffff  }
0x193: {  	v2 =	vld.idx.msk [tilespmem:v2+s2+$0x0], $0xffff  }
0x194: {  	v3 =	vld.idx.msk [tilespmem:v3+s2+$0x0], $0xffff  }
0x195: {  	v4 =	vld.idx.msk [tilespmem:v4+s2+$0x0], $0xffff  }
0x196: {  	v5 =	vld.idx.msk [tilespmem:v5+s2+$0x0], $0xffff  }
0x197: {  	s12 =	sshra.s32 s12, $0x2;
	v6 =	vld.idx.msk [tilespmem:v6+s2+$0x0], $0xffff  }
0x198: {  	v7 =	vld.idx.msk [tilespmem:v7+s2+$0x0], $0xffff;
	[tilespmem:s12+$0x1C700] =	vst v0  }
0x199: {  	[tilespmem:s12+$0x1C770] =	vst v1  }
0x19a: {  	[tilespmem:s12+$0x1C710] =	vst v2  }
0x19b: {  	[tilespmem:s12+$0x1C720] =	vst v3  }
0x19c: {  	[tilespmem:s12+$0x1C730] =	vst v4  }
0x19d: {  	[tilespmem:s12+$0x1C740] =	vst v5  }
0x19e: {  	[tilespmem:s12+$0x1C750] =	vst v6  }
0x19f: {  	s13 =	simm.s32 $0x1C700;
	s14 =	simm.s32 $0x0;
	[tilespmem:s12+$0x1C760] =	vst v7;
	s12 =	simm.s32 $0x0  }
.LBB2_20:
0x1a0: {  	p0 =	sne.s32 s14, $0xF80  }
.Ltmp9:
0x1a1: {  	_ = 	snop;
	(pc) =	sbr.rel @p0 .LBB2_20-.Ltmp9, $4  }
0x1a2: {  	_ = 	snop  }
0x1a3: {  	s15 =	sadd.s32 s14, s21  }
0x1a4: {  	[hbm4b:s15+s12] =	stream.linear.scatter [tilespmem:s13], [sflag:$0x3], $0x80, $0x38;
	[tilespmem:$0x1E700] =	vst v63  }
0x1a5: {  	s14 =	sadd.s32 $0x80, s14;
	s13 =	sadd.s32 $0x100, s13  }
0x1a6: {  	s12 =	simm.s32 $0x0  }
0x1a7: {  	v0 =	vld [tilespmem:s12+$0x1000]  }
0x1a8: {  	v1 =	vld [tilespmem:s12+$0x1070]  }
0x1a9: {  	v2 =	vld [tilespmem:s12+$0x1010]  }
0x1aa: {  	v3 =	vld [tilespmem:s12+$0x1020]  }
0x1ab: {  	v4 =	vld [tilespmem:s12+$0x1030]  }
0x1ac: {  	v5 =	vld [tilespmem:s12+$0x1040]  }
0x1ad: {  	v6 =	vld [tilespmem:s12+$0x1050]  }
0x1ae: {  	v7 =	vld [tilespmem:s12+$0x1060]  }
0x1af: {  	v0 =	vld.idx.msk [tilespmem:v0+s2+$0x0], $0xffff  }
0x1b0: {  	v1 =	vld.idx.msk [tilespmem:v1+s2+$0x0], $0xffff  }
0x1b1: {  	v2 =	vld.idx.msk [tilespmem:v2+s2+$0x0], $0xffff  }
0x1b2: {  	v3 =	vld.idx.msk [tilespmem:v3+s2+$0x0], $0xffff  }
0x1b3: {  	v4 =	vld.idx.msk [tilespmem:v4+s2+$0x0], $0xffff  }
0x1b4: {  	v5 =	vld.idx.msk [tilespmem:v5+s2+$0x0], $0xffff  }
0x1b5: {  	s12 =	simm.s32 $0x1C7F0;
	v6 =	vld.idx.msk [tilespmem:v6+s2+$0x0], $0xffff  }
0x1b6: {  	v7 =	vld.idx.msk [tilespmem:v7+s2+$0x0], $0xffff;
	[tilespmem:s12+$0x0] =	vst v1  }
0x1b7: {  	[tilespmem:s12+$0xFFFFFF90] =	vst v0  }
0x1b8: {  	[tilespmem:s12+$0xFFFFFFA0] =	vst v2  }
0x1b9: {  	[tilespmem:s12+$0xFFFFFFB0] =	vst v3  }
0x1ba: {  	[tilespmem:s12+$0xFFFFFFC0] =	vst v4  }
0x1bb: {  	[tilespmem:s12+$0xFFFFFFD0] =	vst v5  }
0x1bc: {  	[tilespmem:s12+$0xFFFFFFE0] =	vst v6  }
0x1bd: {  	s14 =	simm.s32 $0x80;
	[tilespmem:s12+$0xFFFFFFF0] =	vst v7  }
0x1be: {  	s13 =	simm.s32 $0x400;
	v0 =	vld [tilespmem:s14+$0x1000]  }
.LBB2_22:
0x1bf: {  	p0 =	sne.s32 s13, $0x3E00;
	v1 =	vld [tilespmem:s14+$0x1070]  }
0x1c0: {  	v2 =	vld [tilespmem:s14+$0x1010]  }
0x1c1: {  	v3 =	vld [tilespmem:s14+$0x1020]  }
0x1c2: {  	v4 =	vld [tilespmem:s14+$0x1030]  }
0x1c3: {  	v5 =	vld [tilespmem:s14+$0x1040]  }
0x1c4: {  	v6 =	vld [tilespmem:s14+$0x1050]  }
0x1c5: {  	v7 =	vld [tilespmem:s14+$0x1060]  }
0x1c6: {  	v0 =	vld.idx.msk [tilespmem:v0+s2+$0x0], $0xffff  }
0x1c7: {  	v1 =	vld.idx.msk [tilespmem:v1+s2+$0x0], $0xffff  }
0x1c8: {  	v2 =	vld.idx.msk [tilespmem:v2+s2+$0x0], $0xffff  }
0x1c9: {  	v3 =	vld.idx.msk [tilespmem:v3+s2+$0x0], $0xffff  }
0x1ca: {  	v4 =	vld.idx.msk [tilespmem:v4+s2+$0x0], $0xffff  }
0x1cb: {  	v5 =	vld.idx.msk [tilespmem:v5+s2+$0x0], $0xffff  }
0x1cc: {  	s12 =	sadd.s32 $0x100, s12;
	v6 =	vld.idx.msk [tilespmem:v6+s2+$0x0], $0xffff  }
0x1cd: {  	v7 =	vld.idx.msk [tilespmem:v7+s2+$0x0], $0xffff;
	[tilespmem:s12+$0x0] =	vst v1  }
0x1ce: {  	[tilespmem:s12+$0xFFFFFF90] =	vst v0  }
0x1cf: {  	[tilespmem:s12+$0xFFFFFFA0] =	vst v2  }
0x1d0: {  	[tilespmem:s12+$0xFFFFFFB0] =	vst v3  }
.Ltmp10:
0x1d1: {  	[tilespmem:s12+$0xFFFFFFC0] =	vst v4;
	(pc) =	sbr.rel @p0 .LBB2_22-.Ltmp10, $4  }
0x1d2: {  	[tilespmem:s12+$0xFFFFFFD0] =	vst v5  }
0x1d3: {  	[tilespmem:s12+$0xFFFFFFE0] =	vst v6  }
0x1d4: {  	s14 =	sshra.s32 s13, $0x2;
	[tilespmem:s12+$0xFFFFFFF0] =	vst v7  }
0x1d5: {  	s13 =	sadd.s32 $0x200, s13;
	v0 =	vld [tilespmem:s14+$0x1000]  }
0x1d6: {  	_ = 	snop  }
0x1d7: {  	v1 =	vld [tilespmem:s14+$0x1070]  }
0x1d8: {  	v2 =	vld [tilespmem:s14+$0x1010]  }
0x1d9: {  	v3 =	vld [tilespmem:s14+$0x1020]  }
0x1da: {  	v4 =	vld [tilespmem:s14+$0x1030]  }
0x1db: {  	v5 =	vld [tilespmem:s14+$0x1040]  }
0x1dc: {  	v6 =	vld [tilespmem:s14+$0x1050]  }
0x1dd: {  	v7 =	vld [tilespmem:s14+$0x1060]  }
0x1de: {  	v0 =	vld.idx.msk [tilespmem:v0+s2+$0x0], $0xffff  }
0x1df: {  	v1 =	vld.idx.msk [tilespmem:v1+s2+$0x0], $0xffff  }
0x1e0: {  	v2 =	vld.idx.msk [tilespmem:v2+s2+$0x0], $0xffff  }
0x1e1: {  	v3 =	vld.idx.msk [tilespmem:v3+s2+$0x0], $0xffff  }
0x1e2: {  	v4 =	vld.idx.msk [tilespmem:v4+s2+$0x0], $0xffff  }
0x1e3: {  	v5 =	vld.idx.msk [tilespmem:v5+s2+$0x0], $0xffff  }
0x1e4: {  	s13 =	sadd.s32 $0x100, s12;
	v6 =	vld.idx.msk [tilespmem:v6+s2+$0x0], $0xffff  }
0x1e5: {  	v7 =	vld.idx.msk [tilespmem:v7+s2+$0x0], $0xffff;
	[tilespmem:s13+$0xFFFFFF90] =	vst v0  }
0x1e6: {  	[tilespmem:s13+$0x0] =	vst v1  }
0x1e7: {  	[tilespmem:s13+$0xFFFFFFA0] =	vst v2  }
0x1e8: {  	[tilespmem:s13+$0xFFFFFFB0] =	vst v3  }
0x1e9: {  	[tilespmem:s13+$0xFFFFFFC0] =	vst v4  }
0x1ea: {  	[tilespmem:s13+$0xFFFFFFD0] =	vst v5  }
0x1eb: {  	s12 =	simm.s32 $0x1C780;
	[tilespmem:s13+$0xFFFFFFE0] =	vst v6  }
0x1ec: {  	s15 =	sadd.s32 $0x0, s22;
	s14 =	simm.s32 $0x1C880;
	[tilespmem:s13+$0xFFFFFFF0] =	vst v7;
	s13 =	simm.s32 $0x80  }
.LBB2_24:
0x1ed: {  	[hbm4b:s15+s1] =	stream.linear.scatter [tilespmem:s12], [sflag:$0x3], $0x80, $0x38;
	[tilespmem:$0x1E700] =	vst v63  }
0x1ee: {  	s15 =	smov.u32 s13;
	s12 =	smov.u32 s14;
	p0 =	sne.s32 s13, $0xF80  }
.Ltmp11:
0x1ef: {  	s13 =	sadd.s32 $0x80, s13;
	(pc) =	sbr.rel @p0 .LBB2_24-.Ltmp11, $2  }
0x1f0: {  	_ =	sdelay $0x2  }
0x1f1: {  	s14 =	sadd.s32 $0x100, s14;
	s15 =	sadd.s32 s15, s22  }
0x1f2: {  	[hbm4b:s15+s1] =	stream.linear.scatter [tilespmem:s12], [sflag:$0x3], $0x80, $0x38;
	[tilespmem:$0x1E700] =	vst v63  }
0x1f3: {  	_ =	swait.ge [sflag:s10], $0x1000  }
0x1f4: {  	[sflag:s10] =	ssyncset.done $0x0  }
0x1f5: {  	s15 =	simm.s32 $0x0;
	[sflag:s10] =	ssyncadd.s32 $0xFFFFF000  }
0x1f6: {  	v0 =	vld [tilespmem:s15+$0x2000]  }
0x1f7: {  	v1 =	vld [tilespmem:s15+$0x2070]  }
0x1f8: {  	v2 =	vld [tilespmem:s15+$0x2010]  }
0x1f9: {  	v3 =	vld [tilespmem:s15+$0x2020]  }
0x1fa: {  	v4 =	vld [tilespmem:s15+$0x2030]  }
0x1fb: {  	v5 =	vld [tilespmem:s15+$0x2040]  }
0x1fc: {  	v6 =	vld [tilespmem:s15+$0x2050]  }
0x1fd: {  	v7 =	vld [tilespmem:s15+$0x2060]  }
0x1fe: {  	v0 =	vld.idx.msk [tilespmem:v0+s2+$0x0], $0xffff  }
0x1ff: {  	v1 =	vld.idx.msk [tilespmem:v1+s2+$0x0], $0xffff  }
0x200: {  	v2 =	vld.idx.msk [tilespmem:v2+s2+$0x0], $0xffff  }
0x201: {  	v3 =	vld.idx.msk [tilespmem:v3+s2+$0x0], $0xffff  }
0x202: {  	v4 =	vld.idx.msk [tilespmem:v4+s2+$0x0], $0xffff  }
0x203: {  	v5 =	vld.idx.msk [tilespmem:v5+s2+$0x0], $0xffff  }
0x204: {  	s12 =	simm.s32 $0x1C740;
	v6 =	vld.idx.msk [tilespmem:v6+s2+$0x0], $0xffff  }
0x205: {  	v7 =	vld.idx.msk [tilespmem:v7+s2+$0x0], $0xffff;
	[tilespmem:s12+$0x30] =	vst v1  }
0x206: {  	[tilespmem:s12+$0xFFFFFFC0] =	vst v0  }
0x207: {  	[tilespmem:s12+$0xFFFFFFD0] =	vst v2  }
0x208: {  	[tilespmem:s12+$0xFFFFFFE0] =	vst v3  }
0x209: {  	[tilespmem:s12+$0xFFFFFFF0] =	vst v4  }
0x20a: {  	[tilespmem:s12+$0x0] =	vst v5  }
0x20b: {  	[tilespmem:s12+$0x10] =	vst v6  }
0x20c: {  	s14 =	simm.s32 $0x80;
	[tilespmem:s12+$0x20] =	vst v7  }
0x20d: {  	s13 =	simm.s32 $0x400;
	v0 =	vld [tilespmem:s14+$0x2000]  }
.LBB2_26:
0x20e: {  	p0 =	sne.s32 s13, $0x3E00;
	v1 =	vld [tilespmem:s14+$0x2070]  }
0x20f: {  	v2 =	vld [tilespmem:s14+$0x2010]  }
0x210: {  	v3 =	vld [tilespmem:s14+$0x2020]  }
0x211: {  	v4 =	vld [tilespmem:s14+$0x2030]  }
0x212: {  	v5 =	vld [tilespmem:s14+$0x2040]  }
0x213: {  	v6 =	vld [tilespmem:s14+$0x2050]  }
0x214: {  	v7 =	vld [tilespmem:s14+$0x2060]  }
0x215: {  	v0 =	vld.idx.msk [tilespmem:v0+s2+$0x0], $0xffff  }
0x216: {  	v1 =	vld.idx.msk [tilespmem:v1+s2+$0x0], $0xffff  }
0x217: {  	v2 =	vld.idx.msk [tilespmem:v2+s2+$0x0], $0xffff  }
0x218: {  	v3 =	vld.idx.msk [tilespmem:v3+s2+$0x0], $0xffff  }
0x219: {  	v4 =	vld.idx.msk [tilespmem:v4+s2+$0x0], $0xffff  }
0x21a: {  	v5 =	vld.idx.msk [tilespmem:v5+s2+$0x0], $0xffff  }
0x21b: {  	s12 =	sadd.s32 $0x100, s12;
	v6 =	vld.idx.msk [tilespmem:v6+s2+$0x0], $0xffff  }
0x21c: {  	v7 =	vld.idx.msk [tilespmem:v7+s2+$0x0], $0xffff;
	[tilespmem:s12+$0x30] =	vst v1  }
0x21d: {  	[tilespmem:s12+$0xFFFFFFC0] =	vst v0  }
0x21e: {  	[tilespmem:s12+$0xFFFFFFD0] =	vst v2  }
0x21f: {  	[tilespmem:s12+$0xFFFFFFE0] =	vst v3  }
.Ltmp12:
0x220: {  	[tilespmem:s12+$0xFFFFFFF0] =	vst v4;
	(pc) =	sbr.rel @p0 .LBB2_26-.Ltmp12, $4  }
0x221: {  	[tilespmem:s12+$0x0] =	vst v5  }
0x222: {  	[tilespmem:s12+$0x10] =	vst v6  }
0x223: {  	s14 =	sshra.s32 s13, $0x2;
	[tilespmem:s12+$0x20] =	vst v7  }
0x224: {  	s13 =	sadd.s32 $0x200, s13;
	v0 =	vld [tilespmem:s14+$0x2000]  }
0x225: {  	_ = 	snop  }
0x226: {  	v1 =	vld [tilespmem:s14+$0x2070]  }
0x227: {  	v2 =	vld [tilespmem:s14+$0x2010]  }
0x228: {  	v3 =	vld [tilespmem:s14+$0x2020]  }
0x229: {  	v4 =	vld [tilespmem:s14+$0x2030]  }
0x22a: {  	v5 =	vld [tilespmem:s14+$0x2040]  }
0x22b: {  	v6 =	vld [tilespmem:s14+$0x2050]  }
0x22c: {  	v7 =	vld [tilespmem:s14+$0x2060]  }
0x22d: {  	v0 =	vld.idx.msk [tilespmem:v0+s2+$0x0], $0xffff  }
0x22e: {  	v1 =	vld.idx.msk [tilespmem:v1+s2+$0x0], $0xffff  }
0x22f: {  	v2 =	vld.idx.msk [tilespmem:v2+s2+$0x0], $0xffff  }
0x230: {  	v3 =	vld.idx.msk [tilespmem:v3+s2+$0x0], $0xffff  }
0x231: {  	v4 =	vld.idx.msk [tilespmem:v4+s2+$0x0], $0xffff  }
0x232: {  	v5 =	vld.idx.msk [tilespmem:v5+s2+$0x0], $0xffff  }
0x233: {  	s13 =	sadd.s32 $0x100, s12;
	v6 =	vld.idx.msk [tilespmem:v6+s2+$0x0], $0xffff  }
0x234: {  	v7 =	vld.idx.msk [tilespmem:v7+s2+$0x0], $0xffff;
	[tilespmem:s13+$0xFFFFFFC0] =	vst v0  }
0x235: {  	[tilespmem:s13+$0x30] =	vst v1  }
0x236: {  	[tilespmem:s13+$0xFFFFFFD0] =	vst v2  }
0x237: {  	[tilespmem:s13+$0xFFFFFFE0] =	vst v3  }
0x238: {  	[tilespmem:s13+$0xFFFFFFF0] =	vst v4  }
0x239: {  	[tilespmem:s13+$0x0] =	vst v5  }
0x23a: {  	s12 =	simm.s32 $0x1C700;
	[tilespmem:s13+$0x10] =	vst v6  }
0x23b: {  	s15 =	sadd.s32 $0x0, s24;
	s14 =	simm.s32 $0x1C800;
	[tilespmem:s13+$0x20] =	vst v7;
	s13 =	simm.s32 $0x80  }
.LBB2_28:
0x23c: {  	[hbm4b:s15+s1] =	stream.linear.scatter [tilespmem:s12], [sflag:$0x3], $0x80, $0x38;
	[tilespmem:$0x1E700] =	vst v63  }
0x23d: {  	s15 =	smov.u32 s13;
	s12 =	smov.u32 s14;
	p0 =	sne.s32 s13, $0xF80  }
.Ltmp13:
0x23e: {  	s13 =	sadd.s32 $0x80, s13;
	(pc) =	sbr.rel @p0 .LBB2_28-.Ltmp13, $2  }
0x23f: {  	_ =	sdelay $0x2  }
0x240: {  	s14 =	sadd.s32 $0x100, s14;
	s15 =	sadd.s32 s15, s24  }
0x241: {  	[hbm4b:s15+s1] =	stream.linear.scatter [tilespmem:s12], [sflag:$0x3], $0x80, $0x38;
	[tilespmem:$0x1E700] =	vst v63  }
0x242: {  	_ =	swait.ge [sflag:s10], $0x1000  }
0x243: {  	[sflag:s10] =	ssyncset.done $0x0  }
0x244: {  	s15 =	simm.s32 $0x0;
	[sflag:s10] =	ssyncadd.s32 $0xFFFFF000  }
0x245: {  	v0 =	vld [tilespmem:s15+$0x3000]  }
0x246: {  	v1 =	vld [tilespmem:s15+$0x3070]  }
0x247: {  	v2 =	vld [tilespmem:s15+$0x3010]  }
0x248: {  	v3 =	vld [tilespmem:s15+$0x3020]  }
0x249: {  	v4 =	vld [tilespmem:s15+$0x3030]  }
0x24a: {  	v5 =	vld [tilespmem:s15+$0x3040]  }
0x24b: {  	v6 =	vld [tilespmem:s15+$0x3050]  }
0x24c: {  	v7 =	vld [tilespmem:s15+$0x3060]  }
0x24d: {  	v0 =	vld.idx.msk [tilespmem:v0+s2+$0x0], $0xffff  }
0x24e: {  	v1 =	vld.idx.msk [tilespmem:v1+s2+$0x0], $0xffff  }
0x24f: {  	v2 =	vld.idx.msk [tilespmem:v2+s2+$0x0], $0xffff  }
0x250: {  	v3 =	vld.idx.msk [tilespmem:v3+s2+$0x0], $0xffff  }
0x251: {  	v4 =	vld.idx.msk [tilespmem:v4+s2+$0x0], $0xffff  }
0x252: {  	v5 =	vld.idx.msk [tilespmem:v5+s2+$0x0], $0xffff  }
0x253: {  	s12 =	simm.s32 $0x1C7F0;
	v6 =	vld.idx.msk [tilespmem:v6+s2+$0x0], $0xffff  }
0x254: {  	v7 =	vld.idx.msk [tilespmem:v7+s2+$0x0], $0xffff;
	[tilespmem:s12+$0x0] =	vst v1  }
0x255: {  	[tilespmem:s12+$0xFFFFFF90] =	vst v0  }
0x256: {  	[tilespmem:s12+$0xFFFFFFA0] =	vst v2  }
0x257: {  	[tilespmem:s12+$0xFFFFFFB0] =	vst v3  }
0x258: {  	[tilespmem:s12+$0xFFFFFFC0] =	vst v4  }
0x259: {  	[tilespmem:s12+$0xFFFFFFD0] =	vst v5  }
0x25a: {  	[tilespmem:s12+$0xFFFFFFE0] =	vst v6  }
0x25b: {  	s14 =	simm.s32 $0x80;
	[tilespmem:s12+$0xFFFFFFF0] =	vst v7  }
0x25c: {  	s13 =	simm.s32 $0x400;
	v0 =	vld [tilespmem:s14+$0x3000]  }
.LBB2_30:
0x25d: {  	p0 =	sne.s32 s13, $0x3E00;
	v1 =	vld [tilespmem:s14+$0x3070]  }
0x25e: {  	v2 =	vld [tilespmem:s14+$0x3010]  }
0x25f: {  	v3 =	vld [tilespmem:s14+$0x3020]  }
0x260: {  	v4 =	vld [tilespmem:s14+$0x3030]  }
0x261: {  	v5 =	vld [tilespmem:s14+$0x3040]  }
0x262: {  	v6 =	vld [tilespmem:s14+$0x3050]  }
0x263: {  	v7 =	vld [tilespmem:s14+$0x3060]  }
0x264: {  	v0 =	vld.idx.msk [tilespmem:v0+s2+$0x0], $0xffff  }
0x265: {  	v1 =	vld.idx.msk [tilespmem:v1+s2+$0x0], $0xffff  }
0x266: {  	v2 =	vld.idx.msk [tilespmem:v2+s2+$0x0], $0xffff  }
0x267: {  	v3 =	vld.idx.msk [tilespmem:v3+s2+$0x0], $0xffff  }
0x268: {  	v4 =	vld.idx.msk [tilespmem:v4+s2+$0x0], $0xffff  }
0x269: {  	v5 =	vld.idx.msk [tilespmem:v5+s2+$0x0], $0xffff  }
0x26a: {  	s12 =	sadd.s32 $0x100, s12;
	v6 =	vld.idx.msk [tilespmem:v6+s2+$0x0], $0xffff  }
0x26b: {  	v7 =	vld.idx.msk [tilespmem:v7+s2+$0x0], $0xffff;
	[tilespmem:s12+$0x0] =	vst v1  }
0x26c: {  	[tilespmem:s12+$0xFFFFFF90] =	vst v0  }
0x26d: {  	[tilespmem:s12+$0xFFFFFFA0] =	vst v2  }
0x26e: {  	[tilespmem:s12+$0xFFFFFFB0] =	vst v3  }
.Ltmp14:
0x26f: {  	[tilespmem:s12+$0xFFFFFFC0] =	vst v4;
	(pc) =	sbr.rel @p0 .LBB2_30-.Ltmp14, $4  }
0x270: {  	[tilespmem:s12+$0xFFFFFFD0] =	vst v5  }
0x271: {  	[tilespmem:s12+$0xFFFFFFE0] =	vst v6  }
0x272: {  	s14 =	sshra.s32 s13, $0x2;
	[tilespmem:s12+$0xFFFFFFF0] =	vst v7  }
0x273: {  	s13 =	sadd.s32 $0x200, s13;
	v0 =	vld [tilespmem:s14+$0x3000]  }
0x274: {  	_ = 	snop  }
0x275: {  	v1 =	vld [tilespmem:s14+$0x3070]  }
0x276: {  	v2 =	vld [tilespmem:s14+$0x3010]  }
0x277: {  	v3 =	vld [tilespmem:s14+$0x3020]  }
0x278: {  	v4 =	vld [tilespmem:s14+$0x3030]  }
0x279: {  	v5 =	vld [tilespmem:s14+$0x3040]  }
0x27a: {  	v6 =	vld [tilespmem:s14+$0x3050]  }
0x27b: {  	v7 =	vld [tilespmem:s14+$0x3060]  }
0x27c: {  	v0 =	vld.idx.msk [tilespmem:v0+s2+$0x0], $0xffff  }
0x27d: {  	v1 =	vld.idx.msk [tilespmem:v1+s2+$0x0], $0xffff  }
0x27e: {  	v2 =	vld.idx.msk [tilespmem:v2+s2+$0x0], $0xffff  }
0x27f: {  	v3 =	vld.idx.msk [tilespmem:v3+s2+$0x0], $0xffff  }
0x280: {  	v4 =	vld.idx.msk [tilespmem:v4+s2+$0x0], $0xffff  }
0x281: {  	v5 =	vld.idx.msk [tilespmem:v5+s2+$0x0], $0xffff  }
0x282: {  	s13 =	sadd.s32 $0x100, s12;
	v6 =	vld.idx.msk [tilespmem:v6+s2+$0x0], $0xffff  }
0x283: {  	v7 =	vld.idx.msk [tilespmem:v7+s2+$0x0], $0xffff;
	[tilespmem:s13+$0xFFFFFF90] =	vst v0  }
0x284: {  	[tilespmem:s13+$0x0] =	vst v1  }
0x285: {  	[tilespmem:s13+$0xFFFFFFA0] =	vst v2  }
0x286: {  	[tilespmem:s13+$0xFFFFFFB0] =	vst v3  }
0x287: {  	[tilespmem:s13+$0xFFFFFFC0] =	vst v4  }
0x288: {  	[tilespmem:s13+$0xFFFFFFD0] =	vst v5  }
0x289: {  	s12 =	simm.s32 $0x1C780;
	[tilespmem:s13+$0xFFFFFFE0] =	vst v6  }
0x28a: {  	s15 =	sadd.s32 $0x0, s25;
	s14 =	simm.s32 $0x1C880;
	[tilespmem:s13+$0xFFFFFFF0] =	vst v7;
	s13 =	simm.s32 $0x80  }
.LBB2_32:
0x28b: {  	[hbm4b:s15+s1] =	stream.linear.scatter [tilespmem:s12], [sflag:$0x3], $0x80, $0x38;
	[tilespmem:$0x1E700] =	vst v63  }
0x28c: {  	s15 =	smov.u32 s13;
	s12 =	smov.u32 s14;
	p0 =	sne.s32 s13, $0xF80  }
.Ltmp15:
0x28d: {  	s13 =	sadd.s32 $0x80, s13;
	(pc) =	sbr.rel @p0 .LBB2_32-.Ltmp15, $2  }
0x28e: {  	_ =	sdelay $0x2  }
0x28f: {  	s14 =	sadd.s32 $0x100, s14;
	s15 =	sadd.s32 s15, s25  }
0x290: {  	[hbm4b:s15+s1] =	stream.linear.scatter [tilespmem:s12], [sflag:$0x3], $0x80, $0x38;
	[tilespmem:$0x1E700] =	vst v63  }
0x291: {  	s15 =	rddreg [dreg:$0xe]  }
0x292: {  	[tilespmem:s2], [sflag:$0x1] =	stream.strided.gather [hbm4b:s15+s0], $0x6200, s26, s0, $0x38;
	[tilespmem:$0x1E700] =	vst v63  }
0x293: {  	s13 =	rddreg [dreg:$0xf]  }
0x294: {  	[tilespmem:s3], [sflag:$0x1] =	stream.strided.gather [hbm4b:s13+s0], $0x6200, s26, s0, $0x38;
	[tilespmem:$0x1E700] =	vst v63  }
0x295: {  	s14 =	rddreg [dreg:$0x10]  }
0x296: {  	[tilespmem:s4], [sflag:$0x1] =	stream.strided.gather [hbm4b:s14+s0], $0x6200, s26, s0, $0x38;
	[tilespmem:$0x1E700] =	vst v63  }
0x297: {  	s15 =	rddreg [dreg:$0x11]  }
0x298: {  	[tilespmem:s5], [sflag:$0x1] =	stream.strided.gather [hbm4b:s15+s0], $0x6080, s26, s0, $0x38;
	[tilespmem:$0x1E700] =	vst v63  }
0x299: {  	s12 =	simm.s32 $0x0  }
0x29a: {  	[tilespmem:s6], [sflag:$0x1] =	stream.linear.gather [hbm4b:s17+s12], $0x80, $0x38;
	[tilespmem:$0x1E700] =	vst v63  }
0x29b: {  	_ =	swait.ge [sflag:s10], $0x1000  }
0x29c: {  	[sflag:s10] =	ssyncset.done $0x0  }
0x29d: {  	[sflag:s10] =	ssyncadd.s32 $0xFFFFF000  }
0x29e: {  	_ =	swait.ge [sflag:s10], $0x1000  }
0x29f: {  	[sflag:s10] =	ssyncset.done $0x0  }
0x2a0: {  	[sflag:s10] =	ssyncadd.s32 $0xFFFFF000  }
0x2a1: {  	_ =	swait.ge [sflag:s9], $0x18700  }
0x2a2: {  	[sflag:s9] =	ssyncset.done $0x0  }
0x2a3: {  	s13 =	simm.s32 $0x40;
	[sflag:s9] =	ssyncadd.s32 $0xFFFE7900  }
0x2a4: {  	v0 =	vld [tilespmem:s13+$0xFFFFFFC0]  }
0x2a5: {  	s14 =	simm.s32 $0x400;
	v1 =	vld [tilespmem:s13+$0x30]  }
.LBB2_34:
0x2a6: {  	p0 =	sne.s32 s14, $0x7C00;
	v2 =	vld [tilespmem:s13+$0xFFFFFFD0]  }
0x2a7: {  	v3 =	vld [tilespmem:s13+$0xFFFFFFE0]  }
0x2a8: {  	v4 =	vld [tilespmem:s13+$0xFFFFFFF0]  }
0x2a9: {  	v5 =	vld [tilespmem:s13+$0x0]  }
0x2aa: {  	v6 =	vld [tilespmem:s13+$0x10]  }
0x2ab: {  	v7 =	vld [tilespmem:s13+$0x20]  }
0x2ac: {  	v0 =	vld.idx.msk [tilespmem:v0+s2+$0x0], $0xffff  }
0x2ad: {  	v1 =	vld.idx.msk [tilespmem:v1+s2+$0x0], $0xffff  }
0x2ae: {  	v2 =	vld.idx.msk [tilespmem:v2+s2+$0x0], $0xffff  }
0x2af: {  	v3 =	vld.idx.msk [tilespmem:v3+s2+$0x0], $0xffff  }
0x2b0: {  	v4 =	vld.idx.msk [tilespmem:v4+s2+$0x0], $0xffff  }
0x2b1: {  	v5 =	vld.idx.msk [tilespmem:v5+s2+$0x0], $0xffff  }
0x2b2: {  	s15 =	sshra.s32 s12, $0x2;
	s12 =	smov.u32 s14;
	v6 =	vld.idx.msk [tilespmem:v6+s2+$0x0], $0xffff  }
0x2b3: {  	v7 =	vld.idx.msk [tilespmem:v7+s2+$0x0], $0xffff;
	[tilespmem:s15+$0x1C770] =	vst v1  }
0x2b4: {  	[tilespmem:s15+$0x1C700] =	vst v0  }
0x2b5: {  	[tilespmem:s15+$0x1C710] =	vst v2  }
0x2b6: {  	[tilespmem:s15+$0x1C720] =	vst v3  }
0x2b7: {  	[tilespmem:s15+$0x1C730] =	vst v4  }
.Ltmp16:
0x2b8: {  	[tilespmem:s15+$0x1C740] =	vst v5;
	(pc) =	sbr.rel @p0 .LBB2_34-.Ltmp16, $4  }
0x2b9: {  	[tilespmem:s15+$0x1C750] =	vst v6  }
0x2ba: {  	s13 =	sadd.s32 $0x80, s13;
	[tilespmem:s15+$0x1C760] =	vst v7  }
0x2bb: {  	v0 =	vld [tilespmem:s13+$0xFFFFFFC0]  }
0x2bc: {  	s14 =	sadd.s32 $0x400, s14;
	v1 =	vld [tilespmem:s13+$0x30]  }
0x2bd: {  	_ = 	snop  }
0x2be: {  	v2 =	vld [tilespmem:s13+$0xFFFFFFD0]  }
0x2bf: {  	v3 =	vld [tilespmem:s13+$0xFFFFFFE0]  }
0x2c0: {  	v4 =	vld [tilespmem:s13+$0xFFFFFFF0]  }
0x2c1: {  	v5 =	vld [tilespmem:s13+$0x0]  }
0x2c2: {  	v6 =	vld [tilespmem:s13+$0x10]  }
0x2c3: {  	v7 =	vld [tilespmem:s13+$0x20]  }
0x2c4: {  	v0 =	vld.idx.msk [tilespmem:v0+s2+$0x0], $0xffff  }
0x2c5: {  	v1 =	vld.idx.msk [tilespmem:v1+s2+$0x0], $0xffff  }
0x2c6: {  	v2 =	vld.idx.msk [tilespmem:v2+s2+$0x0], $0xffff  }
0x2c7: {  	v3 =	vld.idx.msk [tilespmem:v3+s2+$0x0], $0xffff  }
0x2c8: {  	v4 =	vld.idx.msk [tilespmem:v4+s2+$0x0], $0xffff  }
0x2c9: {  	v5 =	vld.idx.msk [tilespmem:v5+s2+$0x0], $0xffff  }
0x2ca: {  	s12 =	sshra.s32 s12, $0x2;
	v6 =	vld.idx.msk [tilespmem:v6+s2+$0x0], $0xffff  }
0x2cb: {  	v7 =	vld.idx.msk [tilespmem:v7+s2+$0x0], $0xffff;
	[tilespmem:s12+$0x1C700] =	vst v0  }
0x2cc: {  	[tilespmem:s12+$0x1C770] =	vst v1  }
0x2cd: {  	[tilespmem:s12+$0x1C710] =	vst v2  }
0x2ce: {  	[tilespmem:s12+$0x1C720] =	vst v3  }
0x2cf: {  	[tilespmem:s12+$0x1C730] =	vst v4  }
0x2d0: {  	[tilespmem:s12+$0x1C740] =	vst v5  }
0x2d1: {  	[tilespmem:s12+$0x1C750] =	vst v6  }
0x2d2: {  	s13 =	simm.s32 $0x1C700;
	s14 =	simm.s32 $0x0;
	[tilespmem:s12+$0x1C760] =	vst v7;
	s12 =	simm.s32 $0x0  }
.LBB2_36:
0x2d3: {  	p0 =	sne.s32 s14, $0xF80  }
.Ltmp17:
0x2d4: {  	_ = 	snop;
	(pc) =	sbr.rel @p0 .LBB2_36-.Ltmp17, $4  }
0x2d5: {  	_ = 	snop  }
0x2d6: {  	s15 =	sadd.s32 s14, s28  }
0x2d7: {  	[hbm4b:s15+s12] =	stream.linear.scatter [tilespmem:s13], [sflag:$0x3], $0x80, $0x38;
	[tilespmem:$0x1E700] =	vst v63  }
0x2d8: {  	s14 =	sadd.s32 $0x80, s14;
	s13 =	sadd.s32 $0x100, s13  }
0x2d9: {  	s12 =	simm.s32 $0x0  }
0x2da: {  	v0 =	vld [tilespmem:s12+$0x1000]  }
0x2db: {  	v1 =	vld [tilespmem:s12+$0x1070]  }
0x2dc: {  	v2 =	vld [tilespmem:s12+$0x1010]  }
0x2dd: {  	v3 =	vld [tilespmem:s12+$0x1020]  }
0x2de: {  	v4 =	vld [tilespmem:s12+$0x1030]  }
0x2df: {  	v5 =	vld [tilespmem:s12+$0x1040]  }
0x2e0: {  	v6 =	vld [tilespmem:s12+$0x1050]  }
0x2e1: {  	v7 =	vld [tilespmem:s12+$0x1060]  }
0x2e2: {  	v0 =	vld.idx.msk [tilespmem:v0+s2+$0x0], $0xffff  }
0x2e3: {  	v1 =	vld.idx.msk [tilespmem:v1+s2+$0x0], $0xffff  }
0x2e4: {  	v2 =	vld.idx.msk [tilespmem:v2+s2+$0x0], $0xffff  }
0x2e5: {  	v3 =	vld.idx.msk [tilespmem:v3+s2+$0x0], $0xffff  }
0x2e6: {  	v4 =	vld.idx.msk [tilespmem:v4+s2+$0x0], $0xffff  }
0x2e7: {  	v5 =	vld.idx.msk [tilespmem:v5+s2+$0x0], $0xffff  }
0x2e8: {  	s12 =	simm.s32 $0x1C7F0;
	v6 =	vld.idx.msk [tilespmem:v6+s2+$0x0], $0xffff  }
0x2e9: {  	v7 =	vld.idx.msk [tilespmem:v7+s2+$0x0], $0xffff;
	[tilespmem:s12+$0x0] =	vst v1  }
0x2ea: {  	[tilespmem:s12+$0xFFFFFF90] =	vst v0  }
0x2eb: {  	[tilespmem:s12+$0xFFFFFFA0] =	vst v2  }
0x2ec: {  	[tilespmem:s12+$0xFFFFFFB0] =	vst v3  }
0x2ed: {  	[tilespmem:s12+$0xFFFFFFC0] =	vst v4  }
0x2ee: {  	[tilespmem:s12+$0xFFFFFFD0] =	vst v5  }
0x2ef: {  	[tilespmem:s12+$0xFFFFFFE0] =	vst v6  }
0x2f0: {  	s14 =	simm.s32 $0x80;
	[tilespmem:s12+$0xFFFFFFF0] =	vst v7  }
0x2f1: {  	s13 =	simm.s32 $0x400;
	v0 =	vld [tilespmem:s14+$0x1000]  }
.LBB2_38:
0x2f2: {  	p0 =	sne.s32 s13, $0x3E00;
	v1 =	vld [tilespmem:s14+$0x1070]  }
0x2f3: {  	v2 =	vld [tilespmem:s14+$0x1010]  }
0x2f4: {  	v3 =	vld [tilespmem:s14+$0x1020]  }
0x2f5: {  	v4 =	vld [tilespmem:s14+$0x1030]  }
0x2f6: {  	v5 =	vld [tilespmem:s14+$0x1040]  }
0x2f7: {  	v6 =	vld [tilespmem:s14+$0x1050]  }
0x2f8: {  	v7 =	vld [tilespmem:s14+$0x1060]  }
0x2f9: {  	v0 =	vld.idx.msk [tilespmem:v0+s2+$0x0], $0xffff  }
0x2fa: {  	v1 =	vld.idx.msk [tilespmem:v1+s2+$0x0], $0xffff  }
0x2fb: {  	v2 =	vld.idx.msk [tilespmem:v2+s2+$0x0], $0xffff  }
0x2fc: {  	v3 =	vld.idx.msk [tilespmem:v3+s2+$0x0], $0xffff  }
0x2fd: {  	v4 =	vld.idx.msk [tilespmem:v4+s2+$0x0], $0xffff  }
0x2fe: {  	v5 =	vld.idx.msk [tilespmem:v5+s2+$0x0], $0xffff  }
0x2ff: {  	s12 =	sadd.s32 $0x100, s12;
	v6 =	vld.idx.msk [tilespmem:v6+s2+$0x0], $0xffff  }
0x300: {  	v7 =	vld.idx.msk [tilespmem:v7+s2+$0x0], $0xffff;
	[tilespmem:s12+$0x0] =	vst v1  }
0x301: {  	[tilespmem:s12+$0xFFFFFF90] =	vst v0  }
0x302: {  	[tilespmem:s12+$0xFFFFFFA0] =	vst v2  }
0x303: {  	[tilespmem:s12+$0xFFFFFFB0] =	vst v3  }
.Ltmp18:
0x304: {  	[tilespmem:s12+$0xFFFFFFC0] =	vst v4;
	(pc) =	sbr.rel @p0 .LBB2_38-.Ltmp18, $4  }
0x305: {  	[tilespmem:s12+$0xFFFFFFD0] =	vst v5  }
0x306: {  	[tilespmem:s12+$0xFFFFFFE0] =	vst v6  }
0x307: {  	s14 =	sshra.s32 s13, $0x2;
	[tilespmem:s12+$0xFFFFFFF0] =	vst v7  }
0x308: {  	s13 =	sadd.s32 $0x200, s13;
	v0 =	vld [tilespmem:s14+$0x1000]  }
0x309: {  	_ = 	snop  }
0x30a: {  	v1 =	vld [tilespmem:s14+$0x1070]  }
0x30b: {  	v2 =	vld [tilespmem:s14+$0x1010]  }
0x30c: {  	v3 =	vld [tilespmem:s14+$0x1020]  }
0x30d: {  	v4 =	vld [tilespmem:s14+$0x1030]  }
0x30e: {  	v5 =	vld [tilespmem:s14+$0x1040]  }
0x30f: {  	v6 =	vld [tilespmem:s14+$0x1050]  }
0x310: {  	v7 =	vld [tilespmem:s14+$0x1060]  }
0x311: {  	v0 =	vld.idx.msk [tilespmem:v0+s2+$0x0], $0xffff  }
0x312: {  	v1 =	vld.idx.msk [tilespmem:v1+s2+$0x0], $0xffff  }
0x313: {  	v2 =	vld.idx.msk [tilespmem:v2+s2+$0x0], $0xffff  }
0x314: {  	v3 =	vld.idx.msk [tilespmem:v3+s2+$0x0], $0xffff  }
0x315: {  	v4 =	vld.idx.msk [tilespmem:v4+s2+$0x0], $0xffff  }
0x316: {  	v5 =	vld.idx.msk [tilespmem:v5+s2+$0x0], $0xffff  }
0x317: {  	s13 =	sadd.s32 $0x100, s12;
	v6 =	vld.idx.msk [tilespmem:v6+s2+$0x0], $0xffff  }
0x318: {  	v7 =	vld.idx.msk [tilespmem:v7+s2+$0x0], $0xffff;
	[tilespmem:s13+$0xFFFFFF90] =	vst v0  }
0x319: {  	[tilespmem:s13+$0x0] =	vst v1  }
0x31a: {  	[tilespmem:s13+$0xFFFFFFA0] =	vst v2  }
0x31b: {  	[tilespmem:s13+$0xFFFFFFB0] =	vst v3  }
0x31c: {  	[tilespmem:s13+$0xFFFFFFC0] =	vst v4  }
0x31d: {  	[tilespmem:s13+$0xFFFFFFD0] =	vst v5  }
0x31e: {  	s12 =	simm.s32 $0x1C780;
	[tilespmem:s13+$0xFFFFFFE0] =	vst v6  }
0x31f: {  	s15 =	sadd.s32 $0x0, s29;
	s14 =	simm.s32 $0x1C880;
	[tilespmem:s13+$0xFFFFFFF0] =	vst v7;
	s13 =	simm.s32 $0x80  }
.LBB2_40:
0x320: {  	[hbm4b:s15+s1] =	stream.linear.scatter [tilespmem:s12], [sflag:$0x3], $0x80, $0x38;
	[tilespmem:$0x1E700] =	vst v63  }
0x321: {  	s15 =	smov.u32 s13;
	s12 =	smov.u32 s14;
	p0 =	sne.s32 s13, $0xF80  }
.Ltmp19:
0x322: {  	s13 =	sadd.s32 $0x80, s13;
	(pc) =	sbr.rel @p0 .LBB2_40-.Ltmp19, $2  }
0x323: {  	_ =	sdelay $0x2  }
0x324: {  	s14 =	sadd.s32 $0x100, s14;
	s15 =	sadd.s32 s15, s29  }
0x325: {  	[hbm4b:s15+s1] =	stream.linear.scatter [tilespmem:s12], [sflag:$0x3], $0x80, $0x38;
	[tilespmem:$0x1E700] =	vst v63  }
0x326: {  	_ =	swait.ge [sflag:s10], $0x1000  }
0x327: {  	[sflag:s10] =	ssyncset.done $0x0  }
0x328: {  	s15 =	simm.s32 $0x0;
	[sflag:s10] =	ssyncadd.s32 $0xFFFFF000  }
0x329: {  	v0 =	vld [tilespmem:s15+$0x2000]  }
0x32a: {  	v1 =	vld [tilespmem:s15+$0x2070]  }
0x32b: {  	v2 =	vld [tilespmem:s15+$0x2010]  }
0x32c: {  	v3 =	vld [tilespmem:s15+$0x2020]  }
0x32d: {  	v4 =	vld [tilespmem:s15+$0x2030]  }
0x32e: {  	v5 =	vld [tilespmem:s15+$0x2040]  }
0x32f: {  	v6 =	vld [tilespmem:s15+$0x2050]  }
0x330: {  	v7 =	vld [tilespmem:s15+$0x2060]  }
0x331: {  	v0 =	vld.idx.msk [tilespmem:v0+s2+$0x0], $0xffff  }
0x332: {  	v1 =	vld.idx.msk [tilespmem:v1+s2+$0x0], $0xffff  }
0x333: {  	v2 =	vld.idx.msk [tilespmem:v2+s2+$0x0], $0xffff  }
0x334: {  	v3 =	vld.idx.msk [tilespmem:v3+s2+$0x0], $0xffff  }
0x335: {  	v4 =	vld.idx.msk [tilespmem:v4+s2+$0x0], $0xffff  }
0x336: {  	v5 =	vld.idx.msk [tilespmem:v5+s2+$0x0], $0xffff  }
0x337: {  	s12 =	simm.s32 $0x1C740;
	v6 =	vld.idx.msk [tilespmem:v6+s2+$0x0], $0xffff  }
0x338: {  	v7 =	vld.idx.msk [tilespmem:v7+s2+$0x0], $0xffff;
	[tilespmem:s12+$0x30] =	vst v1  }
0x339: {  	[tilespmem:s12+$0xFFFFFFC0] =	vst v0  }
0x33a: {  	[tilespmem:s12+$0xFFFFFFD0] =	vst v2  }
0x33b: {  	[tilespmem:s12+$0xFFFFFFE0] =	vst v3  }
0x33c: {  	[tilespmem:s12+$0xFFFFFFF0] =	vst v4  }
0x33d: {  	[tilespmem:s12+$0x0] =	vst v5  }
0x33e: {  	[tilespmem:s12+$0x10] =	vst v6  }
0x33f: {  	s14 =	simm.s32 $0x80;
	[tilespmem:s12+$0x20] =	vst v7  }
0x340: {  	s13 =	simm.s32 $0x400;
	v0 =	vld [tilespmem:s14+$0x2000]  }
.LBB2_42:
0x341: {  	p0 =	sne.s32 s13, $0x3E00;
	v1 =	vld [tilespmem:s14+$0x2070]  }
0x342: {  	v2 =	vld [tilespmem:s14+$0x2010]  }
0x343: {  	v3 =	vld [tilespmem:s14+$0x2020]  }
0x344: {  	v4 =	vld [tilespmem:s14+$0x2030]  }
0x345: {  	v5 =	vld [tilespmem:s14+$0x2040]  }
0x346: {  	v6 =	vld [tilespmem:s14+$0x2050]  }
0x347: {  	v7 =	vld [tilespmem:s14+$0x2060]  }
0x348: {  	v0 =	vld.idx.msk [tilespmem:v0+s2+$0x0], $0xffff  }
0x349: {  	v1 =	vld.idx.msk [tilespmem:v1+s2+$0x0], $0xffff  }
0x34a: {  	v2 =	vld.idx.msk [tilespmem:v2+s2+$0x0], $0xffff  }
0x34b: {  	v3 =	vld.idx.msk [tilespmem:v3+s2+$0x0], $0xffff  }
0x34c: {  	v4 =	vld.idx.msk [tilespmem:v4+s2+$0x0], $0xffff  }
0x34d: {  	v5 =	vld.idx.msk [tilespmem:v5+s2+$0x0], $0xffff  }
0x34e: {  	s12 =	sadd.s32 $0x100, s12;
	v6 =	vld.idx.msk [tilespmem:v6+s2+$0x0], $0xffff  }
0x34f: {  	v7 =	vld.idx.msk [tilespmem:v7+s2+$0x0], $0xffff;
	[tilespmem:s12+$0x30] =	vst v1  }
0x350: {  	[tilespmem:s12+$0xFFFFFFC0] =	vst v0  }
0x351: {  	[tilespmem:s12+$0xFFFFFFD0] =	vst v2  }
0x352: {  	[tilespmem:s12+$0xFFFFFFE0] =	vst v3  }
.Ltmp20:
0x353: {  	[tilespmem:s12+$0xFFFFFFF0] =	vst v4;
	(pc) =	sbr.rel @p0 .LBB2_42-.Ltmp20, $4  }
0x354: {  	[tilespmem:s12+$0x0] =	vst v5  }
0x355: {  	[tilespmem:s12+$0x10] =	vst v6  }
0x356: {  	s14 =	sshra.s32 s13, $0x2;
	[tilespmem:s12+$0x20] =	vst v7  }
0x357: {  	s13 =	sadd.s32 $0x200, s13;
	v0 =	vld [tilespmem:s14+$0x2000]  }
0x358: {  	_ = 	snop  }
0x359: {  	v1 =	vld [tilespmem:s14+$0x2070]  }
0x35a: {  	v2 =	vld [tilespmem:s14+$0x2010]  }
0x35b: {  	v3 =	vld [tilespmem:s14+$0x2020]  }
0x35c: {  	v4 =	vld [tilespmem:s14+$0x2030]  }
0x35d: {  	v5 =	vld [tilespmem:s14+$0x2040]  }
0x35e: {  	v6 =	vld [tilespmem:s14+$0x2050]  }
0x35f: {  	v7 =	vld [tilespmem:s14+$0x2060]  }
0x360: {  	v0 =	vld.idx.msk [tilespmem:v0+s2+$0x0], $0xffff  }
0x361: {  	v1 =	vld.idx.msk [tilespmem:v1+s2+$0x0], $0xffff  }
0x362: {  	v2 =	vld.idx.msk [tilespmem:v2+s2+$0x0], $0xffff  }
0x363: {  	v3 =	vld.idx.msk [tilespmem:v3+s2+$0x0], $0xffff  }
0x364: {  	v4 =	vld.idx.msk [tilespmem:v4+s2+$0x0], $0xffff  }
0x365: {  	v5 =	vld.idx.msk [tilespmem:v5+s2+$0x0], $0xffff  }
0x366: {  	s13 =	sadd.s32 $0x100, s12;
	v6 =	vld.idx.msk [tilespmem:v6+s2+$0x0], $0xffff  }
0x367: {  	v7 =	vld.idx.msk [tilespmem:v7+s2+$0x0], $0xffff;
	[tilespmem:s13+$0xFFFFFFC0] =	vst v0  }
0x368: {  	[tilespmem:s13+$0x30] =	vst v1  }
0x369: {  	[tilespmem:s13+$0xFFFFFFD0] =	vst v2  }
0x36a: {  	[tilespmem:s13+$0xFFFFFFE0] =	vst v3  }
0x36b: {  	[tilespmem:s13+$0xFFFFFFF0] =	vst v4  }
0x36c: {  	[tilespmem:s13+$0x0] =	vst v5  }
0x36d: {  	s12 =	simm.s32 $0x1C700;
	[tilespmem:s13+$0x10] =	vst v6  }
0x36e: {  	s15 =	sadd.s32 $0x0, s30;
	s14 =	simm.s32 $0x1C800;
	[tilespmem:s13+$0x20] =	vst v7;
	s13 =	simm.s32 $0x80  }
.LBB2_44:
0x36f: {  	[hbm4b:s15+s1] =	stream.linear.scatter [tilespmem:s12], [sflag:$0x3], $0x80, $0x38;
	[tilespmem:$0x1E700] =	vst v63  }
0x370: {  	s15 =	smov.u32 s13;
	s12 =	smov.u32 s14;
	p0 =	sne.s32 s13, $0xF80  }
.Ltmp21:
0x371: {  	s13 =	sadd.s32 $0x80, s13;
	(pc) =	sbr.rel @p0 .LBB2_44-.Ltmp21, $2  }
0x372: {  	_ =	sdelay $0x2  }
0x373: {  	s14 =	sadd.s32 $0x100, s14;
	s15 =	sadd.s32 s15, s30  }
0x374: {  	[hbm4b:s15+s1] =	stream.linear.scatter [tilespmem:s12], [sflag:$0x3], $0x80, $0x38;
	[tilespmem:$0x1E700] =	vst v63  }
0x375: {  	_ =	swait.ge [sflag:s10], $0x1000  }
0x376: {  	[sflag:s10] =	ssyncset.done $0x0  }
0x377: {  	s15 =	simm.s32 $0x0;
	[sflag:s10] =	ssyncadd.s32 $0xFFFFF000  }
0x378: {  	v0 =	vld [tilespmem:s15+$0x3000]  }
0x379: {  	v1 =	vld [tilespmem:s15+$0x3070]  }
0x37a: {  	v2 =	vld [tilespmem:s15+$0x3010]  }
0x37b: {  	v3 =	vld [tilespmem:s15+$0x3020]  }
0x37c: {  	v4 =	vld [tilespmem:s15+$0x3030]  }
0x37d: {  	v5 =	vld [tilespmem:s15+$0x3040]  }
0x37e: {  	v6 =	vld [tilespmem:s15+$0x3050]  }
0x37f: {  	v7 =	vld [tilespmem:s15+$0x3060]  }
0x380: {  	v0 =	vld.idx.msk [tilespmem:v0+s2+$0x0], $0xffff  }
0x381: {  	v1 =	vld.idx.msk [tilespmem:v1+s2+$0x0], $0xffff  }
0x382: {  	v2 =	vld.idx.msk [tilespmem:v2+s2+$0x0], $0xffff  }
0x383: {  	v3 =	vld.idx.msk [tilespmem:v3+s2+$0x0], $0xffff  }
0x384: {  	v4 =	vld.idx.msk [tilespmem:v4+s2+$0x0], $0xffff  }
0x385: {  	v5 =	vld.idx.msk [tilespmem:v5+s2+$0x0], $0xffff  }
0x386: {  	s12 =	simm.s32 $0x1C7F0;
	v6 =	vld.idx.msk [tilespmem:v6+s2+$0x0], $0xffff  }
0x387: {  	v7 =	vld.idx.msk [tilespmem:v7+s2+$0x0], $0xffff;
	[tilespmem:s12+$0x0] =	vst v1  }
0x388: {  	[tilespmem:s12+$0xFFFFFF90] =	vst v0  }
0x389: {  	[tilespmem:s12+$0xFFFFFFA0] =	vst v2  }
0x38a: {  	[tilespmem:s12+$0xFFFFFFB0] =	vst v3  }
0x38b: {  	[tilespmem:s12+$0xFFFFFFC0] =	vst v4  }
0x38c: {  	[tilespmem:s12+$0xFFFFFFD0] =	vst v5  }
0x38d: {  	[tilespmem:s12+$0xFFFFFFE0] =	vst v6  }
0x38e: {  	s14 =	simm.s32 $0x80;
	[tilespmem:s12+$0xFFFFFFF0] =	vst v7  }
0x38f: {  	s13 =	simm.s32 $0x400;
	v0 =	vld [tilespmem:s14+$0x3000]  }
.LBB2_46:
0x390: {  	p0 =	sne.s32 s13, $0x3E00;
	v1 =	vld [tilespmem:s14+$0x3070]  }
0x391: {  	v2 =	vld [tilespmem:s14+$0x3010]  }
0x392: {  	v3 =	vld [tilespmem:s14+$0x3020]  }
0x393: {  	v4 =	vld [tilespmem:s14+$0x3030]  }
0x394: {  	v5 =	vld [tilespmem:s14+$0x3040]  }
0x395: {  	v6 =	vld [tilespmem:s14+$0x3050]  }
0x396: {  	v7 =	vld [tilespmem:s14+$0x3060]  }
0x397: {  	v0 =	vld.idx.msk [tilespmem:v0+s2+$0x0], $0xffff  }
0x398: {  	v1 =	vld.idx.msk [tilespmem:v1+s2+$0x0], $0xffff  }
0x399: {  	v2 =	vld.idx.msk [tilespmem:v2+s2+$0x0], $0xffff  }
0x39a: {  	v3 =	vld.idx.msk [tilespmem:v3+s2+$0x0], $0xffff  }
0x39b: {  	v4 =	vld.idx.msk [tilespmem:v4+s2+$0x0], $0xffff  }
0x39c: {  	v5 =	vld.idx.msk [tilespmem:v5+s2+$0x0], $0xffff  }
0x39d: {  	s12 =	sadd.s32 $0x100, s12;
	v6 =	vld.idx.msk [tilespmem:v6+s2+$0x0], $0xffff  }
0x39e: {  	v7 =	vld.idx.msk [tilespmem:v7+s2+$0x0], $0xffff;
	[tilespmem:s12+$0x0] =	vst v1  }
0x39f: {  	[tilespmem:s12+$0xFFFFFF90] =	vst v0  }
0x3a0: {  	[tilespmem:s12+$0xFFFFFFA0] =	vst v2  }
0x3a1: {  	[tilespmem:s12+$0xFFFFFFB0] =	vst v3  }
.Ltmp22:
0x3a2: {  	[tilespmem:s12+$0xFFFFFFC0] =	vst v4;
	(pc) =	sbr.rel @p0 .LBB2_46-.Ltmp22, $4  }
0x3a3: {  	[tilespmem:s12+$0xFFFFFFD0] =	vst v5  }
0x3a4: {  	[tilespmem:s12+$0xFFFFFFE0] =	vst v6  }
0x3a5: {  	s14 =	sshra.s32 s13, $0x2;
	[tilespmem:s12+$0xFFFFFFF0] =	vst v7  }
0x3a6: {  	s13 =	sadd.s32 $0x200, s13;
	v0 =	vld [tilespmem:s14+$0x3000]  }
0x3a7: {  	_ = 	snop  }
0x3a8: {  	v1 =	vld [tilespmem:s14+$0x3070]  }
0x3a9: {  	v2 =	vld [tilespmem:s14+$0x3010]  }
0x3aa: {  	v3 =	vld [tilespmem:s14+$0x3020]  }
0x3ab: {  	v4 =	vld [tilespmem:s14+$0x3030]  }
0x3ac: {  	v5 =	vld [tilespmem:s14+$0x3040]  }
0x3ad: {  	v6 =	vld [tilespmem:s14+$0x3050]  }
0x3ae: {  	v7 =	vld [tilespmem:s14+$0x3060]  }
0x3af: {  	v0 =	vld.idx.msk [tilespmem:v0+s2+$0x0], $0xffff  }
0x3b0: {  	v1 =	vld.idx.msk [tilespmem:v1+s2+$0x0], $0xffff  }
0x3b1: {  	v2 =	vld.idx.msk [tilespmem:v2+s2+$0x0], $0xffff  }
0x3b2: {  	v3 =	vld.idx.msk [tilespmem:v3+s2+$0x0], $0xffff  }
0x3b3: {  	v4 =	vld.idx.msk [tilespmem:v4+s2+$0x0], $0xffff  }
0x3b4: {  	v5 =	vld.idx.msk [tilespmem:v5+s2+$0x0], $0xffff  }
0x3b5: {  	s13 =	sadd.s32 $0x100, s12;
	v6 =	vld.idx.msk [tilespmem:v6+s2+$0x0], $0xffff  }
0x3b6: {  	v7 =	vld.idx.msk [tilespmem:v7+s2+$0x0], $0xffff;
	[tilespmem:s13+$0xFFFFFF90] =	vst v0  }
0x3b7: {  	[tilespmem:s13+$0x0] =	vst v1  }
0x3b8: {  	[tilespmem:s13+$0xFFFFFFA0] =	vst v2  }
0x3b9: {  	[tilespmem:s13+$0xFFFFFFB0] =	vst v3  }
0x3ba: {  	[tilespmem:s13+$0xFFFFFFC0] =	vst v4  }
0x3bb: {  	[tilespmem:s13+$0xFFFFFFD0] =	vst v5  }
0x3bc: {  	s12 =	simm.s32 $0x1C780;
	[tilespmem:s13+$0xFFFFFFE0] =	vst v6  }
0x3bd: {  	s15 =	sadd.s32 $0x0, s31;
	s14 =	simm.s32 $0x1C880;
	[tilespmem:s13+$0xFFFFFFF0] =	vst v7;
	s13 =	simm.s32 $0x80  }
.LBB2_48:
0x3be: {  	[hbm4b:s15+s1] =	stream.linear.scatter [tilespmem:s12], [sflag:$0x3], $0x80, $0x38;
	[tilespmem:$0x1E700] =	vst v63  }
0x3bf: {  	s15 =	smov.u32 s13;
	s12 =	smov.u32 s14;
	p0 =	sne.s32 s13, $0xF80  }
.Ltmp23:
0x3c0: {  	s13 =	sadd.s32 $0x80, s13;
	(pc) =	sbr.rel @p0 .LBB2_48-.Ltmp23, $2  }
0x3c1: {  	_ =	sdelay $0x2  }
0x3c2: {  	s14 =	sadd.s32 $0x100, s14;
	s15 =	sadd.s32 s15, s31  }
0x3c3: {  	[hbm4b:s15+s1] =	stream.linear.scatter [tilespmem:s12], [sflag:$0x3], $0x80, $0x38;
	[tilespmem:$0x1E700] =	vst v63  }
0x3c4: {  	s11 =	sadd.s32 $0x1, s11  }
0x3c5: {  	_ =	swait.ge [sflag:s10], $0x1000;
	p0 =	sne.s32 s11, s23  }
.Ltmp24:
0x3c6: {  	[sflag:s10] =	ssyncset.done $0x0;
	(pc) =	sbr.rel @p0 .LBB2_1-.Ltmp24, $4  }
0x3c7: {  	[sflag:s10] =	ssyncadd.s32 $0xFFFFF000  }
0x3c8: {  	_ =	swait.ge [sflag:s10], $0x1000  }
0x3c9: {  	[sflag:s10] =	ssyncset.done $0x0  }
0x3ca: {  	[sflag:s10] =	ssyncadd.s32 $0xFFFFF000  }
0x3cb: {  	_ =	sfence.sel $0x180000  }
0x3cc: {  	[bflag:$0x0] =	sbarrier.arrive $0xFFFF  }
0x3cd: {  	_ =	strace $0x90000047  }
0x3ce: {  	s0 =	stileid.u32;
	[bflag:$0x2] =	sbarrier.arrive $0xFFFF  }
0x3cf: {  	p0 =	sne.s32 s0, $0x0;
	s0 =	rddreg [dreg:$0x4]  }
0x3d0: {  	s0 =	sadd.s32 @!p0 $0x100000, s0  }
0x3d1: {  	[sflag:s0] =	ssyncadd.tile.s32 @!p0 $0x1;
	_ =	shalt  }
.Lfunc_end2:
_tile_overlayer_lowered:
.L_overlay_start_2:
0x3d2: {  	(tag) =	ssettag $0x2  }
0x3d3: {  	s0 =	rddreg [dreg:$0x0];
	s2 =	stileid.u32  }
0x3d4: {  	s1 =	rddreg [dreg:$0x1];
	p0 =	sne.s32 s2, $0x0  }
0x3d5: {  	s3 =	rddreg [dreg:$0x2];
	[bflag:$0x3] =	sbarrier.arrive $0xFFFF;
	s2 =	simm.s32 @!p0 $0x1C04  }
0x3d6: {  	[timem:s3], [sflag:s2] =	dma.local @!p0 [hbm:s0], s1  }
0x3d7: {  	s0 =	simm.s32 @!p0 $0x4  }
0x3d8: {  	_ =	swait.ge @!p0 [sflag:s0], s1  }
0x3d9: {  	s1 =	ssub.s32 @!p0 $0x0, s1;
	[sflag:s0] =	ssyncset.done @!p0 $0x0  }
0x3da: {  	[sflag:s0] =	ssyncadd.s32 @!p0 s1  }
0x3db: {  	[bflag:$0x3] =	sbarrier.arrive $0xFFFF  }
0x3dc: {  	_ =	shalt  }

</sc_bundles>
